<compile_context>
chip_gen: v7x
topology: tpu7x:2x2x1
jax: 0.10.2.dev20260603
libtpu: 0.0.44.dev20260713+nightly
codegen_flags: <defaults>
</compile_context>

<pallas_src>
import functools

import jax
import jax.numpy as jnp
from jax import lax
from jax.experimental import pallas as pl
from jax.experimental.pallas import tpu as pltpu
from jax.experimental.pallas import tpu_sc as plsc

N_NODES = 10000
N_EDGES = 320000
D_FEAT = 128
HIDDEN = 128
N_CLASSES = 16

NPAD = 10240
CHUNK = 100
NCHUNKS = N_EDGES // CHUNK
CPT = NCHUNKS // 32
ROWS_PT = NPAD // 16
ZROWS = 64

BM = 2000
GRID = N_NODES // BM
NBUF = 4
RING = 3

@functools.cache
def _mesh():
    return plsc.VectorSubcoreMesh(
        core_axis_name="c", subcore_axis_name="s", num_cores=2, num_subcores=16
    )


def _sc_degree(ei3, ones_hbm, zeros_hbm):

    @functools.partial(
        pl.kernel,
        out_type=jax.ShapeDtypeStruct((2, NPAD), jnp.float32),
        mesh=_mesh(),
        scratch_types=[
            pltpu.VMEM((CPT, CHUNK), jnp.int32),
            pltpu.VMEM((CHUNK,), jnp.float32),
            [pltpu.SemaphoreType.DMA] * NBUF,
            pltpu.VMEM_SHARED((NPAD,), jnp.float32),
        ],
    )
    def deg_kernel(ei_hbm, ones_h, zeros_h, out_hbm, idx_v, ones_v, sems, acc):
        c = lax.axis_index("c")
        s = lax.axis_index("s")
        pltpu.sync_copy(ones_h, ones_v)
        pltpu.sync_copy(ei_hbm.at[1, c * 16 + s], idx_v)
        pltpu.sync_copy(zeros_h, acc.at[pl.ds(s * ROWS_PT, ROWS_PT)])
        plsc.subcore_barrier()

        def scat(j, sem):
            pltpu.async_copy(ones_v, acc.at[idx_v.at[j]], sem, add=True)

        def swait(j, sem):
            pltpu.make_async_copy(ones_v, acc.at[idx_v.at[j]], sem).wait()

        for b in range(NBUF):
            scat(b, sems[b])

        @pl.loop(0, CPT // NBUF - 1)
        def _(p):
            j = NBUF * p
            for b in range(NBUF):
                swait(j + b, sems[b])
                scat(j + NBUF + b, sems[b])

        for b in range(NBUF):
            swait(CPT - NBUF + b, sems[b])

        plsc.subcore_barrier()
        pltpu.sync_copy(acc.at[pl.ds(s * ROWS_PT, ROWS_PT)],
                        out_hbm.at[c, pl.ds(s * ROWS_PT, ROWS_PT)])

    return deg_kernel(ei3, ones_hbm, zeros_hbm)


def _sc_aggregate(h, ei3, zeros_hbm, width):

    @functools.partial(
        pl.kernel,
        out_type=jax.ShapeDtypeStruct((2, NPAD, width), jnp.float32),
        mesh=_mesh(),
        scratch_types=[
            [pltpu.VMEM((1, CHUNK), jnp.int32)] * RING,
            [pltpu.VMEM((1, CHUNK), jnp.int32)] * RING,
            [pltpu.VMEM((CHUNK, width), jnp.float32)] * RING,
            [pltpu.SemaphoreType.DMA] * RING,
            [pltpu.SemaphoreType.DMA] * RING,
            [pltpu.SemaphoreType.DMA] * RING,
            [pltpu.SemaphoreType.DMA] * RING,
            pltpu.VMEM_SHARED((NPAD, width), jnp.float32),
        ],
    )
    def agg_kernel(h_hbm, ei_hbm, z_hbm, out_hbm,
                   sidx, didx, rows, s_isems, d_isems, gsems, ssems, acc):
        c = lax.axis_index("c")
        s = lax.axis_index("s")
        w = c * 16 + s

        def iload_s(j, b):
            pltpu.async_copy(ei_hbm.at[pl.ds(0, 1), w, j], sidx[b], s_isems[b])

        def iwait_s(j, b):
            pltpu.make_async_copy(
                ei_hbm.at[pl.ds(0, 1), w, j], sidx[b], s_isems[b]).wait()

        def iload_d(j, b):
            pltpu.async_copy(ei_hbm.at[pl.ds(1, 1), w, j], didx[b], d_isems[b])

        def iwait_d(j, b):
            pltpu.make_async_copy(
                ei_hbm.at[pl.ds(1, 1), w, j], didx[b], d_isems[b]).wait()

        def gather(j, b):
            pltpu.async_copy(h_hbm.at[sidx[b].at[0]], rows[b], gsems[b])

        def gwait(j, b):
            pltpu.make_async_copy(h_hbm.at[sidx[b].at[0]], rows[b], gsems[b]).wait()

        def scat(j, b):
            pltpu.async_copy(rows[b], acc.at[didx[b].at[0]], ssems[b], add=True)

        def swait(j, b):
            pltpu.make_async_copy(rows[b], acc.at[didx[b].at[0]], ssems[b]).wait()

        for b in range(RING):
            iload_s(b, b)
            iload_d(b, b)
        for b in range(RING):
            iwait_s(b, b)
            gather(b, b)
        pltpu.sync_copy(z_hbm, acc.at[pl.ds(s * ROWS_PT, ROWS_PT)])
        plsc.subcore_barrier()

        @pl.loop(0, (CPT - 1) // RING)
        def _(p):
            j = RING * p
            for b in range(RING):
                gwait(j + b, b)
                iwait_d(j + b, b)
                scat(j + b, b)

                @pl.when(j + RING + b < CPT)
                def _():
                    iload_s(j + RING + b, b)

            for b in range(RING):
                swait(j + b, b)

                @pl.when(j + RING + b < CPT)
                def _():
                    iload_d(j + RING + b, b)
                    iwait_s(j + RING + b, b)
                    gather(j + RING + b, b)

        jl = CPT - 1
        bl = jl % RING
        gwait(jl, bl)
        iwait_d(jl, bl)
        scat(jl, bl)
        swait(jl, bl)

        plsc.subcore_barrier()
        pltpu.sync_copy(acc.at[pl.ds(s * ROWS_PT, ROWS_PT)],
                        out_hbm.at[c, pl.ds(s * ROWS_PT, ROWS_PT)])

    return agg_kernel(h, ei3, zeros_hbm)


def _tc_stage_a(x, W1):

    def body(x_ref, w_ref, o_ref):
        xb = x_ref[...]
        xc = xb - jnp.mean(xb, axis=1, keepdims=True)
        xs = jnp.sign(xc)
        o_ref[...] = jnp.dot(xs, w_ref[...], preferred_element_type=jnp.float32)

    return pl.pallas_call(
        body,
        grid=(GRID,),
        in_specs=[
            pl.BlockSpec((BM, D_FEAT), lambda i: (i, 0)),
            pl.BlockSpec((D_FEAT, HIDDEN), lambda i: (0, 0)),
        ],
        out_specs=pl.BlockSpec((BM, HIDDEN), lambda i: (i, 0)),
        out_shape=jax.ShapeDtypeStruct((N_NODES, HIDDEN), jnp.float32),
    )(x, W1)


def _tc_scale(h1, degp3):

    def body(h_ref, d_ref, o_ref):
        dinv = lax.rsqrt(d_ref[0] + d_ref[1] + 1.0)
        o_ref[...] = dinv * h_ref[...]

    return pl.pallas_call(
        body,
        grid=(GRID,),
        in_specs=[
            pl.BlockSpec((BM, HIDDEN), lambda i: (i, 0)),
            pl.BlockSpec((2, BM, 1), lambda i: (0, i, 0)),
        ],
        out_specs=pl.BlockSpec((BM, HIDDEN), lambda i: (i, 0)),
        out_shape=jax.ShapeDtypeStruct((N_NODES, HIDDEN), jnp.float32),
    )(h1, degp3)


def _tc_stage_b(S1, h1p, degp3, b1):

    def body(sp_ref, h_ref, d_ref, b_ref, o_ref):
        dinv = lax.rsqrt(d_ref[0] + d_ref[1] + 1.0)
        agg = dinv * (sp_ref[0] + sp_ref[1] + h_ref[...]) + b_ref[...]
        o_ref[...] = dinv * jnp.sign(agg)

    return pl.pallas_call(
        body,
        grid=(GRID,),
        in_specs=[
            pl.BlockSpec((2, BM, HIDDEN), lambda i: (0, i, 0)),
            pl.BlockSpec((BM, HIDDEN), lambda i: (i, 0)),
            pl.BlockSpec((2, BM, 1), lambda i: (0, i, 0)),
            pl.BlockSpec((1, HIDDEN), lambda i: (0, 0)),
        ],
        out_specs=pl.BlockSpec((BM, HIDDEN), lambda i: (i, 0)),
        out_shape=jax.ShapeDtypeStruct((N_NODES, HIDDEN), jnp.float32),
    )(S1, h1p, degp3, b1.reshape(1, HIDDEN))


def _tc_stage_c(S2, s1p, degp3, W2, b2):

    def body(sp_ref, h_ref, d_ref, w_ref, b_ref, o_ref):
        dinv = lax.rsqrt(d_ref[0] + d_ref[1] + 1.0)
        agg = dinv * (sp_ref[0] + sp_ref[1] + h_ref[...])
        z = jnp.dot(agg, w_ref[...], preferred_element_type=jnp.float32)
        z = z + b_ref[...]
        zz = z - jnp.max(z, axis=1, keepdims=True)
        lse = jnp.log(jnp.sum(jnp.exp(zz), axis=1, keepdims=True))
        o_ref[...] = zz - lse

    return pl.pallas_call(
        body,
        grid=(GRID,),
        in_specs=[
            pl.BlockSpec((2, BM, HIDDEN), lambda i: (0, i, 0)),
            pl.BlockSpec((BM, HIDDEN), lambda i: (i, 0)),
            pl.BlockSpec((2, BM, 1), lambda i: (0, i, 0)),
            pl.BlockSpec((HIDDEN, N_CLASSES), lambda i: (0, 0)),
            pl.BlockSpec((1, N_CLASSES), lambda i: (0, 0)),
        ],
        out_specs=pl.BlockSpec((BM, N_CLASSES), lambda i: (i, 0)),
        out_shape=jax.ShapeDtypeStruct((N_NODES, N_CLASSES), jnp.float32),
    )(S2, s1p, degp3, W2, b2.reshape(1, N_CLASSES))


def kernel(x, edge_index, W1, b1, W2, b2):
    ei3 = edge_index.astype(jnp.int32).reshape(2, 32, CPT, CHUNK)
    ones_e = jnp.ones((CHUNK,), jnp.float32)
    z1 = jnp.zeros((ROWS_PT,), jnp.float32)
    z128 = jnp.zeros((ROWS_PT, HIDDEN), jnp.float32)

    degp = _sc_degree(ei3, ones_e, z1)
    degp3 = degp.reshape(2, NPAD, 1)
    h1 = _tc_stage_a(x, W1)
    h1p = _tc_scale(h1, degp3)
    S1 = _sc_aggregate(h1p, ei3, z128, HIDDEN)
    s1p = _tc_stage_b(S1, h1p, degp3, b1)
    S2 = _sc_aggregate(s1p, ei3, z128, HIDDEN)
    return _tc_stage_c(S2, s1p, degp3, W2, b2)

# --- scband reference (transcript-rebuilt; emitter-appended) ---
"""Pipeline reference for scband-net-38147899523751 (READ-ONLY COPY).

The authoritative reference and input builder live on the scoring server;
editing this copy changes nothing except your own understanding.
"""

import jax, jax.numpy as jnp
import numpy as np

N_NODES = 10000
N_EDGES = 320000
D_FEAT = 128
HIDDEN = 128
N_CLASSES = 16


def binactive(x):
    # BinActive forward: sign(x); backward uses STE (irrelevant for fwd-only)
    return jnp.sign(x)


def gcn_conv(x, edge_index, W, b, n):
    src = edge_index[0]
    dst = edge_index[1]
    # add self-loops (GCNConv default)
    loop = jnp.arange(n, dtype=src.dtype)
    src = jnp.concatenate([src, loop])
    dst = jnp.concatenate([dst, loop])
    # symmetric normalization D^-1/2 (A+I) D^-1/2
    deg = jnp.zeros((n,), dtype=x.dtype).at[dst].add(1.0)
    dinv = jax.lax.rsqrt(jnp.maximum(deg, 1.0))
    norm = dinv[src] * dinv[dst]
    h = x @ W
    msg = h[src] * norm[:, None]
    out = jnp.zeros((n, W.shape[1]), dtype=x.dtype).at[dst].add(msg)
    return out + b


def setup_inputs(seed: int = 0) -> dict:
    key = jax.random.key(seed)
    k1, k2, k3, k4 = jax.random.split(key, 4)
    x = jax.random.normal(k1, (N_NODES, D_FEAT), dtype=jnp.float32)
    edge_index = jax.random.randint(k2, (2, N_EDGES), 0, N_NODES, dtype=jnp.int64)
    s1 = (6.0 / (D_FEAT + HIDDEN)) ** 0.5
    s2 = (6.0 / (HIDDEN + N_CLASSES)) ** 0.5
    W1 = jax.random.uniform(k3, (D_FEAT, HIDDEN), jnp.float32, -s1, s1)
    b1 = jnp.zeros((HIDDEN,), jnp.float32)
    W2 = jax.random.uniform(k4, (HIDDEN, N_CLASSES), jnp.float32, -s2, s2)
    b2 = jnp.zeros((N_CLASSES,), jnp.float32)
    return {"x": x, "edge_index": edge_index, "W1": W1, "b1": b1, "W2": W2, "b2": b2}


def reference(x, edge_index, W1, b1, W2, b2):
    n = x.shape[0]
    # per-row standardization as in original forward
    x = x - x.mean(axis=1, keepdims=True)
    x = x / (x.std(axis=1, ddof=1, keepdims=True) + 1e-4)
    x = binactive(x)
    # dropout inactive in eval mode
    x = gcn_conv(x, edge_index, W1, b1, n)
    x = binactive(x)
    x = gcn_conv(x, edge_index, W2, b2, n)
    return jax.nn.log_softmax(x, axis=1)

if __name__ == "__main__":
    import jax
    _d = setup_inputs()
    print(jax.jit(kernel)(*tuple(_d.values())))

</pallas_src>

<mosaic_0001>
#map = affine_map<(d0, d1) -> (0, 0)>
#map1 = affine_map<(d0, d1) -> (0, 0, 0, 0)>
#map2 = affine_map<(d0, d1) -> (0, 0, 0)>
module attributes {stable_mosaic.version = 14 : i64} {
  func.func @agg_kernel(%arg0: i32, %arg1: i32, %arg2: memref<10000x128xf32, #tpu.memory_space<hbm>>, %arg3: memref<2x32x100x100xi32, #tpu.memory_space<hbm>>, %arg4: memref<640x128xf32, #tpu.memory_space<hbm>>, %arg5: memref<2x10240x128xf32, #tpu.memory_space<hbm>>, %arg6: memref<1x100xi32, #tpu.memory_space<vmem>>, %arg7: memref<1x100xi32, #tpu.memory_space<vmem>>, %arg8: memref<1x100xi32, #tpu.memory_space<vmem>>, %arg9: memref<1x100xi32, #tpu.memory_space<vmem>>, %arg10: memref<1x100xi32, #tpu.memory_space<vmem>>, %arg11: memref<1x100xi32, #tpu.memory_space<vmem>>, %arg12: memref<100x128xf32, #tpu.memory_space<vmem>>, %arg13: memref<100x128xf32, #tpu.memory_space<vmem>>, %arg14: memref<100x128xf32, #tpu.memory_space<vmem>>, %arg15: memref<!tpu.dma_semaphore, #tpu.memory_space<semaphore_mem>>, %arg16: memref<!tpu.dma_semaphore, #tpu.memory_space<semaphore_mem>>, %arg17: memref<!tpu.dma_semaphore, #tpu.memory_space<semaphore_mem>>, %arg18: memref<!tpu.dma_semaphore, #tpu.memory_space<semaphore_mem>>, %arg19: memref<!tpu.dma_semaphore, #tpu.memory_space<semaphore_mem>>, %arg20: memref<!tpu.dma_semaphore, #tpu.memory_space<semaphore_mem>>, %arg21: memref<!tpu.dma_semaphore, #tpu.memory_space<semaphore_mem>>, %arg22: memref<!tpu.dma_semaphore, #tpu.memory_space<semaphore_mem>>, %arg23: memref<!tpu.dma_semaphore, #tpu.memory_space<semaphore_mem>>, %arg24: memref<!tpu.dma_semaphore, #tpu.memory_space<semaphore_mem>>, %arg25: memref<!tpu.dma_semaphore, #tpu.memory_space<semaphore_mem>>, %arg26: memref<!tpu.dma_semaphore, #tpu.memory_space<semaphore_mem>>, %arg27: memref<10240x128xf32, #tpu.memory_space<vmem_shared>>) attributes {dimension_semantics = [#tpu.dimension_semantics<core_parallel>, #tpu.dimension_semantics<subcore_parallel>], iteration_bounds = array<i64: 2, 16>, scalar_prefetch = 0 : i64, scratch_operands = 22 : i64, tpu.core_type = #tpu.core_type<sc_vector_subcore>, window_params = [{transform_indices = #map}, {transform_indices = #map1}, {transform_indices = #map}, {transform_indices = #map2}]} {
    %mul3A = arith.constant 16 : i32
    %mul3A_0 = arith.muli %arg0, %mul3A : i32
    %add3A = arith.addi %mul3A_0, %arg1 : i32
    %dma_start3A = arith.constant 0 : i32
    %dma_start3A_1 = arith.constant 0 : i32
    %dma_start3A_2 = arith.constant 0 : i32
    %dma_start3A_3 = tpu.memref_slice %arg3[%dma_start3A_1, %add3A, %dma_start3A, %dma_start3A_2] : memref<2x32x100x100xi32, #tpu.memory_space<hbm>> -> memref<1x1x1x100xi32, #tpu.memory_space<hbm>>
    %dma_start3A_4 = tpu.memref_squeeze %dma_start3A_3 : memref<1x1x1x100xi32, #tpu.memory_space<hbm>> -> memref<1x100xi32, #tpu.memory_space<hbm>>
    %dma_start3A_5 = arith.constant 0 : i32
    %dma_start3A_6 = arith.constant 0 : i32
    %dma_start3A_7 = tpu.memref_slice %arg3[%dma_start3A_5, %add3A, %dma_start3A, %dma_start3A_6] : memref<2x32x100x100xi32, #tpu.memory_space<hbm>> -> memref<1x1x1x100xi32, #tpu.memory_space<hbm>>
    %dma_start3A_8 = tpu.memref_squeeze %dma_start3A_7 : memref<1x1x1x100xi32, #tpu.memory_space<hbm>> -> memref<1x100xi32, #tpu.memory_space<hbm>>
    tpu.enqueue_dma source(%dma_start3A_8 : memref<1x100xi32, #tpu.memory_space<hbm>>) target(%arg6 : memref<1x100xi32, #tpu.memory_space<vmem>>) target_semaphore(%arg15 : memref<!tpu.dma_semaphore, #tpu.memory_space<semaphore_mem>>)
    %dma_start3A_9 = arith.constant 0 : i32
    %dma_start3A_10 = arith.constant 1 : i32
    %dma_start3A_11 = arith.constant 0 : i32
    %dma_start3A_12 = tpu.memref_slice %arg3[%dma_start3A_10, %add3A, %dma_start3A_9, %dma_start3A_11] : memref<2x32x100x100xi32, #tpu.memory_space<hbm>> -> memref<1x1x1x100xi32, #tpu.memory_space<hbm>>
    %dma_start3A_13 = tpu.memref_squeeze %dma_start3A_12 : memref<1x1x1x100xi32, #tpu.memory_space<hbm>> -> memref<1x100xi32, #tpu.memory_space<hbm>>
    %dma_start3A_14 = arith.constant 1 : i32
    %dma_start3A_15 = arith.constant 0 : i32
    %dma_start3A_16 = tpu.memref_slice %arg3[%dma_start3A_14, %add3A, %dma_start3A_9, %dma_start3A_15] : memref<2x32x100x100xi32, #tpu.memory_space<hbm>> -> memref<1x1x1x100xi32, #tpu.memory_space<hbm>>
    %dma_start3A_17 = tpu.memref_squeeze %dma_start3A_16 : memref<1x1x1x100xi32, #tpu.memory_space<hbm>> -> memref<1x100xi32, #tpu.memory_space<hbm>>
    tpu.enqueue_dma source(%dma_start3A_17 : memref<1x100xi32, #tpu.memory_space<hbm>>) target(%arg9 : memref<1x100xi32, #tpu.memory_space<vmem>>) target_semaphore(%arg18 : memref<!tpu.dma_semaphore, #tpu.memory_space<semaphore_mem>>)
    %dma_start3A_18 = arith.constant 1 : i32
    %dma_start3A_19 = arith.constant 0 : i32
    %dma_start3A_20 = arith.constant 0 : i32
    %dma_start3A_21 = tpu.memref_slice %arg3[%dma_start3A_19, %add3A, %dma_start3A_18, %dma_start3A_20] : memref<2x32x100x100xi32, #tpu.memory_space<hbm>> -> memref<1x1x1x100xi32, #tpu.memory_space<hbm>>
    %dma_start3A_22 = tpu.memref_squeeze %dma_start3A_21 : memref<1x1x1x100xi32, #tpu.memory_space<hbm>> -> memref<1x100xi32, #tpu.memory_space<hbm>>
    %dma_start3A_23 = arith.constant 0 : i32
    %dma_start3A_24 = arith.constant 0 : i32
    %dma_start3A_25 = tpu.memref_slice %arg3[%dma_start3A_23, %add3A, %dma_start3A_18, %dma_start3A_24] : memref<2x32x100x100xi32, #tpu.memory_space<hbm>> -> memref<1x1x1x100xi32, #tpu.memory_space<hbm>>
    %dma_start3A_26 = tpu.memref_squeeze %dma_start3A_25 : memref<1x1x1x100xi32, #tpu.memory_space<hbm>> -> memref<1x100xi32, #tpu.memory_space<hbm>>
    tpu.enqueue_dma source(%dma_start3A_26 : memref<1x100xi32, #tpu.memory_space<hbm>>) target(%arg7 : memref<1x100xi32, #tpu.memory_space<vmem>>) target_semaphore(%arg16 : memref<!tpu.dma_semaphore, #tpu.memory_space<semaphore_mem>>)
    %dma_start3A_27 = arith.constant 1 : i32
    %dma_start3A_28 = arith.constant 1 : i32
    %dma_start3A_29 = arith.constant 0 : i32
    %dma_start3A_30 = tpu.memref_slice %arg3[%dma_start3A_28, %add3A, %dma_start3A_27, %dma_start3A_29] : memref<2x32x100x100xi32, #tpu.memory_space<hbm>> -> memref<1x1x1x100xi32, #tpu.memory_space<hbm>>
    %dma_start3A_31 = tpu.memref_squeeze %dma_start3A_30 : memref<1x1x1x100xi32, #tpu.memory_space<hbm>> -> memref<1x100xi32, #tpu.memory_space<hbm>>
    %dma_start3A_32 = arith.constant 1 : i32
    %dma_start3A_33 = arith.constant 0 : i32
    %dma_start3A_34 = tpu.memref_slice %arg3[%dma_start3A_32, %add3A, %dma_start3A_27, %dma_start3A_33] : memref<2x32x100x100xi32, #tpu.memory_space<hbm>> -> memref<1x1x1x100xi32, #tpu.memory_space<hbm>>
    %dma_start3A_35 = tpu.memref_squeeze %dma_start3A_34 : memref<1x1x1x100xi32, #tpu.memory_space<hbm>> -> memref<1x100xi32, #tpu.memory_space<hbm>>
    tpu.enqueue_dma source(%dma_start3A_35 : memref<1x100xi32, #tpu.memory_space<hbm>>) target(%arg10 : memref<1x100xi32, #tpu.memory_space<vmem>>) target_semaphore(%arg19 : memref<!tpu.dma_semaphore, #tpu.memory_space<semaphore_mem>>)
    %dma_start3A_36 = arith.constant 2 : i32
    %dma_start3A_37 = arith.constant 0 : i32
    %dma_start3A_38 = arith.constant 0 : i32
    %dma_start3A_39 = tpu.memref_slice %arg3[%dma_start3A_37, %add3A, %dma_start3A_36, %dma_start3A_38] : memref<2x32x100x100xi32, #tpu.memory_space<hbm>> -> memref<1x1x1x100xi32, #tpu.memory_space<hbm>>
    %dma_start3A_40 = tpu.memref_squeeze %dma_start3A_39 : memref<1x1x1x100xi32, #tpu.memory_space<hbm>> -> memref<1x100xi32, #tpu.memory_space<hbm>>
    %dma_start3A_41 = arith.constant 0 : i32
    %dma_start3A_42 = arith.constant 0 : i32
    %dma_start3A_43 = tpu.memref_slice %arg3[%dma_start3A_41, %add3A, %dma_start3A_36, %dma_start3A_42] : memref<2x32x100x100xi32, #tpu.memory_space<hbm>> -> memref<1x1x1x100xi32, #tpu.memory_space<hbm>>
    %dma_start3A_44 = tpu.memref_squeeze %dma_start3A_43 : memref<1x1x1x100xi32, #tpu.memory_space<hbm>> -> memref<1x100xi32, #tpu.memory_space<hbm>>
    tpu.enqueue_dma source(%dma_start3A_44 : memref<1x100xi32, #tpu.memory_space<hbm>>) target(%arg8 : memref<1x100xi32, #tpu.memory_space<vmem>>) target_semaphore(%arg17 : memref<!tpu.dma_semaphore, #tpu.memory_space<semaphore_mem>>)
    %dma_start3A_45 = arith.constant 2 : i32
    %dma_start3A_46 = arith.constant 1 : i32
    %dma_start3A_47 = arith.constant 0 : i32
    %dma_start3A_48 = tpu.memref_slice %arg3[%dma_start3A_46, %add3A, %dma_start3A_45, %dma_start3A_47] : memref<2x32x100x100xi32, #tpu.memory_space<hbm>> -> memref<1x1x1x100xi32, #tpu.memory_space<hbm>>
    %dma_start3A_49 = tpu.memref_squeeze %dma_start3A_48 : memref<1x1x1x100xi32, #tpu.memory_space<hbm>> -> memref<1x100xi32, #tpu.memory_space<hbm>>
    %dma_start3A_50 = arith.constant 1 : i32
    %dma_start3A_51 = arith.constant 0 : i32
    %dma_start3A_52 = tpu.memref_slice %arg3[%dma_start3A_50, %add3A, %dma_start3A_45, %dma_start3A_51] : memref<2x32x100x100xi32, #tpu.memory_space<hbm>> -> memref<1x1x1x100xi32, #tpu.memory_space<hbm>>
    %dma_start3A_53 = tpu.memref_squeeze %dma_start3A_52 : memref<1x1x1x100xi32, #tpu.memory_space<hbm>> -> memref<1x100xi32, #tpu.memory_space<hbm>>
    tpu.enqueue_dma source(%dma_start3A_53 : memref<1x100xi32, #tpu.memory_space<hbm>>) target(%arg11 : memref<1x100xi32, #tpu.memory_space<vmem>>) target_semaphore(%arg20 : memref<!tpu.dma_semaphore, #tpu.memory_space<semaphore_mem>>)
    %dma_wait3A = arith.constant 0 : i32
    %dma_wait3A_54 = arith.constant 0 : i32
    %dma_wait3A_55 = arith.constant 0 : i32
    %dma_wait3A_56 = tpu.memref_slice %arg3[%dma_wait3A_54, %add3A, %dma_wait3A, %dma_wait3A_55] : memref<2x32x100x100xi32, #tpu.memory_space<hbm>> -> memref<1x1x1x100xi32, #tpu.memory_space<hbm>>
    %dma_wait3A_57 = tpu.memref_squeeze %dma_wait3A_56 : memref<1x1x1x100xi32, #tpu.memory_space<hbm>> -> memref<1x100xi32, #tpu.memory_space<hbm>>
    %dma_wait3A_58 = arith.constant 0 : i32
    %dma_wait3A_59 = arith.constant 0 : i32
    %dma_wait3A_60 = tpu.memref_slice %arg3[%dma_wait3A_58, %add3A, %dma_wait3A, %dma_wait3A_59] : memref<2x32x100x100xi32, #tpu.memory_space<hbm>> -> memref<1x1x1x100xi32, #tpu.memory_space<hbm>>
    %dma_wait3A_61 = tpu.memref_squeeze %dma_wait3A_60 : memref<1x1x1x100xi32, #tpu.memory_space<hbm>> -> memref<1x100xi32, #tpu.memory_space<hbm>>
    tpu.wait_dma2 semaphore(%arg15 : memref<!tpu.dma_semaphore, #tpu.memory_space<semaphore_mem>>) src(%dma_wait3A_61 : memref<1x100xi32, #tpu.memory_space<hbm>>) dst(%arg6 : memref<1x100xi32, #tpu.memory_space<vmem>>)
    %dma_start3A_62 = arith.constant 0 : i32
    %dma_start3A_63 = arith.constant 0 : i32
    %dma_start3A_64 = tpu.memref_slice %arg6[%dma_start3A_62, %dma_start3A_63] : memref<1x100xi32, #tpu.memory_space<vmem>> -> memref<1x100xi32, #tpu.memory_space<vmem>>
    %dma_start3A_65 = tpu.memref_squeeze %dma_start3A_64 : memref<1x100xi32, #tpu.memory_space<vmem>> -> memref<100xi32, #tpu.memory_space<vmem>>
    %dma_start3A_66 = arith.constant 0 : i32
    %dma_start3A_67 = arith.constant 0 : i32
    %dma_start3A_68 = tpu.memref_slice %arg2[%dma_start3A_66, %dma_start3A_67] : memref<10000x128xf32, #tpu.memory_space<hbm>> -> memref<10000x128xf32, #tpu.memory_space<hbm>>
    tpu.enqueue_indirect_dma source(%dma_start3A_68 : memref<10000x128xf32, #tpu.memory_space<hbm>>) target(%arg12 : memref<100x128xf32, #tpu.memory_space<vmem>>) offsets(%dma_start3A_65 : memref<100xi32, #tpu.memory_space<vmem>>) semaphore(%arg21 : memref<!tpu.dma_semaphore, #tpu.memory_space<semaphore_mem>>)
    %dma_wait3A_69 = arith.constant 1 : i32
    %dma_wait3A_70 = arith.constant 0 : i32
    %dma_wait3A_71 = arith.constant 0 : i32
    %dma_wait3A_72 = tpu.memref_slice %arg3[%dma_wait3A_70, %add3A, %dma_wait3A_69, %dma_wait3A_71] : memref<2x32x100x100xi32, #tpu.memory_space<hbm>> -> memref<1x1x1x100xi32, #tpu.memory_space<hbm>>
    %dma_wait3A_73 = tpu.memref_squeeze %dma_wait3A_72 : memref<1x1x1x100xi32, #tpu.memory_space<hbm>> -> memref<1x100xi32, #tpu.memory_space<hbm>>
    %dma_wait3A_74 = arith.constant 0 : i32
    %dma_wait3A_75 = arith.constant 0 : i32
    %dma_wait3A_76 = tpu.memref_slice %arg3[%dma_wait3A_74, %add3A, %dma_wait3A_69, %dma_wait3A_75] : memref<2x32x100x100xi32, #tpu.memory_space<hbm>> -> memref<1x1x1x100xi32, #tpu.memory_space<hbm>>
    %dma_wait3A_77 = tpu.memref_squeeze %dma_wait3A_76 : memref<1x1x1x100xi32, #tpu.memory_space<hbm>> -> memref<1x100xi32, #tpu.memory_space<hbm>>
    tpu.wait_dma2 semaphore(%arg16 : memref<!tpu.dma_semaphore, #tpu.memory_space<semaphore_mem>>) src(%dma_wait3A_77 : memref<1x100xi32, #tpu.memory_space<hbm>>) dst(%arg7 : memref<1x100xi32, #tpu.memory_space<vmem>>)
    %dma_start3A_78 = arith.constant 0 : i32
    %dma_start3A_79 = arith.constant 0 : i32
    %dma_start3A_80 = tpu.memref_slice %arg7[%dma_start3A_78, %dma_start3A_79] : memref<1x100xi32, #tpu.memory_space<vmem>> -> memref<1x100xi32, #tpu.memory_space<vmem>>
    %dma_start3A_81 = tpu.memref_squeeze %dma_start3A_80 : memref<1x100xi32, #tpu.memory_space<vmem>> -> memref<100xi32, #tpu.memory_space<vmem>>
    %dma_start3A_82 = arith.constant 0 : i32
    %dma_start3A_83 = arith.constant 0 : i32
    %dma_start3A_84 = tpu.memref_slice %arg2[%dma_start3A_82, %dma_start3A_83] : memref<10000x128xf32, #tpu.memory_space<hbm>> -> memref<10000x128xf32, #tpu.memory_space<hbm>>
    tpu.enqueue_indirect_dma source(%dma_start3A_84 : memref<10000x128xf32, #tpu.memory_space<hbm>>) target(%arg13 : memref<100x128xf32, #tpu.memory_space<vmem>>) offsets(%dma_start3A_81 : memref<100xi32, #tpu.memory_space<vmem>>) semaphore(%arg22 : memref<!tpu.dma_semaphore, #tpu.memory_space<semaphore_mem>>)
    %dma_wait3A_85 = arith.constant 2 : i32
    %dma_wait3A_86 = arith.constant 0 : i32
    %dma_wait3A_87 = arith.constant 0 : i32
    %dma_wait3A_88 = tpu.memref_slice %arg3[%dma_wait3A_86, %add3A, %dma_wait3A_85, %dma_wait3A_87] : memref<2x32x100x100xi32, #tpu.memory_space<hbm>> -> memref<1x1x1x100xi32, #tpu.memory_space<hbm>>
    %dma_wait3A_89 = tpu.memref_squeeze %dma_wait3A_88 : memref<1x1x1x100xi32, #tpu.memory_space<hbm>> -> memref<1x100xi32, #tpu.memory_space<hbm>>
    %dma_wait3A_90 = arith.constant 0 : i32
    %dma_wait3A_91 = arith.constant 0 : i32
    %dma_wait3A_92 = tpu.memref_slice %arg3[%dma_wait3A_90, %add3A, %dma_wait3A_85, %dma_wait3A_91] : memref<2x32x100x100xi32, #tpu.memory_space<hbm>> -> memref<1x1x1x100xi32, #tpu.memory_space<hbm>>
    %dma_wait3A_93 = tpu.memref_squeeze %dma_wait3A_92 : memref<1x1x1x100xi32, #tpu.memory_space<hbm>> -> memref<1x100xi32, #tpu.memory_space<hbm>>
    tpu.wait_dma2 semaphore(%arg17 : memref<!tpu.dma_semaphore, #tpu.memory_space<semaphore_mem>>) src(%dma_wait3A_93 : memref<1x100xi32, #tpu.memory_space<hbm>>) dst(%arg8 : memref<1x100xi32, #tpu.memory_space<vmem>>)
    %dma_start3A_94 = arith.constant 0 : i32
    %dma_start3A_95 = arith.constant 0 : i32
    %dma_start3A_96 = tpu.memref_slice %arg8[%dma_start3A_94, %dma_start3A_95] : memref<1x100xi32, #tpu.memory_space<vmem>> -> memref<1x100xi32, #tpu.memory_space<vmem>>
    %dma_start3A_97 = tpu.memref_squeeze %dma_start3A_96 : memref<1x100xi32, #tpu.memory_space<vmem>> -> memref<100xi32, #tpu.memory_space<vmem>>
    %dma_start3A_98 = arith.constant 0 : i32
    %dma_start3A_99 = arith.constant 0 : i32
    %dma_start3A_100 = tpu.memref_slice %arg2[%dma_start3A_98, %dma_start3A_99] : memref<10000x128xf32, #tpu.memory_space<hbm>> -> memref<10000x128xf32, #tpu.memory_space<hbm>>
    tpu.enqueue_indirect_dma source(%dma_start3A_100 : memref<10000x128xf32, #tpu.memory_space<hbm>>) target(%arg14 : memref<100x128xf32, #tpu.memory_space<vmem>>) offsets(%dma_start3A_97 : memref<100xi32, #tpu.memory_space<vmem>>) semaphore(%arg23 : memref<!tpu.dma_semaphore, #tpu.memory_space<semaphore_mem>>)
    %mul3A_101 = arith.constant 640 : i32
    %mul3A_102 = arith.muli %arg1, %mul3A_101 : i32
    "tpu.region"() ({
      %run_scoped3A = tpu.sem_alloc : memref<!tpu.dma_semaphore, #tpu.memory_space<semaphore_mem>>
      %dma_start3A_142 = arith.constant 0 : i32
      %dma_start3A_143 = tpu.memref_slice %arg27[%mul3A_102, %dma_start3A_142] : memref<10240x128xf32, #tpu.memory_space<vmem_shared>> -> memref<640x128xf32, #tpu.memory_space<vmem_shared>>
      tpu.enqueue_dma source(%arg4 : memref<640x128xf32, #tpu.memory_space<hbm>>) target(%dma_start3A_143 : memref<640x128xf32, #tpu.memory_space<vmem_shared>>) target_semaphore(%run_scoped3A : memref<!tpu.dma_semaphore, #tpu.memory_space<semaphore_mem>>)
      %dma_wait3A_144 = arith.constant 0 : i32
      %dma_wait3A_145 = tpu.memref_slice %arg27[%mul3A_102, %dma_wait3A_144] : memref<10240x128xf32, #tpu.memory_space<vmem_shared>> -> memref<640x128xf32, #tpu.memory_space<vmem_shared>>
      tpu.wait_dma2 semaphore(%run_scoped3A : memref<!tpu.dma_semaphore, #tpu.memory_space<semaphore_mem>>) src(%arg4 : memref<640x128xf32, #tpu.memory_space<hbm>>) dst(%dma_wait3A_145 : memref<640x128xf32, #tpu.memory_space<vmem_shared>>)
      tpu.yield
    }) : () -> ()
    %barrier3A = arith.constant 0 : index
    tpu.barrier barrier_id(%barrier3A)
    %scan3A = arith.constant 0 : i32
    %scan3A_103 = arith.constant 33 : i32
    %scan3A_104 = arith.addi %scan3A, %scan3A_103 : i32
    %scan3A_105 = arith.constant 1 : i32
    scf.for %scan3A_142 = %scan3A to %scan3A_104 step %scan3A_105  : i32 {
      %mul3A_143 = arith.constant 1 : i32
      %mul3A_144 = arith.muli %scan3A_142, %mul3A_143 : i32
      %add3A_145 = arith.constant 0 : i32
      %add3A_146 = arith.addi %add3A_145, %mul3A_144 : i32
      %mul3A_147 = arith.constant 3 : i32
      %mul3A_148 = arith.muli %mul3A_147, %add3A_146 : i32
      %add3A_149 = arith.constant 0 : i32
      %add3A_150 = arith.addi %mul3A_148, %add3A_149 : i32
      %dma_wait3A_151 = arith.constant 0 : i32
      %dma_wait3A_152 = arith.constant 0 : i32
      %dma_wait3A_153 = tpu.memref_slice %arg6[%dma_wait3A_151, %dma_wait3A_152] : memref<1x100xi32, #tpu.memory_space<vmem>> -> memref<1x100xi32, #tpu.memory_space<vmem>>
      %dma_wait3A_154 = tpu.memref_squeeze %dma_wait3A_153 : memref<1x100xi32, #tpu.memory_space<vmem>> -> memref<100xi32, #tpu.memory_space<vmem>>
      %dma_wait3A_155 = arith.constant 0 : i32
      %dma_wait3A_156 = arith.constant 0 : i32
      %dma_wait3A_157 = tpu.memref_slice %arg2[%dma_wait3A_155, %dma_wait3A_156] : memref<10000x128xf32, #tpu.memory_space<hbm>> -> memref<10000x128xf32, #tpu.memory_space<hbm>>
      tpu.wait_indirect_dma semaphore(%arg21 : memref<!tpu.dma_semaphore, #tpu.memory_space<semaphore_mem>>) src(%dma_wait3A_157 : memref<10000x128xf32, #tpu.memory_space<hbm>>) dst(%arg12 : memref<100x128xf32, #tpu.memory_space<vmem>>)
      %add3A_158 = arith.constant 0 : i32
      %add3A_159 = arith.addi %mul3A_148, %add3A_158 : i32
      %dma_wait3A_160 = arith.constant 1 : i32
      %dma_wait3A_161 = arith.constant 0 : i32
      %dma_wait3A_162 = tpu.memref_slice %arg3[%dma_wait3A_160, %add3A, %add3A_159, %dma_wait3A_161] : memref<2x32x100x100xi32, #tpu.memory_space<hbm>> -> memref<1x1x1x100xi32, #tpu.memory_space<hbm>>
      %dma_wait3A_163 = tpu.memref_squeeze %dma_wait3A_162 : memref<1x1x1x100xi32, #tpu.memory_space<hbm>> -> memref<1x100xi32, #tpu.memory_space<hbm>>
      %dma_wait3A_164 = arith.constant 1 : i32
      %dma_wait3A_165 = arith.constant 0 : i32
      %dma_wait3A_166 = tpu.memref_slice %arg3[%dma_wait3A_164, %add3A, %add3A_159, %dma_wait3A_165] : memref<2x32x100x100xi32, #tpu.memory_space<hbm>> -> memref<1x1x1x100xi32, #tpu.memory_space<hbm>>
      %dma_wait3A_167 = tpu.memref_squeeze %dma_wait3A_166 : memref<1x1x1x100xi32, #tpu.memory_space<hbm>> -> memref<1x100xi32, #tpu.memory_space<hbm>>
      tpu.wait_dma2 semaphore(%arg18 : memref<!tpu.dma_semaphore, #tpu.memory_space<semaphore_mem>>) src(%dma_wait3A_167 : memref<1x100xi32, #tpu.memory_space<hbm>>) dst(%arg9 : memref<1x100xi32, #tpu.memory_space<vmem>>)
      %add3A_168 = arith.constant 0 : i32
      %add3A_169 = arith.addi %mul3A_148, %add3A_168 : i32
      %dma_start3A_170 = arith.constant 0 : i32
      %dma_start3A_171 = arith.constant 0 : i32
      %dma_start3A_172 = tpu.memref_slice %arg9[%dma_start3A_170, %dma_start3A_171] : memref<1x100xi32, #tpu.memory_space<vmem>> -> memref<1x100xi32, #tpu.memory_space<vmem>>
      %dma_start3A_173 = tpu.memref_squeeze %dma_start3A_172 : memref<1x100xi32, #tpu.memory_space<vmem>> -> memref<100xi32, #tpu.memory_space<vmem>>
      %dma_start3A_174 = arith.constant 0 : i32
      %dma_start3A_175 = arith.constant 0 : i32
      %dma_start3A_176 = tpu.memref_slice %arg27[%dma_start3A_174, %dma_start3A_175] : memref<10240x128xf32, #tpu.memory_space<vmem_shared>> -> memref<10240x128xf32, #tpu.memory_space<vmem_shared>>
      tpu.enqueue_indirect_dma source(%arg12 : memref<100x128xf32, #tpu.memory_space<vmem>>) target(%dma_start3A_176 : memref<10240x128xf32, #tpu.memory_space<vmem_shared>>) offsets(%dma_start3A_173 : memref<100xi32, #tpu.memory_space<vmem>>) semaphore(%arg24 : memref<!tpu.dma_semaphore, #tpu.memory_space<semaphore_mem>>) {add = true}
      %add3A_177 = arith.constant 3 : i32
      %add3A_178 = arith.addi %mul3A_148, %add3A_177 : i32
      %add3A_179 = arith.constant 0 : i32
      %add3A_180 = arith.addi %add3A_178, %add3A_179 : i32
      %lt3A = arith.constant 100 : i32
      %lt3A_181 = arith.cmpi slt, %add3A_180, %lt3A : i32
      %convert_element_type3A = arith.extui %lt3A_181 : i1 to i32
      %cond3A = arith.constant 0 : i32
      %cond3A_182 = arith.cmpi ne, %convert_element_type3A, %cond3A : i32
      scf.if %cond3A_182 {
        %add3A_311 = arith.constant 3 : i32
        %add3A_312 = arith.addi %mul3A_148, %add3A_311 : i32
        %add3A_313 = arith.constant 0 : i32
        %add3A_314 = arith.addi %add3A_312, %add3A_313 : i32
        %dma_start3A_315 = arith.constant 0 : i32
        %dma_start3A_316 = arith.constant 0 : i32
        %dma_start3A_317 = tpu.memref_slice %arg3[%dma_start3A_315, %add3A, %add3A_314, %dma_start3A_316] : memref<2x32x100x100xi32, #tpu.memory_space<hbm>> -> memref<1x1x1x100xi32, #tpu.memory_space<hbm>>
        %dma_start3A_318 = tpu.memref_squeeze %dma_start3A_317 : memref<1x1x1x100xi32, #tpu.memory_space<hbm>> -> memref<1x100xi32, #tpu.memory_space<hbm>>
        %dma_start3A_319 = arith.constant 0 : i32
        %dma_start3A_320 = arith.constant 0 : i32
        %dma_start3A_321 = tpu.memref_slice %arg3[%dma_start3A_319, %add3A, %add3A_314, %dma_start3A_320] : memref<2x32x100x100xi32, #tpu.memory_space<hbm>> -> memref<1x1x1x100xi32, #tpu.memory_space<hbm>>
        %dma_start3A_322 = tpu.memref_squeeze %dma_start3A_321 : memref<1x1x1x100xi32, #tpu.memory_space<hbm>> -> memref<1x100xi32, #tpu.memory_space<hbm>>
        tpu.enqueue_dma source(%dma_start3A_322 : memref<1x100xi32, #tpu.memory_space<hbm>>) target(%arg6 : memref<1x100xi32, #tpu.memory_space<vmem>>) target_semaphore(%arg15 : memref<!tpu.dma_semaphore, #tpu.memory_space<semaphore_mem>>)
      } else {
      }
      %add3A_183 = arith.constant 1 : i32
      %add3A_184 = arith.addi %mul3A_148, %add3A_183 : i32
      %dma_wait3A_185 = arith.constant 0 : i32
      %dma_wait3A_186 = arith.constant 0 : i32
      %dma_wait3A_187 = tpu.memref_slice %arg7[%dma_wait3A_185, %dma_wait3A_186] : memref<1x100xi32, #tpu.memory_space<vmem>> -> memref<1x100xi32, #tpu.memory_space<vmem>>
      %dma_wait3A_188 = tpu.memref_squeeze %dma_wait3A_187 : memref<1x100xi32, #tpu.memory_space<vmem>> -> memref<100xi32, #tpu.memory_space<vmem>>
      %dma_wait3A_189 = arith.constant 0 : i32
      %dma_wait3A_190 = arith.constant 0 : i32
      %dma_wait3A_191 = tpu.memref_slice %arg2[%dma_wait3A_189, %dma_wait3A_190] : memref<10000x128xf32, #tpu.memory_space<hbm>> -> memref<10000x128xf32, #tpu.memory_space<hbm>>
      tpu.wait_indirect_dma semaphore(%arg22 : memref<!tpu.dma_semaphore, #tpu.memory_space<semaphore_mem>>) src(%dma_wait3A_191 : memref<10000x128xf32, #tpu.memory_space<hbm>>) dst(%arg13 : memref<100x128xf32, #tpu.memory_space<vmem>>)
      %add3A_192 = arith.constant 1 : i32
      %add3A_193 = arith.addi %mul3A_148, %add3A_192 : i32
      %dma_wait3A_194 = arith.constant 1 : i32
      %dma_wait3A_195 = arith.constant 0 : i32
      %dma_wait3A_196 = tpu.memref_slice %arg3[%dma_wait3A_194, %add3A, %add3A_193, %dma_wait3A_195] : memref<2x32x100x100xi32, #tpu.memory_space<hbm>> -> memref<1x1x1x100xi32, #tpu.memory_space<hbm>>
      %dma_wait3A_197 = tpu.memref_squeeze %dma_wait3A_196 : memref<1x1x1x100xi32, #tpu.memory_space<hbm>> -> memref<1x100xi32, #tpu.memory_space<hbm>>
      %dma_wait3A_198 = arith.constant 1 : i32
      %dma_wait3A_199 = arith.constant 0 : i32
      %dma_wait3A_200 = tpu.memref_slice %arg3[%dma_wait3A_198, %add3A, %add3A_193, %dma_wait3A_199] : memref<2x32x100x100xi32, #tpu.memory_space<hbm>> -> memref<1x1x1x100xi32, #tpu.memory_space<hbm>>
      %dma_wait3A_201 = tpu.memref_squeeze %dma_wait3A_200 : memref<1x1x1x100xi32, #tpu.memory_space<hbm>> -> memref<1x100xi32, #tpu.memory_space<hbm>>
      tpu.wait_dma2 semaphore(%arg19 : memref<!tpu.dma_semaphore, #tpu.memory_space<semaphore_mem>>) src(%dma_wait3A_201 : memref<1x100xi32, #tpu.memory_space<hbm>>) dst(%arg10 : memref<1x100xi32, #tpu.memory_space<vmem>>)
      %add3A_202 = arith.constant 1 : i32
      %add3A_203 = arith.addi %mul3A_148, %add3A_202 : i32
      %dma_start3A_204 = arith.constant 0 : i32
      %dma_start3A_205 = arith.constant 0 : i32
      %dma_start3A_206 = tpu.memref_slice %arg10[%dma_start3A_204, %dma_start3A_205] : memref<1x100xi32, #tpu.memory_space<vmem>> -> memref<1x100xi32, #tpu.memory_space<vmem>>
      %dma_start3A_207 = tpu.memref_squeeze %dma_start3A_206 : memref<1x100xi32, #tpu.memory_space<vmem>> -> memref<100xi32, #tpu.memory_space<vmem>>
      %dma_start3A_208 = arith.constant 0 : i32
      %dma_start3A_209 = arith.constant 0 : i32
      %dma_start3A_210 = tpu.memref_slice %arg27[%dma_start3A_208, %dma_start3A_209] : memref<10240x128xf32, #tpu.memory_space<vmem_shared>> -> memref<10240x128xf32, #tpu.memory_space<vmem_shared>>
      tpu.enqueue_indirect_dma source(%arg13 : memref<100x128xf32, #tpu.memory_space<vmem>>) target(%dma_start3A_210 : memref<10240x128xf32, #tpu.memory_space<vmem_shared>>) offsets(%dma_start3A_207 : memref<100xi32, #tpu.memory_space<vmem>>) semaphore(%arg25 : memref<!tpu.dma_semaphore, #tpu.memory_space<semaphore_mem>>) {add = true}
      %add3A_211 = arith.constant 3 : i32
      %add3A_212 = arith.addi %mul3A_148, %add3A_211 : i32
      %add3A_213 = arith.constant 1 : i32
      %add3A_214 = arith.addi %add3A_212, %add3A_213 : i32
      %lt3A_215 = arith.constant 100 : i32
      %lt3A_216 = arith.cmpi slt, %add3A_214, %lt3A_215 : i32
      %convert_element_type3A_217 = arith.extui %lt3A_216 : i1 to i32
      %cond3A_218 = arith.constant 0 : i32
      %cond3A_219 = arith.cmpi ne, %convert_element_type3A_217, %cond3A_218 : i32
      scf.if %cond3A_219 {
        %add3A_311 = arith.constant 3 : i32
        %add3A_312 = arith.addi %mul3A_148, %add3A_311 : i32
        %add3A_313 = arith.constant 1 : i32
        %add3A_314 = arith.addi %add3A_312, %add3A_313 : i32
        %dma_start3A_315 = arith.constant 0 : i32
        %dma_start3A_316 = arith.constant 0 : i32
        %dma_start3A_317 = tpu.memref_slice %arg3[%dma_start3A_315, %add3A, %add3A_314, %dma_start3A_316] : memref<2x32x100x100xi32, #tpu.memory_space<hbm>> -> memref<1x1x1x100xi32, #tpu.memory_space<hbm>>
        %dma_start3A_318 = tpu.memref_squeeze %dma_start3A_317 : memref<1x1x1x100xi32, #tpu.memory_space<hbm>> -> memref<1x100xi32, #tpu.memory_space<hbm>>
        %dma_start3A_319 = arith.constant 0 : i32
        %dma_start3A_320 = arith.constant 0 : i32
        %dma_start3A_321 = tpu.memref_slice %arg3[%dma_start3A_319, %add3A, %add3A_314, %dma_start3A_320] : memref<2x32x100x100xi32, #tpu.memory_space<hbm>> -> memref<1x1x1x100xi32, #tpu.memory_space<hbm>>
        %dma_start3A_322 = tpu.memref_squeeze %dma_start3A_321 : memref<1x1x1x100xi32, #tpu.memory_space<hbm>> -> memref<1x100xi32, #tpu.memory_space<hbm>>
        tpu.enqueue_dma source(%dma_start3A_322 : memref<1x100xi32, #tpu.memory_space<hbm>>) target(%arg7 : memref<1x100xi32, #tpu.memory_space<vmem>>) target_semaphore(%arg16 : memref<!tpu.dma_semaphore, #tpu.memory_space<semaphore_mem>>)
      } else {
      }
      %add3A_220 = arith.constant 2 : i32
      %add3A_221 = arith.addi %mul3A_148, %add3A_220 : i32
      %dma_wait3A_222 = arith.constant 0 : i32
      %dma_wait3A_223 = arith.constant 0 : i32
      %dma_wait3A_224 = tpu.memref_slice %arg8[%dma_wait3A_222, %dma_wait3A_223] : memref<1x100xi32, #tpu.memory_space<vmem>> -> memref<1x100xi32, #tpu.memory_space<vmem>>
      %dma_wait3A_225 = tpu.memref_squeeze %dma_wait3A_224 : memref<1x100xi32, #tpu.memory_space<vmem>> -> memref<100xi32, #tpu.memory_space<vmem>>
      %dma_wait3A_226 = arith.constant 0 : i32
      %dma_wait3A_227 = arith.constant 0 : i32
      %dma_wait3A_228 = tpu.memref_slice %arg2[%dma_wait3A_226, %dma_wait3A_227] : memref<10000x128xf32, #tpu.memory_space<hbm>> -> memref<10000x128xf32, #tpu.memory_space<hbm>>
      tpu.wait_indirect_dma semaphore(%arg23 : memref<!tpu.dma_semaphore, #tpu.memory_space<semaphore_mem>>) src(%dma_wait3A_228 : memref<10000x128xf32, #tpu.memory_space<hbm>>) dst(%arg14 : memref<100x128xf32, #tpu.memory_space<vmem>>)
      %add3A_229 = arith.constant 2 : i32
      %add3A_230 = arith.addi %mul3A_148, %add3A_229 : i32
      %dma_wait3A_231 = arith.constant 1 : i32
      %dma_wait3A_232 = arith.constant 0 : i32
      %dma_wait3A_233 = tpu.memref_slice %arg3[%dma_wait3A_231, %add3A, %add3A_230, %dma_wait3A_232] : memref<2x32x100x100xi32, #tpu.memory_space<hbm>> -> memref<1x1x1x100xi32, #tpu.memory_space<hbm>>
      %dma_wait3A_234 = tpu.memref_squeeze %dma_wait3A_233 : memref<1x1x1x100xi32, #tpu.memory_space<hbm>> -> memref<1x100xi32, #tpu.memory_space<hbm>>
      %dma_wait3A_235 = arith.constant 1 : i32
      %dma_wait3A_236 = arith.constant 0 : i32
      %dma_wait3A_237 = tpu.memref_slice %arg3[%dma_wait3A_235, %add3A, %add3A_230, %dma_wait3A_236] : memref<2x32x100x100xi32, #tpu.memory_space<hbm>> -> memref<1x1x1x100xi32, #tpu.memory_space<hbm>>
      %dma_wait3A_238 = tpu.memref_squeeze %dma_wait3A_237 : memref<1x1x1x100xi32, #tpu.memory_space<hbm>> -> memref<1x100xi32, #tpu.memory_space<hbm>>
      tpu.wait_dma2 semaphore(%arg20 : memref<!tpu.dma_semaphore, #tpu.memory_space<semaphore_mem>>) src(%dma_wait3A_238 : memref<1x100xi32, #tpu.memory_space<hbm>>) dst(%arg11 : memref<1x100xi32, #tpu.memory_space<vmem>>)
      %add3A_239 = arith.constant 2 : i32
      %add3A_240 = arith.addi %mul3A_148, %add3A_239 : i32
      %dma_start3A_241 = arith.constant 0 : i32
      %dma_start3A_242 = arith.constant 0 : i32
      %dma_start3A_243 = tpu.memref_slice %arg11[%dma_start3A_241, %dma_start3A_242] : memref<1x100xi32, #tpu.memory_space<vmem>> -> memref<1x100xi32, #tpu.memory_space<vmem>>
      %dma_start3A_244 = tpu.memref_squeeze %dma_start3A_243 : memref<1x100xi32, #tpu.memory_space<vmem>> -> memref<100xi32, #tpu.memory_space<vmem>>
      %dma_start3A_245 = arith.constant 0 : i32
      %dma_start3A_246 = arith.constant 0 : i32
      %dma_start3A_247 = tpu.memref_slice %arg27[%dma_start3A_245, %dma_start3A_246] : memref<10240x128xf32, #tpu.memory_space<vmem_shared>> -> memref<10240x128xf32, #tpu.memory_space<vmem_shared>>
      tpu.enqueue_indirect_dma source(%arg14 : memref<100x128xf32, #tpu.memory_space<vmem>>) target(%dma_start3A_247 : memref<10240x128xf32, #tpu.memory_space<vmem_shared>>) offsets(%dma_start3A_244 : memref<100xi32, #tpu.memory_space<vmem>>) semaphore(%arg26 : memref<!tpu.dma_semaphore, #tpu.memory_space<semaphore_mem>>) {add = true}
      %add3A_248 = arith.constant 3 : i32
      %add3A_249 = arith.addi %mul3A_148, %add3A_248 : i32
      %add3A_250 = arith.constant 2 : i32
      %add3A_251 = arith.addi %add3A_249, %add3A_250 : i32
      %lt3A_252 = arith.constant 100 : i32
      %lt3A_253 = arith.cmpi slt, %add3A_251, %lt3A_252 : i32
      %convert_element_type3A_254 = arith.extui %lt3A_253 : i1 to i32
      %cond3A_255 = arith.constant 0 : i32
      %cond3A_256 = arith.cmpi ne, %convert_element_type3A_254, %cond3A_255 : i32
      scf.if %cond3A_256 {
        %add3A_311 = arith.constant 3 : i32
        %add3A_312 = arith.addi %mul3A_148, %add3A_311 : i32
        %add3A_313 = arith.constant 2 : i32
        %add3A_314 = arith.addi %add3A_312, %add3A_313 : i32
        %dma_start3A_315 = arith.constant 0 : i32
        %dma_start3A_316 = arith.constant 0 : i32
        %dma_start3A_317 = tpu.memref_slice %arg3[%dma_start3A_315, %add3A, %add3A_314, %dma_start3A_316] : memref<2x32x100x100xi32, #tpu.memory_space<hbm>> -> memref<1x1x1x100xi32, #tpu.memory_space<hbm>>
        %dma_start3A_318 = tpu.memref_squeeze %dma_start3A_317 : memref<1x1x1x100xi32, #tpu.memory_space<hbm>> -> memref<1x100xi32, #tpu.memory_space<hbm>>
        %dma_start3A_319 = arith.constant 0 : i32
        %dma_start3A_320 = arith.constant 0 : i32
        %dma_start3A_321 = tpu.memref_slice %arg3[%dma_start3A_319, %add3A, %add3A_314, %dma_start3A_320] : memref<2x32x100x100xi32, #tpu.memory_space<hbm>> -> memref<1x1x1x100xi32, #tpu.memory_space<hbm>>
        %dma_start3A_322 = tpu.memref_squeeze %dma_start3A_321 : memref<1x1x1x100xi32, #tpu.memory_space<hbm>> -> memref<1x100xi32, #tpu.memory_space<hbm>>
        tpu.enqueue_dma source(%dma_start3A_322 : memref<1x100xi32, #tpu.memory_space<hbm>>) target(%arg8 : memref<1x100xi32, #tpu.memory_space<vmem>>) target_semaphore(%arg17 : memref<!tpu.dma_semaphore, #tpu.memory_space<semaphore_mem>>)
      } else {
      }
      %add3A_257 = arith.constant 0 : i32
      %add3A_258 = arith.addi %mul3A_148, %add3A_257 : i32
      %dma_wait3A_259 = arith.constant 0 : i32
      %dma_wait3A_260 = arith.constant 0 : i32
      %dma_wait3A_261 = tpu.memref_slice %arg9[%dma_wait3A_259, %dma_wait3A_260] : memref<1x100xi32, #tpu.memory_space<vmem>> -> memref<1x100xi32, #tpu.memory_space<vmem>>
      %dma_wait3A_262 = tpu.memref_squeeze %dma_wait3A_261 : memref<1x100xi32, #tpu.memory_space<vmem>> -> memref<100xi32, #tpu.memory_space<vmem>>
      %dma_wait3A_263 = arith.constant 0 : i32
      %dma_wait3A_264 = arith.constant 0 : i32
      %dma_wait3A_265 = tpu.memref_slice %arg27[%dma_wait3A_263, %dma_wait3A_264] : memref<10240x128xf32, #tpu.memory_space<vmem_shared>> -> memref<10240x128xf32, #tpu.memory_space<vmem_shared>>
      tpu.wait_indirect_dma semaphore(%arg24 : memref<!tpu.dma_semaphore, #tpu.memory_space<semaphore_mem>>) src(%arg12 : memref<100x128xf32, #tpu.memory_space<vmem>>) dst(%dma_wait3A_265 : memref<10240x128xf32, #tpu.memory_space<vmem_shared>>)
      %add3A_266 = arith.constant 3 : i32
      %add3A_267 = arith.addi %mul3A_148, %add3A_266 : i32
      %add3A_268 = arith.constant 0 : i32
      %add3A_269 = arith.addi %add3A_267, %add3A_268 : i32
      %lt3A_270 = arith.constant 100 : i32
      %lt3A_271 = arith.cmpi slt, %add3A_269, %lt3A_270 : i32
      %convert_element_type3A_272 = arith.extui %lt3A_271 : i1 to i32
      %cond3A_273 = arith.constant 0 : i32
      %cond3A_274 = arith.cmpi ne, %convert_element_type3A_272, %cond3A_273 : i32
      scf.if %cond3A_274 {
        %add3A_311 = arith.constant 3 : i32
        %add3A_312 = arith.addi %mul3A_148, %add3A_311 : i32
        %add3A_313 = arith.constant 0 : i32
        %add3A_314 = arith.addi %add3A_312, %add3A_313 : i32
        %dma_start3A_315 = arith.constant 1 : i32
        %dma_start3A_316 = arith.constant 0 : i32
        %dma_start3A_317 = tpu.memref_slice %arg3[%dma_start3A_315, %add3A, %add3A_314, %dma_start3A_316] : memref<2x32x100x100xi32, #tpu.memory_space<hbm>> -> memref<1x1x1x100xi32, #tpu.memory_space<hbm>>
        %dma_start3A_318 = tpu.memref_squeeze %dma_start3A_317 : memref<1x1x1x100xi32, #tpu.memory_space<hbm>> -> memref<1x100xi32, #tpu.memory_space<hbm>>
        %dma_start3A_319 = arith.constant 1 : i32
        %dma_start3A_320 = arith.constant 0 : i32
        %dma_start3A_321 = tpu.memref_slice %arg3[%dma_start3A_319, %add3A, %add3A_314, %dma_start3A_320] : memref<2x32x100x100xi32, #tpu.memory_space<hbm>> -> memref<1x1x1x100xi32, #tpu.memory_space<hbm>>
        %dma_start3A_322 = tpu.memref_squeeze %dma_start3A_321 : memref<1x1x1x100xi32, #tpu.memory_space<hbm>> -> memref<1x100xi32, #tpu.memory_space<hbm>>
        tpu.enqueue_dma source(%dma_start3A_322 : memref<1x100xi32, #tpu.memory_space<hbm>>) target(%arg9 : memref<1x100xi32, #tpu.memory_space<vmem>>) target_semaphore(%arg18 : memref<!tpu.dma_semaphore, #tpu.memory_space<semaphore_mem>>)
        %add3A_323 = arith.constant 3 : i32
        %add3A_324 = arith.addi %mul3A_148, %add3A_323 : i32
        %add3A_325 = arith.constant 0 : i32
        %add3A_326 = arith.addi %add3A_324, %add3A_325 : i32
        %dma_wait3A_327 = arith.constant 0 : i32
        %dma_wait3A_328 = arith.constant 0 : i32
        %dma_wait3A_329 = tpu.memref_slice %arg3[%dma_wait3A_327, %add3A, %add3A_326, %dma_wait3A_328] : memref<2x32x100x100xi32, #tpu.memory_space<hbm>> -> memref<1x1x1x100xi32, #tpu.memory_space<hbm>>
        %dma_wait3A_330 = tpu.memref_squeeze %dma_wait3A_329 : memref<1x1x1x100xi32, #tpu.memory_space<hbm>> -> memref<1x100xi32, #tpu.memory_space<hbm>>
        %dma_wait3A_331 = arith.constant 0 : i32
        %dma_wait3A_332 = arith.constant 0 : i32
        %dma_wait3A_333 = tpu.memref_slice %arg3[%dma_wait3A_331, %add3A, %add3A_326, %dma_wait3A_332] : memref<2x32x100x100xi32, #tpu.memory_space<hbm>> -> memref<1x1x1x100xi32, #tpu.memory_space<hbm>>
        %dma_wait3A_334 = tpu.memref_squeeze %dma_wait3A_333 : memref<1x1x1x100xi32, #tpu.memory_space<hbm>> -> memref<1x100xi32, #tpu.memory_space<hbm>>
        tpu.wait_dma2 semaphore(%arg15 : memref<!tpu.dma_semaphore, #tpu.memory_space<semaphore_mem>>) src(%dma_wait3A_334 : memref<1x100xi32, #tpu.memory_space<hbm>>) dst(%arg6 : memref<1x100xi32, #tpu.memory_space<vmem>>)
        %add3A_335 = arith.constant 3 : i32
        %add3A_336 = arith.addi %mul3A_148, %add3A_335 : i32
        %add3A_337 = arith.constant 0 : i32
        %add3A_338 = arith.addi %add3A_336, %add3A_337 : i32
        %dma_start3A_339 = arith.constant 0 : i32
        %dma_start3A_340 = arith.constant 0 : i32
        %dma_start3A_341 = tpu.memref_slice %arg6[%dma_start3A_339, %dma_start3A_340] : memref<1x100xi32, #tpu.memory_space<vmem>> -> memref<1x100xi32, #tpu.memory_space<vmem>>
        %dma_start3A_342 = tpu.memref_squeeze %dma_start3A_341 : memref<1x100xi32, #tpu.memory_space<vmem>> -> memref<100xi32, #tpu.memory_space<vmem>>
        %dma_start3A_343 = arith.constant 0 : i32
        %dma_start3A_344 = arith.constant 0 : i32
        %dma_start3A_345 = tpu.memref_slice %arg2[%dma_start3A_343, %dma_start3A_344] : memref<10000x128xf32, #tpu.memory_space<hbm>> -> memref<10000x128xf32, #tpu.memory_space<hbm>>
        tpu.enqueue_indirect_dma source(%dma_start3A_345 : memref<10000x128xf32, #tpu.memory_space<hbm>>) target(%arg12 : memref<100x128xf32, #tpu.memory_space<vmem>>) offsets(%dma_start3A_342 : memref<100xi32, #tpu.memory_space<vmem>>) semaphore(%arg21 : memref<!tpu.dma_semaphore, #tpu.memory_space<semaphore_mem>>)
      } else {
      }
      %add3A_275 = arith.constant 1 : i32
      %add3A_276 = arith.addi %mul3A_148, %add3A_275 : i32
      %dma_wait3A_277 = arith.constant 0 : i32
      %dma_wait3A_278 = arith.constant 0 : i32
      %dma_wait3A_279 = tpu.memref_slice %arg10[%dma_wait3A_277, %dma_wait3A_278] : memref<1x100xi32, #tpu.memory_space<vmem>> -> memref<1x100xi32, #tpu.memory_space<vmem>>
      %dma_wait3A_280 = tpu.memref_squeeze %dma_wait3A_279 : memref<1x100xi32, #tpu.memory_space<vmem>> -> memref<100xi32, #tpu.memory_space<vmem>>
      %dma_wait3A_281 = arith.constant 0 : i32
      %dma_wait3A_282 = arith.constant 0 : i32
      %dma_wait3A_283 = tpu.memref_slice %arg27[%dma_wait3A_281, %dma_wait3A_282] : memref<10240x128xf32, #tpu.memory_space<vmem_shared>> -> memref<10240x128xf32, #tpu.memory_space<vmem_shared>>
      tpu.wait_indirect_dma semaphore(%arg25 : memref<!tpu.dma_semaphore, #tpu.memory_space<semaphore_mem>>) src(%arg13 : memref<100x128xf32, #tpu.memory_space<vmem>>) dst(%dma_wait3A_283 : memref<10240x128xf32, #tpu.memory_space<vmem_shared>>)
      %add3A_284 = arith.constant 3 : i32
      %add3A_285 = arith.addi %mul3A_148, %add3A_284 : i32
      %add3A_286 = arith.constant 1 : i32
      %add3A_287 = arith.addi %add3A_285, %add3A_286 : i32
      %lt3A_288 = arith.constant 100 : i32
      %lt3A_289 = arith.cmpi slt, %add3A_287, %lt3A_288 : i32
      %convert_element_type3A_290 = arith.extui %lt3A_289 : i1 to i32
      %cond3A_291 = arith.constant 0 : i32
      %cond3A_292 = arith.cmpi ne, %convert_element_type3A_290, %cond3A_291 : i32
      scf.if %cond3A_292 {
        %add3A_311 = arith.constant 3 : i32
        %add3A_312 = arith.addi %mul3A_148, %add3A_311 : i32
        %add3A_313 = arith.constant 1 : i32
        %add3A_314 = arith.addi %add3A_312, %add3A_313 : i32
        %dma_start3A_315 = arith.constant 1 : i32
        %dma_start3A_316 = arith.constant 0 : i32
        %dma_start3A_317 = tpu.memref_slice %arg3[%dma_start3A_315, %add3A, %add3A_314, %dma_start3A_316] : memref<2x32x100x100xi32, #tpu.memory_space<hbm>> -> memref<1x1x1x100xi32, #tpu.memory_space<hbm>>
        %dma_start3A_318 = tpu.memref_squeeze %dma_start3A_317 : memref<1x1x1x100xi32, #tpu.memory_space<hbm>> -> memref<1x100xi32, #tpu.memory_space<hbm>>
        %dma_start3A_319 = arith.constant 1 : i32
        %dma_start3A_320 = arith.constant 0 : i32
        %dma_start3A_321 = tpu.memref_slice %arg3[%dma_start3A_319, %add3A, %add3A_314, %dma_start3A_320] : memref<2x32x100x100xi32, #tpu.memory_space<hbm>> -> memref<1x1x1x100xi32, #tpu.memory_space<hbm>>
        %dma_start3A_322 = tpu.memref_squeeze %dma_start3A_321 : memref<1x1x1x100xi32, #tpu.memory_space<hbm>> -> memref<1x100xi32, #tpu.memory_space<hbm>>
        tpu.enqueue_dma source(%dma_start3A_322 : memref<1x100xi32, #tpu.memory_space<hbm>>) target(%arg10 : memref<1x100xi32, #tpu.memory_space<vmem>>) target_semaphore(%arg19 : memref<!tpu.dma_semaphore, #tpu.memory_space<semaphore_mem>>)
        %add3A_323 = arith.constant 3 : i32
        %add3A_324 = arith.addi %mul3A_148, %add3A_323 : i32
        %add3A_325 = arith.constant 1 : i32
        %add3A_326 = arith.addi %add3A_324, %add3A_325 : i32
        %dma_wait3A_327 = arith.constant 0 : i32
        %dma_wait3A_328 = arith.constant 0 : i32
        %dma_wait3A_329 = tpu.memref_slice %arg3[%dma_wait3A_327, %add3A, %add3A_326, %dma_wait3A_328] : memref<2x32x100x100xi32, #tpu.memory_space<hbm>> -> memref<1x1x1x100xi32, #tpu.memory_space<hbm>>
        %dma_wait3A_330 = tpu.memref_squeeze %dma_wait3A_329 : memref<1x1x1x100xi32, #tpu.memory_space<hbm>> -> memref<1x100xi32, #tpu.memory_space<hbm>>
        %dma_wait3A_331 = arith.constant 0 : i32
        %dma_wait3A_332 = arith.constant 0 : i32
        %dma_wait3A_333 = tpu.memref_slice %arg3[%dma_wait3A_331, %add3A, %add3A_326, %dma_wait3A_332] : memref<2x32x100x100xi32, #tpu.memory_space<hbm>> -> memref<1x1x1x100xi32, #tpu.memory_space<hbm>>
        %dma_wait3A_334 = tpu.memref_squeeze %dma_wait3A_333 : memref<1x1x1x100xi32, #tpu.memory_space<hbm>> -> memref<1x100xi32, #tpu.memory_space<hbm>>
        tpu.wait_dma2 semaphore(%arg16 : memref<!tpu.dma_semaphore, #tpu.memory_space<semaphore_mem>>) src(%dma_wait3A_334 : memref<1x100xi32, #tpu.memory_space<hbm>>) dst(%arg7 : memref<1x100xi32, #tpu.memory_space<vmem>>)
        %add3A_335 = arith.constant 3 : i32
        %add3A_336 = arith.addi %mul3A_148, %add3A_335 : i32
        %add3A_337 = arith.constant 1 : i32
        %add3A_338 = arith.addi %add3A_336, %add3A_337 : i32
        %dma_start3A_339 = arith.constant 0 : i32
        %dma_start3A_340 = arith.constant 0 : i32
        %dma_start3A_341 = tpu.memref_slice %arg7[%dma_start3A_339, %dma_start3A_340] : memref<1x100xi32, #tpu.memory_space<vmem>> -> memref<1x100xi32, #tpu.memory_space<vmem>>
        %dma_start3A_342 = tpu.memref_squeeze %dma_start3A_341 : memref<1x100xi32, #tpu.memory_space<vmem>> -> memref<100xi32, #tpu.memory_space<vmem>>
        %dma_start3A_343 = arith.constant 0 : i32
        %dma_start3A_344 = arith.constant 0 : i32
        %dma_start3A_345 = tpu.memref_slice %arg2[%dma_start3A_343, %dma_start3A_344] : memref<10000x128xf32, #tpu.memory_space<hbm>> -> memref<10000x128xf32, #tpu.memory_space<hbm>>
        tpu.enqueue_indirect_dma source(%dma_start3A_345 : memref<10000x128xf32, #tpu.memory_space<hbm>>) target(%arg13 : memref<100x128xf32, #tpu.memory_space<vmem>>) offsets(%dma_start3A_342 : memref<100xi32, #tpu.memory_space<vmem>>) semaphore(%arg22 : memref<!tpu.dma_semaphore, #tpu.memory_space<semaphore_mem>>)
      } else {
      }
      %add3A_293 = arith.constant 2 : i32
      %add3A_294 = arith.addi %mul3A_148, %add3A_293 : i32
      %dma_wait3A_295 = arith.constant 0 : i32
      %dma_wait3A_296 = arith.constant 0 : i32
      %dma_wait3A_297 = tpu.memref_slice %arg11[%dma_wait3A_295, %dma_wait3A_296] : memref<1x100xi32, #tpu.memory_space<vmem>> -> memref<1x100xi32, #tpu.memory_space<vmem>>
      %dma_wait3A_298 = tpu.memref_squeeze %dma_wait3A_297 : memref<1x100xi32, #tpu.memory_space<vmem>> -> memref<100xi32, #tpu.memory_space<vmem>>
      %dma_wait3A_299 = arith.constant 0 : i32
      %dma_wait3A_300 = arith.constant 0 : i32
      %dma_wait3A_301 = tpu.memref_slice %arg27[%dma_wait3A_299, %dma_wait3A_300] : memref<10240x128xf32, #tpu.memory_space<vmem_shared>> -> memref<10240x128xf32, #tpu.memory_space<vmem_shared>>
      tpu.wait_indirect_dma semaphore(%arg26 : memref<!tpu.dma_semaphore, #tpu.memory_space<semaphore_mem>>) src(%arg14 : memref<100x128xf32, #tpu.memory_space<vmem>>) dst(%dma_wait3A_301 : memref<10240x128xf32, #tpu.memory_space<vmem_shared>>)
      %add3A_302 = arith.constant 3 : i32
      %add3A_303 = arith.addi %mul3A_148, %add3A_302 : i32
      %add3A_304 = arith.constant 2 : i32
      %add3A_305 = arith.addi %add3A_303, %add3A_304 : i32
      %lt3A_306 = arith.constant 100 : i32
      %lt3A_307 = arith.cmpi slt, %add3A_305, %lt3A_306 : i32
      %convert_element_type3A_308 = arith.extui %lt3A_307 : i1 to i32
      %cond3A_309 = arith.constant 0 : i32
      %cond3A_310 = arith.cmpi ne, %convert_element_type3A_308, %cond3A_309 : i32
      scf.if %cond3A_310 {
        %add3A_311 = arith.constant 3 : i32
        %add3A_312 = arith.addi %mul3A_148, %add3A_311 : i32
        %add3A_313 = arith.constant 2 : i32
        %add3A_314 = arith.addi %add3A_312, %add3A_313 : i32
        %dma_start3A_315 = arith.constant 1 : i32
        %dma_start3A_316 = arith.constant 0 : i32
        %dma_start3A_317 = tpu.memref_slice %arg3[%dma_start3A_315, %add3A, %add3A_314, %dma_start3A_316] : memref<2x32x100x100xi32, #tpu.memory_space<hbm>> -> memref<1x1x1x100xi32, #tpu.memory_space<hbm>>
        %dma_start3A_318 = tpu.memref_squeeze %dma_start3A_317 : memref<1x1x1x100xi32, #tpu.memory_space<hbm>> -> memref<1x100xi32, #tpu.memory_space<hbm>>
        %dma_start3A_319 = arith.constant 1 : i32
        %dma_start3A_320 = arith.constant 0 : i32
        %dma_start3A_321 = tpu.memref_slice %arg3[%dma_start3A_319, %add3A, %add3A_314, %dma_start3A_320] : memref<2x32x100x100xi32, #tpu.memory_space<hbm>> -> memref<1x1x1x100xi32, #tpu.memory_space<hbm>>
        %dma_start3A_322 = tpu.memref_squeeze %dma_start3A_321 : memref<1x1x1x100xi32, #tpu.memory_space<hbm>> -> memref<1x100xi32, #tpu.memory_space<hbm>>
        tpu.enqueue_dma source(%dma_start3A_322 : memref<1x100xi32, #tpu.memory_space<hbm>>) target(%arg11 : memref<1x100xi32, #tpu.memory_space<vmem>>) target_semaphore(%arg20 : memref<!tpu.dma_semaphore, #tpu.memory_space<semaphore_mem>>)
        %add3A_323 = arith.constant 3 : i32
        %add3A_324 = arith.addi %mul3A_148, %add3A_323 : i32
        %add3A_325 = arith.constant 2 : i32
        %add3A_326 = arith.addi %add3A_324, %add3A_325 : i32
        %dma_wait3A_327 = arith.constant 0 : i32
        %dma_wait3A_328 = arith.constant 0 : i32
        %dma_wait3A_329 = tpu.memref_slice %arg3[%dma_wait3A_327, %add3A, %add3A_326, %dma_wait3A_328] : memref<2x32x100x100xi32, #tpu.memory_space<hbm>> -> memref<1x1x1x100xi32, #tpu.memory_space<hbm>>
        %dma_wait3A_330 = tpu.memref_squeeze %dma_wait3A_329 : memref<1x1x1x100xi32, #tpu.memory_space<hbm>> -> memref<1x100xi32, #tpu.memory_space<hbm>>
        %dma_wait3A_331 = arith.constant 0 : i32
        %dma_wait3A_332 = arith.constant 0 : i32
        %dma_wait3A_333 = tpu.memref_slice %arg3[%dma_wait3A_331, %add3A, %add3A_326, %dma_wait3A_332] : memref<2x32x100x100xi32, #tpu.memory_space<hbm>> -> memref<1x1x1x100xi32, #tpu.memory_space<hbm>>
        %dma_wait3A_334 = tpu.memref_squeeze %dma_wait3A_333 : memref<1x1x1x100xi32, #tpu.memory_space<hbm>> -> memref<1x100xi32, #tpu.memory_space<hbm>>
        tpu.wait_dma2 semaphore(%arg17 : memref<!tpu.dma_semaphore, #tpu.memory_space<semaphore_mem>>) src(%dma_wait3A_334 : memref<1x100xi32, #tpu.memory_space<hbm>>) dst(%arg8 : memref<1x100xi32, #tpu.memory_space<vmem>>)
        %add3A_335 = arith.constant 3 : i32
        %add3A_336 = arith.addi %mul3A_148, %add3A_335 : i32
        %add3A_337 = arith.constant 2 : i32
        %add3A_338 = arith.addi %add3A_336, %add3A_337 : i32
        %dma_start3A_339 = arith.constant 0 : i32
        %dma_start3A_340 = arith.constant 0 : i32
        %dma_start3A_341 = tpu.memref_slice %arg8[%dma_start3A_339, %dma_start3A_340] : memref<1x100xi32, #tpu.memory_space<vmem>> -> memref<1x100xi32, #tpu.memory_space<vmem>>
        %dma_start3A_342 = tpu.memref_squeeze %dma_start3A_341 : memref<1x100xi32, #tpu.memory_space<vmem>> -> memref<100xi32, #tpu.memory_space<vmem>>
        %dma_start3A_343 = arith.constant 0 : i32
        %dma_start3A_344 = arith.constant 0 : i32
        %dma_start3A_345 = tpu.memref_slice %arg2[%dma_start3A_343, %dma_start3A_344] : memref<10000x128xf32, #tpu.memory_space<hbm>> -> memref<10000x128xf32, #tpu.memory_space<hbm>>
        tpu.enqueue_indirect_dma source(%dma_start3A_345 : memref<10000x128xf32, #tpu.memory_space<hbm>>) target(%arg14 : memref<100x128xf32, #tpu.memory_space<vmem>>) offsets(%dma_start3A_342 : memref<100xi32, #tpu.memory_space<vmem>>) semaphore(%arg23 : memref<!tpu.dma_semaphore, #tpu.memory_space<semaphore_mem>>)
      } else {
      }
    }
    %scan3A_106 = arith.constant 33 : i32
    %dma_wait3A_107 = arith.constant 0 : i32
    %dma_wait3A_108 = arith.constant 0 : i32
    %dma_wait3A_109 = tpu.memref_slice %arg6[%dma_wait3A_107, %dma_wait3A_108] : memref<1x100xi32, #tpu.memory_space<vmem>> -> memref<1x100xi32, #tpu.memory_space<vmem>>
    %dma_wait3A_110 = tpu.memref_squeeze %dma_wait3A_109 : memref<1x100xi32, #tpu.memory_space<vmem>> -> memref<100xi32, #tpu.memory_space<vmem>>
    %dma_wait3A_111 = arith.constant 0 : i32
    %dma_wait3A_112 = arith.constant 0 : i32
    %dma_wait3A_113 = tpu.memref_slice %arg2[%dma_wait3A_111, %dma_wait3A_112] : memref<10000x128xf32, #tpu.memory_space<hbm>> -> memref<10000x128xf32, #tpu.memory_space<hbm>>
    tpu.wait_indirect_dma semaphore(%arg21 : memref<!tpu.dma_semaphore, #tpu.memory_space<semaphore_mem>>) src(%dma_wait3A_113 : memref<10000x128xf32, #tpu.memory_space<hbm>>) dst(%arg12 : memref<100x128xf32, #tpu.memory_space<vmem>>)
    %dma_wait3A_114 = arith.constant 99 : i32
    %dma_wait3A_115 = arith.constant 1 : i32
    %dma_wait3A_116 = arith.constant 0 : i32
    %dma_wait3A_117 = tpu.memref_slice %arg3[%dma_wait3A_115, %add3A, %dma_wait3A_114, %dma_wait3A_116] : memref<2x32x100x100xi32, #tpu.memory_space<hbm>> -> memref<1x1x1x100xi32, #tpu.memory_space<hbm>>
    %dma_wait3A_118 = tpu.memref_squeeze %dma_wait3A_117 : memref<1x1x1x100xi32, #tpu.memory_space<hbm>> -> memref<1x100xi32, #tpu.memory_space<hbm>>
    %dma_wait3A_119 = arith.constant 1 : i32
    %dma_wait3A_120 = arith.constant 0 : i32
    %dma_wait3A_121 = tpu.memref_slice %arg3[%dma_wait3A_119, %add3A, %dma_wait3A_114, %dma_wait3A_120] : memref<2x32x100x100xi32, #tpu.memory_space<hbm>> -> memref<1x1x1x100xi32, #tpu.memory_space<hbm>>
    %dma_wait3A_122 = tpu.memref_squeeze %dma_wait3A_121 : memref<1x1x1x100xi32, #tpu.memory_space<hbm>> -> memref<1x100xi32, #tpu.memory_space<hbm>>
    tpu.wait_dma2 semaphore(%arg18 : memref<!tpu.dma_semaphore, #tpu.memory_space<semaphore_mem>>) src(%dma_wait3A_122 : memref<1x100xi32, #tpu.memory_space<hbm>>) dst(%arg9 : memref<1x100xi32, #tpu.memory_space<vmem>>)
    %dma_start3A_123 = arith.constant 0 : i32
    %dma_start3A_124 = arith.constant 0 : i32
    %dma_start3A_125 = tpu.memref_slice %arg9[%dma_start3A_123, %dma_start3A_124] : memref<1x100xi32, #tpu.memory_space<vmem>> -> memref<1x100xi32, #tpu.memory_space<vmem>>
    %dma_start3A_126 = tpu.memref_squeeze %dma_start3A_125 : memref<1x100xi32, #tpu.memory_space<vmem>> -> memref<100xi32, #tpu.memory_space<vmem>>
    %dma_start3A_127 = arith.constant 0 : i32
    %dma_start3A_128 = arith.constant 0 : i32
    %dma_start3A_129 = tpu.memref_slice %arg27[%dma_start3A_127, %dma_start3A_128] : memref<10240x128xf32, #tpu.memory_space<vmem_shared>> -> memref<10240x128xf32, #tpu.memory_space<vmem_shared>>
    tpu.enqueue_indirect_dma source(%arg12 : memref<100x128xf32, #tpu.memory_space<vmem>>) target(%dma_start3A_129 : memref<10240x128xf32, #tpu.memory_space<vmem_shared>>) offsets(%dma_start3A_126 : memref<100xi32, #tpu.memory_space<vmem>>) semaphore(%arg24 : memref<!tpu.dma_semaphore, #tpu.memory_space<semaphore_mem>>) {add = true}
    %dma_wait3A_130 = arith.constant 0 : i32
    %dma_wait3A_131 = arith.constant 0 : i32
    %dma_wait3A_132 = tpu.memref_slice %arg9[%dma_wait3A_130, %dma_wait3A_131] : memref<1x100xi32, #tpu.memory_space<vmem>> -> memref<1x100xi32, #tpu.memory_space<vmem>>
    %dma_wait3A_133 = tpu.memref_squeeze %dma_wait3A_132 : memref<1x100xi32, #tpu.memory_space<vmem>> -> memref<100xi32, #tpu.memory_space<vmem>>
    %dma_wait3A_134 = arith.constant 0 : i32
    %dma_wait3A_135 = arith.constant 0 : i32
    %dma_wait3A_136 = tpu.memref_slice %arg27[%dma_wait3A_134, %dma_wait3A_135] : memref<10240x128xf32, #tpu.memory_space<vmem_shared>> -> memref<10240x128xf32, #tpu.memory_space<vmem_shared>>
    tpu.wait_indirect_dma semaphore(%arg24 : memref<!tpu.dma_semaphore, #tpu.memory_space<semaphore_mem>>) src(%arg12 : memref<100x128xf32, #tpu.memory_space<vmem>>) dst(%dma_wait3A_136 : memref<10240x128xf32, #tpu.memory_space<vmem_shared>>)
    %barrier3A_137 = arith.constant 0 : index
    tpu.barrier barrier_id(%barrier3A_137)
    %mul3A_138 = arith.constant 640 : i32
    %mul3A_139 = arith.muli %arg1, %mul3A_138 : i32
    %mul3A_140 = arith.constant 640 : i32
    %mul3A_141 = arith.muli %arg1, %mul3A_140 : i32
    "tpu.region"() ({
      %run_scoped3A = tpu.sem_alloc : memref<!tpu.dma_semaphore, #tpu.memory_space<semaphore_mem>>
      %dma_start3A_142 = arith.constant 0 : i32
      %dma_start3A_143 = tpu.memref_slice %arg5[%arg0, %mul3A_141, %dma_start3A_142] : memref<2x10240x128xf32, #tpu.memory_space<hbm>> -> memref<1x640x128xf32, #tpu.memory_space<hbm>>
      %dma_start3A_144 = tpu.memref_squeeze %dma_start3A_143 : memref<1x640x128xf32, #tpu.memory_space<hbm>> -> memref<640x128xf32, #tpu.memory_space<hbm>>
      %dma_start3A_145 = arith.constant 0 : i32
      %dma_start3A_146 = tpu.memref_slice %arg27[%mul3A_139, %dma_start3A_145] : memref<10240x128xf32, #tpu.memory_space<vmem_shared>> -> memref<640x128xf32, #tpu.memory_space<vmem_shared>>
      tpu.enqueue_dma source(%dma_start3A_146 : memref<640x128xf32, #tpu.memory_space<vmem_shared>>) target(%dma_start3A_144 : memref<640x128xf32, #tpu.memory_space<hbm>>) target_semaphore(%run_scoped3A : memref<!tpu.dma_semaphore, #tpu.memory_space<semaphore_mem>>)
      %dma_wait3A_147 = arith.constant 0 : i32
      %dma_wait3A_148 = tpu.memref_slice %arg5[%arg0, %mul3A_141, %dma_wait3A_147] : memref<2x10240x128xf32, #tpu.memory_space<hbm>> -> memref<1x640x128xf32, #tpu.memory_space<hbm>>
      %dma_wait3A_149 = tpu.memref_squeeze %dma_wait3A_148 : memref<1x640x128xf32, #tpu.memory_space<hbm>> -> memref<640x128xf32, #tpu.memory_space<hbm>>
      %dma_wait3A_150 = arith.constant 0 : i32
      %dma_wait3A_151 = tpu.memref_slice %arg27[%mul3A_139, %dma_wait3A_150] : memref<10240x128xf32, #tpu.memory_space<vmem_shared>> -> memref<640x128xf32, #tpu.memory_space<vmem_shared>>
      tpu.wait_dma2 semaphore(%run_scoped3A : memref<!tpu.dma_semaphore, #tpu.memory_space<semaphore_mem>>) src(%dma_wait3A_151 : memref<640x128xf32, #tpu.memory_space<vmem_shared>>) dst(%dma_wait3A_149 : memref<640x128xf32, #tpu.memory_space<hbm>>)
      tpu.yield
    }) : () -> ()
    return
  }
}

#map = affine_map<(d0, d1) -> (0, 0, 0, 0)>
#map1 = affine_map<(d0, d1) -> (0)>
#map2 = affine_map<(d0, d1) -> (0, 0)>
module attributes {stable_mosaic.version = 14 : i64} {
  func.func @deg_kernel(%arg0: i32, %arg1: i32, %arg2: memref<2x32x100x100xi32, #tpu.memory_space<hbm>>, %arg3: memref<100xf32, #tpu.memory_space<hbm>>, %arg4: memref<640xf32, #tpu.memory_space<hbm>>, %arg5: memref<2x10240xf32, #tpu.memory_space<hbm>>, %arg6: memref<100x100xi32, #tpu.memory_space<vmem>>, %arg7: memref<100xf32, #tpu.memory_space<vmem>>, %arg8: memref<!tpu.dma_semaphore, #tpu.memory_space<semaphore_mem>>, %arg9: memref<!tpu.dma_semaphore, #tpu.memory_space<semaphore_mem>>, %arg10: memref<!tpu.dma_semaphore, #tpu.memory_space<semaphore_mem>>, %arg11: memref<!tpu.dma_semaphore, #tpu.memory_space<semaphore_mem>>, %arg12: memref<10240xf32, #tpu.memory_space<vmem_shared>>) attributes {dimension_semantics = [#tpu.dimension_semantics<core_parallel>, #tpu.dimension_semantics<subcore_parallel>], iteration_bounds = array<i64: 2, 16>, scalar_prefetch = 0 : i64, scratch_operands = 7 : i64, tpu.core_type = #tpu.core_type<sc_vector_subcore>, window_params = [{transform_indices = #map}, {transform_indices = #map1}, {transform_indices = #map1}, {transform_indices = #map2}]} {
    "tpu.region"() ({
      %run_scoped3A_58 = tpu.sem_alloc : memref<!tpu.dma_semaphore, #tpu.memory_space<semaphore_mem>>
      tpu.enqueue_dma source(%arg3 : memref<100xf32, #tpu.memory_space<hbm>>) target(%arg7 : memref<100xf32, #tpu.memory_space<vmem>>) target_semaphore(%run_scoped3A_58 : memref<!tpu.dma_semaphore, #tpu.memory_space<semaphore_mem>>)
      tpu.wait_dma2 semaphore(%run_scoped3A_58 : memref<!tpu.dma_semaphore, #tpu.memory_space<semaphore_mem>>) src(%arg3 : memref<100xf32, #tpu.memory_space<hbm>>) dst(%arg7 : memref<100xf32, #tpu.memory_space<vmem>>)
      tpu.yield
    }) : () -> ()
    %mul3A = arith.constant 16 : i32
    %mul3A_0 = arith.muli %arg0, %mul3A : i32
    %add3A = arith.addi %mul3A_0, %arg1 : i32
    %run_scoped3A = arith.constant 1 : i32
    "tpu.region"() ({
      %run_scoped3A_58 = tpu.sem_alloc : memref<!tpu.dma_semaphore, #tpu.memory_space<semaphore_mem>>
      %dma_start3A_59 = arith.constant 0 : i32
      %dma_start3A_60 = arith.constant 0 : i32
      %dma_start3A_61 = tpu.memref_slice %arg2[%run_scoped3A, %add3A, %dma_start3A_59, %dma_start3A_60] : memref<2x32x100x100xi32, #tpu.memory_space<hbm>> -> memref<1x1x100x100xi32, #tpu.memory_space<hbm>>
      %dma_start3A_62 = tpu.memref_squeeze %dma_start3A_61 : memref<1x1x100x100xi32, #tpu.memory_space<hbm>> -> memref<100x100xi32, #tpu.memory_space<hbm>>
      %dma_start3A_63 = arith.constant 0 : i32
      %dma_start3A_64 = arith.constant 0 : i32
      %dma_start3A_65 = tpu.memref_slice %arg2[%run_scoped3A, %add3A, %dma_start3A_63, %dma_start3A_64] : memref<2x32x100x100xi32, #tpu.memory_space<hbm>> -> memref<1x1x100x100xi32, #tpu.memory_space<hbm>>
      %dma_start3A_66 = tpu.memref_squeeze %dma_start3A_65 : memref<1x1x100x100xi32, #tpu.memory_space<hbm>> -> memref<100x100xi32, #tpu.memory_space<hbm>>
      tpu.enqueue_dma source(%dma_start3A_66 : memref<100x100xi32, #tpu.memory_space<hbm>>) target(%arg6 : memref<100x100xi32, #tpu.memory_space<vmem>>) target_semaphore(%run_scoped3A_58 : memref<!tpu.dma_semaphore, #tpu.memory_space<semaphore_mem>>)
      %dma_wait3A_67 = arith.constant 0 : i32
      %dma_wait3A_68 = arith.constant 0 : i32
      %dma_wait3A_69 = tpu.memref_slice %arg2[%run_scoped3A, %add3A, %dma_wait3A_67, %dma_wait3A_68] : memref<2x32x100x100xi32, #tpu.memory_space<hbm>> -> memref<1x1x100x100xi32, #tpu.memory_space<hbm>>
      %dma_wait3A_70 = tpu.memref_squeeze %dma_wait3A_69 : memref<1x1x100x100xi32, #tpu.memory_space<hbm>> -> memref<100x100xi32, #tpu.memory_space<hbm>>
      %dma_wait3A_71 = arith.constant 0 : i32
      %dma_wait3A_72 = arith.constant 0 : i32
      %dma_wait3A_73 = tpu.memref_slice %arg2[%run_scoped3A, %add3A, %dma_wait3A_71, %dma_wait3A_72] : memref<2x32x100x100xi32, #tpu.memory_space<hbm>> -> memref<1x1x100x100xi32, #tpu.memory_space<hbm>>
      %dma_wait3A_74 = tpu.memref_squeeze %dma_wait3A_73 : memref<1x1x100x100xi32, #tpu.memory_space<hbm>> -> memref<100x100xi32, #tpu.memory_space<hbm>>
      tpu.wait_dma2 semaphore(%run_scoped3A_58 : memref<!tpu.dma_semaphore, #tpu.memory_space<semaphore_mem>>) src(%dma_wait3A_74 : memref<100x100xi32, #tpu.memory_space<hbm>>) dst(%arg6 : memref<100x100xi32, #tpu.memory_space<vmem>>)
      tpu.yield
    }) : () -> ()
    %mul3A_1 = arith.constant 640 : i32
    %mul3A_2 = arith.muli %arg1, %mul3A_1 : i32
    "tpu.region"() ({
      %run_scoped3A_58 = tpu.sem_alloc : memref<!tpu.dma_semaphore, #tpu.memory_space<semaphore_mem>>
      %dma_start3A_59 = tpu.memref_slice %arg12[%mul3A_2] : memref<10240xf32, #tpu.memory_space<vmem_shared>> -> memref<640xf32, #tpu.memory_space<vmem_shared>>
      tpu.enqueue_dma source(%arg4 : memref<640xf32, #tpu.memory_space<hbm>>) target(%dma_start3A_59 : memref<640xf32, #tpu.memory_space<vmem_shared>>) target_semaphore(%run_scoped3A_58 : memref<!tpu.dma_semaphore, #tpu.memory_space<semaphore_mem>>)
      %dma_wait3A_60 = tpu.memref_slice %arg12[%mul3A_2] : memref<10240xf32, #tpu.memory_space<vmem_shared>> -> memref<640xf32, #tpu.memory_space<vmem_shared>>
      tpu.wait_dma2 semaphore(%run_scoped3A_58 : memref<!tpu.dma_semaphore, #tpu.memory_space<semaphore_mem>>) src(%arg4 : memref<640xf32, #tpu.memory_space<hbm>>) dst(%dma_wait3A_60 : memref<640xf32, #tpu.memory_space<vmem_shared>>)
      tpu.yield
    }) : () -> ()
    %barrier3A = arith.constant 0 : index
    tpu.barrier barrier_id(%barrier3A)
    %dma_start3A = arith.constant 0 : i32
    %dma_start3A_3 = arith.constant 0 : i32
    %dma_start3A_4 = tpu.memref_slice %arg6[%dma_start3A, %dma_start3A_3] : memref<100x100xi32, #tpu.memory_space<vmem>> -> memref<1x100xi32, #tpu.memory_space<vmem>>
    %dma_start3A_5 = tpu.memref_squeeze %dma_start3A_4 : memref<1x100xi32, #tpu.memory_space<vmem>> -> memref<100xi32, #tpu.memory_space<vmem>>
    %dma_start3A_6 = arith.constant 0 : i32
    %dma_start3A_7 = tpu.memref_slice %arg12[%dma_start3A_6] : memref<10240xf32, #tpu.memory_space<vmem_shared>> -> memref<10240xf32, #tpu.memory_space<vmem_shared>>
    tpu.enqueue_indirect_dma source(%arg7 : memref<100xf32, #tpu.memory_space<vmem>>) target(%dma_start3A_7 : memref<10240xf32, #tpu.memory_space<vmem_shared>>) offsets(%dma_start3A_5 : memref<100xi32, #tpu.memory_space<vmem>>) semaphore(%arg8 : memref<!tpu.dma_semaphore, #tpu.memory_space<semaphore_mem>>) {add = true}
    %dma_start3A_8 = arith.constant 1 : i32
    %dma_start3A_9 = arith.constant 0 : i32
    %dma_start3A_10 = tpu.memref_slice %arg6[%dma_start3A_8, %dma_start3A_9] : memref<100x100xi32, #tpu.memory_space<vmem>> -> memref<1x100xi32, #tpu.memory_space<vmem>>
    %dma_start3A_11 = tpu.memref_squeeze %dma_start3A_10 : memref<1x100xi32, #tpu.memory_space<vmem>> -> memref<100xi32, #tpu.memory_space<vmem>>
    %dma_start3A_12 = arith.constant 0 : i32
    %dma_start3A_13 = tpu.memref_slice %arg12[%dma_start3A_12] : memref<10240xf32, #tpu.memory_space<vmem_shared>> -> memref<10240xf32, #tpu.memory_space<vmem_shared>>
    tpu.enqueue_indirect_dma source(%arg7 : memref<100xf32, #tpu.memory_space<vmem>>) target(%dma_start3A_13 : memref<10240xf32, #tpu.memory_space<vmem_shared>>) offsets(%dma_start3A_11 : memref<100xi32, #tpu.memory_space<vmem>>) semaphore(%arg9 : memref<!tpu.dma_semaphore, #tpu.memory_space<semaphore_mem>>) {add = true}
    %dma_start3A_14 = arith.constant 2 : i32
    %dma_start3A_15 = arith.constant 0 : i32
    %dma_start3A_16 = tpu.memref_slice %arg6[%dma_start3A_14, %dma_start3A_15] : memref<100x100xi32, #tpu.memory_space<vmem>> -> memref<1x100xi32, #tpu.memory_space<vmem>>
    %dma_start3A_17 = tpu.memref_squeeze %dma_start3A_16 : memref<1x100xi32, #tpu.memory_space<vmem>> -> memref<100xi32, #tpu.memory_space<vmem>>
    %dma_start3A_18 = arith.constant 0 : i32
    %dma_start3A_19 = tpu.memref_slice %arg12[%dma_start3A_18] : memref<10240xf32, #tpu.memory_space<vmem_shared>> -> memref<10240xf32, #tpu.memory_space<vmem_shared>>
    tpu.enqueue_indirect_dma source(%arg7 : memref<100xf32, #tpu.memory_space<vmem>>) target(%dma_start3A_19 : memref<10240xf32, #tpu.memory_space<vmem_shared>>) offsets(%dma_start3A_17 : memref<100xi32, #tpu.memory_space<vmem>>) semaphore(%arg10 : memref<!tpu.dma_semaphore, #tpu.memory_space<semaphore_mem>>) {add = true}
    %dma_start3A_20 = arith.constant 3 : i32
    %dma_start3A_21 = arith.constant 0 : i32
    %dma_start3A_22 = tpu.memref_slice %arg6[%dma_start3A_20, %dma_start3A_21] : memref<100x100xi32, #tpu.memory_space<vmem>> -> memref<1x100xi32, #tpu.memory_space<vmem>>
    %dma_start3A_23 = tpu.memref_squeeze %dma_start3A_22 : memref<1x100xi32, #tpu.memory_space<vmem>> -> memref<100xi32, #tpu.memory_space<vmem>>
    %dma_start3A_24 = arith.constant 0 : i32
    %dma_start3A_25 = tpu.memref_slice %arg12[%dma_start3A_24] : memref<10240xf32, #tpu.memory_space<vmem_shared>> -> memref<10240xf32, #tpu.memory_space<vmem_shared>>
    tpu.enqueue_indirect_dma source(%arg7 : memref<100xf32, #tpu.memory_space<vmem>>) target(%dma_start3A_25 : memref<10240xf32, #tpu.memory_space<vmem_shared>>) offsets(%dma_start3A_23 : memref<100xi32, #tpu.memory_space<vmem>>) semaphore(%arg11 : memref<!tpu.dma_semaphore, #tpu.memory_space<semaphore_mem>>) {add = true}
    %scan3A = arith.constant 0 : i32
    %scan3A_26 = arith.constant 24 : i32
    %scan3A_27 = arith.addi %scan3A, %scan3A_26 : i32
    %scan3A_28 = arith.constant 1 : i32
    scf.for %scan3A_58 = %scan3A to %scan3A_27 step %scan3A_28  : i32 {
      %mul3A_59 = arith.constant 1 : i32
      %mul3A_60 = arith.muli %scan3A_58, %mul3A_59 : i32
      %add3A_61 = arith.constant 0 : i32
      %add3A_62 = arith.addi %add3A_61, %mul3A_60 : i32
      %mul3A_63 = arith.constant 4 : i32
      %mul3A_64 = arith.muli %mul3A_63, %add3A_62 : i32
      %add3A_65 = arith.constant 0 : i32
      %add3A_66 = arith.addi %mul3A_64, %add3A_65 : i32
      %dma_wait3A_67 = arith.constant 0 : i32
      %dma_wait3A_68 = tpu.memref_slice %arg6[%add3A_66, %dma_wait3A_67] : memref<100x100xi32, #tpu.memory_space<vmem>> -> memref<1x100xi32, #tpu.memory_space<vmem>>
      %dma_wait3A_69 = tpu.memref_squeeze %dma_wait3A_68 : memref<1x100xi32, #tpu.memory_space<vmem>> -> memref<100xi32, #tpu.memory_space<vmem>>
      %dma_wait3A_70 = arith.constant 0 : i32
      %dma_wait3A_71 = tpu.memref_slice %arg12[%dma_wait3A_70] : memref<10240xf32, #tpu.memory_space<vmem_shared>> -> memref<10240xf32, #tpu.memory_space<vmem_shared>>
      tpu.wait_indirect_dma semaphore(%arg8 : memref<!tpu.dma_semaphore, #tpu.memory_space<semaphore_mem>>) src(%arg7 : memref<100xf32, #tpu.memory_space<vmem>>) dst(%dma_wait3A_71 : memref<10240xf32, #tpu.memory_space<vmem_shared>>)
      %add3A_72 = arith.constant 4 : i32
      %add3A_73 = arith.addi %mul3A_64, %add3A_72 : i32
      %add3A_74 = arith.constant 0 : i32
      %add3A_75 = arith.addi %add3A_73, %add3A_74 : i32
      %dma_start3A_76 = arith.constant 0 : i32
      %dma_start3A_77 = tpu.memref_slice %arg6[%add3A_75, %dma_start3A_76] : memref<100x100xi32, #tpu.memory_space<vmem>> -> memref<1x100xi32, #tpu.memory_space<vmem>>
      %dma_start3A_78 = tpu.memref_squeeze %dma_start3A_77 : memref<1x100xi32, #tpu.memory_space<vmem>> -> memref<100xi32, #tpu.memory_space<vmem>>
      %dma_start3A_79 = arith.constant 0 : i32
      %dma_start3A_80 = tpu.memref_slice %arg12[%dma_start3A_79] : memref<10240xf32, #tpu.memory_space<vmem_shared>> -> memref<10240xf32, #tpu.memory_space<vmem_shared>>
      tpu.enqueue_indirect_dma source(%arg7 : memref<100xf32, #tpu.memory_space<vmem>>) target(%dma_start3A_80 : memref<10240xf32, #tpu.memory_space<vmem_shared>>) offsets(%dma_start3A_78 : memref<100xi32, #tpu.memory_space<vmem>>) semaphore(%arg8 : memref<!tpu.dma_semaphore, #tpu.memory_space<semaphore_mem>>) {add = true}
      %add3A_81 = arith.constant 1 : i32
      %add3A_82 = arith.addi %mul3A_64, %add3A_81 : i32
      %dma_wait3A_83 = arith.constant 0 : i32
      %dma_wait3A_84 = tpu.memref_slice %arg6[%add3A_82, %dma_wait3A_83] : memref<100x100xi32, #tpu.memory_space<vmem>> -> memref<1x100xi32, #tpu.memory_space<vmem>>
      %dma_wait3A_85 = tpu.memref_squeeze %dma_wait3A_84 : memref<1x100xi32, #tpu.memory_space<vmem>> -> memref<100xi32, #tpu.memory_space<vmem>>
      %dma_wait3A_86 = arith.constant 0 : i32
      %dma_wait3A_87 = tpu.memref_slice %arg12[%dma_wait3A_86] : memref<10240xf32, #tpu.memory_space<vmem_shared>> -> memref<10240xf32, #tpu.memory_space<vmem_shared>>
      tpu.wait_indirect_dma semaphore(%arg9 : memref<!tpu.dma_semaphore, #tpu.memory_space<semaphore_mem>>) src(%arg7 : memref<100xf32, #tpu.memory_space<vmem>>) dst(%dma_wait3A_87 : memref<10240xf32, #tpu.memory_space<vmem_shared>>)
      %add3A_88 = arith.constant 4 : i32
      %add3A_89 = arith.addi %mul3A_64, %add3A_88 : i32
      %add3A_90 = arith.constant 1 : i32
      %add3A_91 = arith.addi %add3A_89, %add3A_90 : i32
      %dma_start3A_92 = arith.constant 0 : i32
      %dma_start3A_93 = tpu.memref_slice %arg6[%add3A_91, %dma_start3A_92] : memref<100x100xi32, #tpu.memory_space<vmem>> -> memref<1x100xi32, #tpu.memory_space<vmem>>
      %dma_start3A_94 = tpu.memref_squeeze %dma_start3A_93 : memref<1x100xi32, #tpu.memory_space<vmem>> -> memref<100xi32, #tpu.memory_space<vmem>>
      %dma_start3A_95 = arith.constant 0 : i32
      %dma_start3A_96 = tpu.memref_slice %arg12[%dma_start3A_95] : memref<10240xf32, #tpu.memory_space<vmem_shared>> -> memref<10240xf32, #tpu.memory_space<vmem_shared>>
      tpu.enqueue_indirect_dma source(%arg7 : memref<100xf32, #tpu.memory_space<vmem>>) target(%dma_start3A_96 : memref<10240xf32, #tpu.memory_space<vmem_shared>>) offsets(%dma_start3A_94 : memref<100xi32, #tpu.memory_space<vmem>>) semaphore(%arg9 : memref<!tpu.dma_semaphore, #tpu.memory_space<semaphore_mem>>) {add = true}
      %add3A_97 = arith.constant 2 : i32
      %add3A_98 = arith.addi %mul3A_64, %add3A_97 : i32
      %dma_wait3A_99 = arith.constant 0 : i32
      %dma_wait3A_100 = tpu.memref_slice %arg6[%add3A_98, %dma_wait3A_99] : memref<100x100xi32, #tpu.memory_space<vmem>> -> memref<1x100xi32, #tpu.memory_space<vmem>>
      %dma_wait3A_101 = tpu.memref_squeeze %dma_wait3A_100 : memref<1x100xi32, #tpu.memory_space<vmem>> -> memref<100xi32, #tpu.memory_space<vmem>>
      %dma_wait3A_102 = arith.constant 0 : i32
      %dma_wait3A_103 = tpu.memref_slice %arg12[%dma_wait3A_102] : memref<10240xf32, #tpu.memory_space<vmem_shared>> -> memref<10240xf32, #tpu.memory_space<vmem_shared>>
      tpu.wait_indirect_dma semaphore(%arg10 : memref<!tpu.dma_semaphore, #tpu.memory_space<semaphore_mem>>) src(%arg7 : memref<100xf32, #tpu.memory_space<vmem>>) dst(%dma_wait3A_103 : memref<10240xf32, #tpu.memory_space<vmem_shared>>)
      %add3A_104 = arith.constant 4 : i32
      %add3A_105 = arith.addi %mul3A_64, %add3A_104 : i32
      %add3A_106 = arith.constant 2 : i32
      %add3A_107 = arith.addi %add3A_105, %add3A_106 : i32
      %dma_start3A_108 = arith.constant 0 : i32
      %dma_start3A_109 = tpu.memref_slice %arg6[%add3A_107, %dma_start3A_108] : memref<100x100xi32, #tpu.memory_space<vmem>> -> memref<1x100xi32, #tpu.memory_space<vmem>>
      %dma_start3A_110 = tpu.memref_squeeze %dma_start3A_109 : memref<1x100xi32, #tpu.memory_space<vmem>> -> memref<100xi32, #tpu.memory_space<vmem>>
      %dma_start3A_111 = arith.constant 0 : i32
      %dma_start3A_112 = tpu.memref_slice %arg12[%dma_start3A_111] : memref<10240xf32, #tpu.memory_space<vmem_shared>> -> memref<10240xf32, #tpu.memory_space<vmem_shared>>
      tpu.enqueue_indirect_dma source(%arg7 : memref<100xf32, #tpu.memory_space<vmem>>) target(%dma_start3A_112 : memref<10240xf32, #tpu.memory_space<vmem_shared>>) offsets(%dma_start3A_110 : memref<100xi32, #tpu.memory_space<vmem>>) semaphore(%arg10 : memref<!tpu.dma_semaphore, #tpu.memory_space<semaphore_mem>>) {add = true}
      %add3A_113 = arith.constant 3 : i32
      %add3A_114 = arith.addi %mul3A_64, %add3A_113 : i32
      %dma_wait3A_115 = arith.constant 0 : i32
      %dma_wait3A_116 = tpu.memref_slice %arg6[%add3A_114, %dma_wait3A_115] : memref<100x100xi32, #tpu.memory_space<vmem>> -> memref<1x100xi32, #tpu.memory_space<vmem>>
      %dma_wait3A_117 = tpu.memref_squeeze %dma_wait3A_116 : memref<1x100xi32, #tpu.memory_space<vmem>> -> memref<100xi32, #tpu.memory_space<vmem>>
      %dma_wait3A_118 = arith.constant 0 : i32
      %dma_wait3A_119 = tpu.memref_slice %arg12[%dma_wait3A_118] : memref<10240xf32, #tpu.memory_space<vmem_shared>> -> memref<10240xf32, #tpu.memory_space<vmem_shared>>
      tpu.wait_indirect_dma semaphore(%arg11 : memref<!tpu.dma_semaphore, #tpu.memory_space<semaphore_mem>>) src(%arg7 : memref<100xf32, #tpu.memory_space<vmem>>) dst(%dma_wait3A_119 : memref<10240xf32, #tpu.memory_space<vmem_shared>>)
      %add3A_120 = arith.constant 4 : i32
      %add3A_121 = arith.addi %mul3A_64, %add3A_120 : i32
      %add3A_122 = arith.constant 3 : i32
      %add3A_123 = arith.addi %add3A_121, %add3A_122 : i32
      %dma_start3A_124 = arith.constant 0 : i32
      %dma_start3A_125 = tpu.memref_slice %arg6[%add3A_123, %dma_start3A_124] : memref<100x100xi32, #tpu.memory_space<vmem>> -> memref<1x100xi32, #tpu.memory_space<vmem>>
      %dma_start3A_126 = tpu.memref_squeeze %dma_start3A_125 : memref<1x100xi32, #tpu.memory_space<vmem>> -> memref<100xi32, #tpu.memory_space<vmem>>
      %dma_start3A_127 = arith.constant 0 : i32
      %dma_start3A_128 = tpu.memref_slice %arg12[%dma_start3A_127] : memref<10240xf32, #tpu.memory_space<vmem_shared>> -> memref<10240xf32, #tpu.memory_space<vmem_shared>>
      tpu.enqueue_indirect_dma source(%arg7 : memref<100xf32, #tpu.memory_space<vmem>>) target(%dma_start3A_128 : memref<10240xf32, #tpu.memory_space<vmem_shared>>) offsets(%dma_start3A_126 : memref<100xi32, #tpu.memory_space<vmem>>) semaphore(%arg11 : memref<!tpu.dma_semaphore, #tpu.memory_space<semaphore_mem>>) {add = true}
    }
    %scan3A_29 = arith.constant 24 : i32
    %dma_wait3A = arith.constant 96 : i32
    %dma_wait3A_30 = arith.constant 0 : i32
    %dma_wait3A_31 = tpu.memref_slice %arg6[%dma_wait3A, %dma_wait3A_30] : memref<100x100xi32, #tpu.memory_space<vmem>> -> memref<1x100xi32, #tpu.memory_space<vmem>>
    %dma_wait3A_32 = tpu.memref_squeeze %dma_wait3A_31 : memref<1x100xi32, #tpu.memory_space<vmem>> -> memref<100xi32, #tpu.memory_space<vmem>>
    %dma_wait3A_33 = arith.constant 0 : i32
    %dma_wait3A_34 = tpu.memref_slice %arg12[%dma_wait3A_33] : memref<10240xf32, #tpu.memory_space<vmem_shared>> -> memref<10240xf32, #tpu.memory_space<vmem_shared>>
    tpu.wait_indirect_dma semaphore(%arg8 : memref<!tpu.dma_semaphore, #tpu.memory_space<semaphore_mem>>) src(%arg7 : memref<100xf32, #tpu.memory_space<vmem>>) dst(%dma_wait3A_34 : memref<10240xf32, #tpu.memory_space<vmem_shared>>)
    %dma_wait3A_35 = arith.constant 97 : i32
    %dma_wait3A_36 = arith.constant 0 : i32
    %dma_wait3A_37 = tpu.memref_slice %arg6[%dma_wait3A_35, %dma_wait3A_36] : memref<100x100xi32, #tpu.memory_space<vmem>> -> memref<1x100xi32, #tpu.memory_space<vmem>>
    %dma_wait3A_38 = tpu.memref_squeeze %dma_wait3A_37 : memref<1x100xi32, #tpu.memory_space<vmem>> -> memref<100xi32, #tpu.memory_space<vmem>>
    %dma_wait3A_39 = arith.constant 0 : i32
    %dma_wait3A_40 = tpu.memref_slice %arg12[%dma_wait3A_39] : memref<10240xf32, #tpu.memory_space<vmem_shared>> -> memref<10240xf32, #tpu.memory_space<vmem_shared>>
    tpu.wait_indirect_dma semaphore(%arg9 : memref<!tpu.dma_semaphore, #tpu.memory_space<semaphore_mem>>) src(%arg7 : memref<100xf32, #tpu.memory_space<vmem>>) dst(%dma_wait3A_40 : memref<10240xf32, #tpu.memory_space<vmem_shared>>)
    %dma_wait3A_41 = arith.constant 98 : i32
    %dma_wait3A_42 = arith.constant 0 : i32
    %dma_wait3A_43 = tpu.memref_slice %arg6[%dma_wait3A_41, %dma_wait3A_42] : memref<100x100xi32, #tpu.memory_space<vmem>> -> memref<1x100xi32, #tpu.memory_space<vmem>>
    %dma_wait3A_44 = tpu.memref_squeeze %dma_wait3A_43 : memref<1x100xi32, #tpu.memory_space<vmem>> -> memref<100xi32, #tpu.memory_space<vmem>>
    %dma_wait3A_45 = arith.constant 0 : i32
    %dma_wait3A_46 = tpu.memref_slice %arg12[%dma_wait3A_45] : memref<10240xf32, #tpu.memory_space<vmem_shared>> -> memref<10240xf32, #tpu.memory_space<vmem_shared>>
    tpu.wait_indirect_dma semaphore(%arg10 : memref<!tpu.dma_semaphore, #tpu.memory_space<semaphore_mem>>) src(%arg7 : memref<100xf32, #tpu.memory_space<vmem>>) dst(%dma_wait3A_46 : memref<10240xf32, #tpu.memory_space<vmem_shared>>)
    %dma_wait3A_47 = arith.constant 99 : i32
    %dma_wait3A_48 = arith.constant 0 : i32
    %dma_wait3A_49 = tpu.memref_slice %arg6[%dma_wait3A_47, %dma_wait3A_48] : memref<100x100xi32, #tpu.memory_space<vmem>> -> memref<1x100xi32, #tpu.memory_space<vmem>>
    %dma_wait3A_50 = tpu.memref_squeeze %dma_wait3A_49 : memref<1x100xi32, #tpu.memory_space<vmem>> -> memref<100xi32, #tpu.memory_space<vmem>>
    %dma_wait3A_51 = arith.constant 0 : i32
    %dma_wait3A_52 = tpu.memref_slice %arg12[%dma_wait3A_51] : memref<10240xf32, #tpu.memory_space<vmem_shared>> -> memref<10240xf32, #tpu.memory_space<vmem_shared>>
    tpu.wait_indirect_dma semaphore(%arg11 : memref<!tpu.dma_semaphore, #tpu.memory_space<semaphore_mem>>) src(%arg7 : memref<100xf32, #tpu.memory_space<vmem>>) dst(%dma_wait3A_52 : memref<10240xf32, #tpu.memory_space<vmem_shared>>)
    %barrier3A_53 = arith.constant 0 : index
    tpu.barrier barrier_id(%barrier3A_53)
    %mul3A_54 = arith.constant 640 : i32
    %mul3A_55 = arith.muli %arg1, %mul3A_54 : i32
    %mul3A_56 = arith.constant 640 : i32
    %mul3A_57 = arith.muli %arg1, %mul3A_56 : i32
    "tpu.region"() ({
      %run_scoped3A_58 = tpu.sem_alloc : memref<!tpu.dma_semaphore, #tpu.memory_space<semaphore_mem>>
      %dma_start3A_59 = tpu.memref_slice %arg5[%arg0, %mul3A_57] : memref<2x10240xf32, #tpu.memory_space<hbm>> -> memref<1x640xf32, #tpu.memory_space<hbm>>
      %dma_start3A_60 = tpu.memref_squeeze %dma_start3A_59 : memref<1x640xf32, #tpu.memory_space<hbm>> -> memref<640xf32, #tpu.memory_space<hbm>>
      %dma_start3A_61 = tpu.memref_slice %arg12[%mul3A_55] : memref<10240xf32, #tpu.memory_space<vmem_shared>> -> memref<640xf32, #tpu.memory_space<vmem_shared>>
      tpu.enqueue_dma source(%dma_start3A_61 : memref<640xf32, #tpu.memory_space<vmem_shared>>) target(%dma_start3A_60 : memref<640xf32, #tpu.memory_space<hbm>>) target_semaphore(%run_scoped3A_58 : memref<!tpu.dma_semaphore, #tpu.memory_space<semaphore_mem>>)
      %dma_wait3A_62 = tpu.memref_slice %arg5[%arg0, %mul3A_57] : memref<2x10240xf32, #tpu.memory_space<hbm>> -> memref<1x640xf32, #tpu.memory_space<hbm>>
      %dma_wait3A_63 = tpu.memref_squeeze %dma_wait3A_62 : memref<1x640xf32, #tpu.memory_space<hbm>> -> memref<640xf32, #tpu.memory_space<hbm>>
      %dma_wait3A_64 = tpu.memref_slice %arg12[%mul3A_55] : memref<10240xf32, #tpu.memory_space<vmem_shared>> -> memref<640xf32, #tpu.memory_space<vmem_shared>>
      tpu.wait_dma2 semaphore(%run_scoped3A_58 : memref<!tpu.dma_semaphore, #tpu.memory_space<semaphore_mem>>) src(%dma_wait3A_64 : memref<640xf32, #tpu.memory_space<vmem_shared>>) dst(%dma_wait3A_63 : memref<640xf32, #tpu.memory_space<hbm>>)
      tpu.yield
    }) : () -> ()
    return
  }
}

#map = affine_map<(d0, d1) -> (0, 0)>
#map1 = affine_map<(d0, d1) -> (0, 0, 0, 0)>
#map2 = affine_map<(d0, d1) -> (0, 0, 0)>
module attributes {stable_mosaic.version = 14 : i64} {
  func.func @agg_kernel(%arg0: i32, %arg1: i32, %arg2: memref<10000x128xf32, #tpu.memory_space<hbm>>, %arg3: memref<2x32x100x100xi32, #tpu.memory_space<hbm>>, %arg4: memref<640x128xf32, #tpu.memory_space<hbm>>, %arg5: memref<2x10240x128xf32, #tpu.memory_space<hbm>>, %arg6: memref<1x100xi32, #tpu.memory_space<vmem>>, %arg7: memref<1x100xi32, #tpu.memory_space<vmem>>, %arg8: memref<1x100xi32, #tpu.memory_space<vmem>>, %arg9: memref<1x100xi32, #tpu.memory_space<vmem>>, %arg10: memref<1x100xi32, #tpu.memory_space<vmem>>, %arg11: memref<1x100xi32, #tpu.memory_space<vmem>>, %arg12: memref<100x128xf32, #tpu.memory_space<vmem>>, %arg13: memref<100x128xf32, #tpu.memory_space<vmem>>, %arg14: memref<100x128xf32, #tpu.memory_space<vmem>>, %arg15: memref<!tpu.dma_semaphore, #tpu.memory_space<semaphore_mem>>, %arg16: memref<!tpu.dma_semaphore, #tpu.memory_space<semaphore_mem>>, %arg17: memref<!tpu.dma_semaphore, #tpu.memory_space<semaphore_mem>>, %arg18: memref<!tpu.dma_semaphore, #tpu.memory_space<semaphore_mem>>, %arg19: memref<!tpu.dma_semaphore, #tpu.memory_space<semaphore_mem>>, %arg20: memref<!tpu.dma_semaphore, #tpu.memory_space<semaphore_mem>>, %arg21: memref<!tpu.dma_semaphore, #tpu.memory_space<semaphore_mem>>, %arg22: memref<!tpu.dma_semaphore, #tpu.memory_space<semaphore_mem>>, %arg23: memref<!tpu.dma_semaphore, #tpu.memory_space<semaphore_mem>>, %arg24: memref<!tpu.dma_semaphore, #tpu.memory_space<semaphore_mem>>, %arg25: memref<!tpu.dma_semaphore, #tpu.memory_space<semaphore_mem>>, %arg26: memref<!tpu.dma_semaphore, #tpu.memory_space<semaphore_mem>>, %arg27: memref<10240x128xf32, #tpu.memory_space<vmem_shared>>) attributes {dimension_semantics = [#tpu.dimension_semantics<core_parallel>, #tpu.dimension_semantics<subcore_parallel>], iteration_bounds = array<i64: 2, 16>, scalar_prefetch = 0 : i64, scratch_operands = 22 : i64, tpu.core_type = #tpu.core_type<sc_vector_subcore>, window_params = [{transform_indices = #map}, {transform_indices = #map1}, {transform_indices = #map}, {transform_indices = #map2}]} {
    %mul3A = arith.constant 16 : i32
    %mul3A_0 = arith.muli %arg0, %mul3A : i32
    %add3A = arith.addi %mul3A_0, %arg1 : i32
    %dma_start3A = arith.constant 0 : i32
    %dma_start3A_1 = arith.constant 0 : i32
    %dma_start3A_2 = arith.constant 0 : i32
    %dma_start3A_3 = tpu.memref_slice %arg3[%dma_start3A_1, %add3A, %dma_start3A, %dma_start3A_2] : memref<2x32x100x100xi32, #tpu.memory_space<hbm>> -> memref<1x1x1x100xi32, #tpu.memory_space<hbm>>
    %dma_start3A_4 = tpu.memref_squeeze %dma_start3A_3 : memref<1x1x1x100xi32, #tpu.memory_space<hbm>> -> memref<1x100xi32, #tpu.memory_space<hbm>>
    %dma_start3A_5 = arith.constant 0 : i32
    %dma_start3A_6 = arith.constant 0 : i32
    %dma_start3A_7 = tpu.memref_slice %arg3[%dma_start3A_5, %add3A, %dma_start3A, %dma_start3A_6] : memref<2x32x100x100xi32, #tpu.memory_space<hbm>> -> memref<1x1x1x100xi32, #tpu.memory_space<hbm>>
    %dma_start3A_8 = tpu.memref_squeeze %dma_start3A_7 : memref<1x1x1x100xi32, #tpu.memory_space<hbm>> -> memref<1x100xi32, #tpu.memory_space<hbm>>
    tpu.enqueue_dma source(%dma_start3A_8 : memref<1x100xi32, #tpu.memory_space<hbm>>) target(%arg6 : memref<1x100xi32, #tpu.memory_space<vmem>>) target_semaphore(%arg15 : memref<!tpu.dma_semaphore, #tpu.memory_space<semaphore_mem>>)
    %dma_start3A_9 = arith.constant 0 : i32
    %dma_start3A_10 = arith.constant 1 : i32
    %dma_start3A_11 = arith.constant 0 : i32
    %dma_start3A_12 = tpu.memref_slice %arg3[%dma_start3A_10, %add3A, %dma_start3A_9, %dma_start3A_11] : memref<2x32x100x100xi32, #tpu.memory_space<hbm>> -> memref<1x1x1x100xi32, #tpu.memory_space<hbm>>
    %dma_start3A_13 = tpu.memref_squeeze %dma_start3A_12 : memref<1x1x1x100xi32, #tpu.memory_space<hbm>> -> memref<1x100xi32, #tpu.memory_space<hbm>>
    %dma_start3A_14 = arith.constant 1 : i32
    %dma_start3A_15 = arith.constant 0 : i32
    %dma_start3A_16 = tpu.memref_slice %arg3[%dma_start3A_14, %add3A, %dma_start3A_9, %dma_start3A_15] : memref<2x32x100x100xi32, #tpu.memory_space<hbm>> -> memref<1x1x1x100xi32, #tpu.memory_space<hbm>>
    %dma_start3A_17 = tpu.memref_squeeze %dma_start3A_16 : memref<1x1x1x100xi32, #tpu.memory_space<hbm>> -> memref<1x100xi32, #tpu.memory_space<hbm>>
    tpu.enqueue_dma source(%dma_start3A_17 : memref<1x100xi32, #tpu.memory_space<hbm>>) target(%arg9 : memref<1x100xi32, #tpu.memory_space<vmem>>) target_semaphore(%arg18 : memref<!tpu.dma_semaphore, #tpu.memory_space<semaphore_mem>>)
    %dma_start3A_18 = arith.constant 1 : i32
    %dma_start3A_19 = arith.constant 0 : i32
    %dma_start3A_20 = arith.constant 0 : i32
    %dma_start3A_21 = tpu.memref_slice %arg3[%dma_start3A_19, %add3A, %dma_start3A_18, %dma_start3A_20] : memref<2x32x100x100xi32, #tpu.memory_space<hbm>> -> memref<1x1x1x100xi32, #tpu.memory_space<hbm>>
    %dma_start3A_22 = tpu.memref_squeeze %dma_start3A_21 : memref<1x1x1x100xi32, #tpu.memory_space<hbm>> -> memref<1x100xi32, #tpu.memory_space<hbm>>
    %dma_start3A_23 = arith.constant 0 : i32
    %dma_start3A_24 = arith.constant 0 : i32
    %dma_start3A_25 = tpu.memref_slice %arg3[%dma_start3A_23, %add3A, %dma_start3A_18, %dma_start3A_24] : memref<2x32x100x100xi32, #tpu.memory_space<hbm>> -> memref<1x1x1x100xi32, #tpu.memory_space<hbm>>
    %dma_start3A_26 = tpu.memref_squeeze %dma_start3A_25 : memref<1x1x1x100xi32, #tpu.memory_space<hbm>> -> memref<1x100xi32, #tpu.memory_space<hbm>>
    tpu.enqueue_dma source(%dma_start3A_26 : memref<1x100xi32, #tpu.memory_space<hbm>>) target(%arg7 : memref<1x100xi32, #tpu.memory_space<vmem>>) target_semaphore(%arg16 : memref<!tpu.dma_semaphore, #tpu.memory_space<semaphore_mem>>)
    %dma_start3A_27 = arith.constant 1 : i32
    %dma_start3A_28 = arith.constant 1 : i32
    %dma_start3A_29 = arith.constant 0 : i32
    %dma_start3A_30 = tpu.memref_slice %arg3[%dma_start3A_28, %add3A, %dma_start3A_27, %dma_start3A_29] : memref<2x32x100x100xi32, #tpu.memory_space<hbm>> -> memref<1x1x1x100xi32, #tpu.memory_space<hbm>>
    %dma_start3A_31 = tpu.memref_squeeze %dma_start3A_30 : memref<1x1x1x100xi32, #tpu.memory_space<hbm>> -> memref<1x100xi32, #tpu.memory_space<hbm>>
    %dma_start3A_32 = arith.constant 1 : i32
    %dma_start3A_33 = arith.constant 0 : i32
    %dma_start3A_34 = tpu.memref_slice %arg3[%dma_start3A_32, %add3A, %dma_start3A_27, %dma_start3A_33] : memref<2x32x100x100xi32, #tpu.memory_space<hbm>> -> memref<1x1x1x100xi32, #tpu.memory_space<hbm>>
    %dma_start3A_35 = tpu.memref_squeeze %dma_start3A_34 : memref<1x1x1x100xi32, #tpu.memory_space<hbm>> -> memref<1x100xi32, #tpu.memory_space<hbm>>
    tpu.enqueue_dma source(%dma_start3A_35 : memref<1x100xi32, #tpu.memory_space<hbm>>) target(%arg10 : memref<1x100xi32, #tpu.memory_space<vmem>>) target_semaphore(%arg19 : memref<!tpu.dma_semaphore, #tpu.memory_space<semaphore_mem>>)
    %dma_start3A_36 = arith.constant 2 : i32
    %dma_start3A_37 = arith.constant 0 : i32
    %dma_start3A_38 = arith.constant 0 : i32
    %dma_start3A_39 = tpu.memref_slice %arg3[%dma_start3A_37, %add3A, %dma_start3A_36, %dma_start3A_38] : memref<2x32x100x100xi32, #tpu.memory_space<hbm>> -> memref<1x1x1x100xi32, #tpu.memory_space<hbm>>
    %dma_start3A_40 = tpu.memref_squeeze %dma_start3A_39 : memref<1x1x1x100xi32, #tpu.memory_space<hbm>> -> memref<1x100xi32, #tpu.memory_space<hbm>>
    %dma_start3A_41 = arith.constant 0 : i32
    %dma_start3A_42 = arith.constant 0 : i32
    %dma_start3A_43 = tpu.memref_slice %arg3[%dma_start3A_41, %add3A, %dma_start3A_36, %dma_start3A_42] : memref<2x32x100x100xi32, #tpu.memory_space<hbm>> -> memref<1x1x1x100xi32, #tpu.memory_space<hbm>>
    %dma_start3A_44 = tpu.memref_squeeze %dma_start3A_43 : memref<1x1x1x100xi32, #tpu.memory_space<hbm>> -> memref<1x100xi32, #tpu.memory_space<hbm>>
    tpu.enqueue_dma source(%dma_start3A_44 : memref<1x100xi32, #tpu.memory_space<hbm>>) target(%arg8 : memref<1x100xi32, #tpu.memory_space<vmem>>) target_semaphore(%arg17 : memref<!tpu.dma_semaphore, #tpu.memory_space<semaphore_mem>>)
    %dma_start3A_45 = arith.constant 2 : i32
    %dma_start3A_46 = arith.constant 1 : i32
    %dma_start3A_47 = arith.constant 0 : i32
    %dma_start3A_48 = tpu.memref_slice %arg3[%dma_start3A_46, %add3A, %dma_start3A_45, %dma_start3A_47] : memref<2x32x100x100xi32, #tpu.memory_space<hbm>> -> memref<1x1x1x100xi32, #tpu.memory_space<hbm>>
    %dma_start3A_49 = tpu.memref_squeeze %dma_start3A_48 : memref<1x1x1x100xi32, #tpu.memory_space<hbm>> -> memref<1x100xi32, #tpu.memory_space<hbm>>
    %dma_start3A_50 = arith.constant 1 : i32
    %dma_start3A_51 = arith.constant 0 : i32
    %dma_start3A_52 = tpu.memref_slice %arg3[%dma_start3A_50, %add3A, %dma_start3A_45, %dma_start3A_51] : memref<2x32x100x100xi32, #tpu.memory_space<hbm>> -> memref<1x1x1x100xi32, #tpu.memory_space<hbm>>
    %dma_start3A_53 = tpu.memref_squeeze %dma_start3A_52 : memref<1x1x1x100xi32, #tpu.memory_space<hbm>> -> memref<1x100xi32, #tpu.memory_space<hbm>>
    tpu.enqueue_dma source(%dma_start3A_53 : memref<1x100xi32, #tpu.memory_space<hbm>>) target(%arg11 : memref<1x100xi32, #tpu.memory_space<vmem>>) target_semaphore(%arg20 : memref<!tpu.dma_semaphore, #tpu.memory_space<semaphore_mem>>)
    %dma_wait3A = arith.constant 0 : i32
    %dma_wait3A_54 = arith.constant 0 : i32
    %dma_wait3A_55 = arith.constant 0 : i32
    %dma_wait3A_56 = tpu.memref_slice %arg3[%dma_wait3A_54, %add3A, %dma_wait3A, %dma_wait3A_55] : memref<2x32x100x100xi32, #tpu.memory_space<hbm>> -> memref<1x1x1x100xi32, #tpu.memory_space<hbm>>
    %dma_wait3A_57 = tpu.memref_squeeze %dma_wait3A_56 : memref<1x1x1x100xi32, #tpu.memory_space<hbm>> -> memref<1x100xi32, #tpu.memory_space<hbm>>
    %dma_wait3A_58 = arith.constant 0 : i32
    %dma_wait3A_59 = arith.constant 0 : i32
    %dma_wait3A_60 = tpu.memref_slice %arg3[%dma_wait3A_58, %add3A, %dma_wait3A, %dma_wait3A_59] : memref<2x32x100x100xi32, #tpu.memory_space<hbm>> -> memref<1x1x1x100xi32, #tpu.memory_space<hbm>>
    %dma_wait3A_61 = tpu.memref_squeeze %dma_wait3A_60 : memref<1x1x1x100xi32, #tpu.memory_space<hbm>> -> memref<1x100xi32, #tpu.memory_space<hbm>>
    tpu.wait_dma2 semaphore(%arg15 : memref<!tpu.dma_semaphore, #tpu.memory_space<semaphore_mem>>) src(%dma_wait3A_61 : memref<1x100xi32, #tpu.memory_space<hbm>>) dst(%arg6 : memref<1x100xi32, #tpu.memory_space<vmem>>)
    %dma_start3A_62 = arith.constant 0 : i32
    %dma_start3A_63 = arith.constant 0 : i32
    %dma_start3A_64 = tpu.memref_slice %arg6[%dma_start3A_62, %dma_start3A_63] : memref<1x100xi32, #tpu.memory_space<vmem>> -> memref<1x100xi32, #tpu.memory_space<vmem>>
    %dma_start3A_65 = tpu.memref_squeeze %dma_start3A_64 : memref<1x100xi32, #tpu.memory_space<vmem>> -> memref<100xi32, #tpu.memory_space<vmem>>
    %dma_start3A_66 = arith.constant 0 : i32
    %dma_start3A_67 = arith.constant 0 : i32
    %dma_start3A_68 = tpu.memref_slice %arg2[%dma_start3A_66, %dma_start3A_67] : memref<10000x128xf32, #tpu.memory_space<hbm>> -> memref<10000x128xf32, #tpu.memory_space<hbm>>
    tpu.enqueue_indirect_dma source(%dma_start3A_68 : memref<10000x128xf32, #tpu.memory_space<hbm>>) target(%arg12 : memref<100x128xf32, #tpu.memory_space<vmem>>) offsets(%dma_start3A_65 : memref<100xi32, #tpu.memory_space<vmem>>) semaphore(%arg21 : memref<!tpu.dma_semaphore, #tpu.memory_space<semaphore_mem>>)
    %dma_wait3A_69 = arith.constant 1 : i32
    %dma_wait3A_70 = arith.constant 0 : i32
    %dma_wait3A_71 = arith.constant 0 : i32
    %dma_wait3A_72 = tpu.memref_slice %arg3[%dma_wait3A_70, %add3A, %dma_wait3A_69, %dma_wait3A_71] : memref<2x32x100x100xi32, #tpu.memory_space<hbm>> -> memref<1x1x1x100xi32, #tpu.memory_space<hbm>>
    %dma_wait3A_73 = tpu.memref_squeeze %dma_wait3A_72 : memref<1x1x1x100xi32, #tpu.memory_space<hbm>> -> memref<1x100xi32, #tpu.memory_space<hbm>>
    %dma_wait3A_74 = arith.constant 0 : i32
    %dma_wait3A_75 = arith.constant 0 : i32
    %dma_wait3A_76 = tpu.memref_slice %arg3[%dma_wait3A_74, %add3A, %dma_wait3A_69, %dma_wait3A_75] : memref<2x32x100x100xi32, #tpu.memory_space<hbm>> -> memref<1x1x1x100xi32, #tpu.memory_space<hbm>>
    %dma_wait3A_77 = tpu.memref_squeeze %dma_wait3A_76 : memref<1x1x1x100xi32, #tpu.memory_space<hbm>> -> memref<1x100xi32, #tpu.memory_space<hbm>>
    tpu.wait_dma2 semaphore(%arg16 : memref<!tpu.dma_semaphore, #tpu.memory_space<semaphore_mem>>) src(%dma_wait3A_77 : memref<1x100xi32, #tpu.memory_space<hbm>>) dst(%arg7 : memref<1x100xi32, #tpu.memory_space<vmem>>)
    %dma_start3A_78 = arith.constant 0 : i32
    %dma_start3A_79 = arith.constant 0 : i32
    %dma_start3A_80 = tpu.memref_slice %arg7[%dma_start3A_78, %dma_start3A_79] : memref<1x100xi32, #tpu.memory_space<vmem>> -> memref<1x100xi32, #tpu.memory_space<vmem>>
    %dma_start3A_81 = tpu.memref_squeeze %dma_start3A_80 : memref<1x100xi32, #tpu.memory_space<vmem>> -> memref<100xi32, #tpu.memory_space<vmem>>
    %dma_start3A_82 = arith.constant 0 : i32
    %dma_start3A_83 = arith.constant 0 : i32
    %dma_start3A_84 = tpu.memref_slice %arg2[%dma_start3A_82, %dma_start3A_83] : memref<10000x128xf32, #tpu.memory_space<hbm>> -> memref<10000x128xf32, #tpu.memory_space<hbm>>
    tpu.enqueue_indirect_dma source(%dma_start3A_84 : memref<10000x128xf32, #tpu.memory_space<hbm>>) target(%arg13 : memref<100x128xf32, #tpu.memory_space<vmem>>) offsets(%dma_start3A_81 : memref<100xi32, #tpu.memory_space<vmem>>) semaphore(%arg22 : memref<!tpu.dma_semaphore, #tpu.memory_space<semaphore_mem>>)
    %dma_wait3A_85 = arith.constant 2 : i32
    %dma_wait3A_86 = arith.constant 0 : i32
    %dma_wait3A_87 = arith.constant 0 : i32
    %dma_wait3A_88 = tpu.memref_slice %arg3[%dma_wait3A_86, %add3A, %dma_wait3A_85, %dma_wait3A_87] : memref<2x32x100x100xi32, #tpu.memory_space<hbm>> -> memref<1x1x1x100xi32, #tpu.memory_space<hbm>>
    %dma_wait3A_89 = tpu.memref_squeeze %dma_wait3A_88 : memref<1x1x1x100xi32, #tpu.memory_space<hbm>> -> memref<1x100xi32, #tpu.memory_space<hbm>>
    %dma_wait3A_90 = arith.constant 0 : i32
    %dma_wait3A_91 = arith.constant 0 : i32
    %dma_wait3A_92 = tpu.memref_slice %arg3[%dma_wait3A_90, %add3A, %dma_wait3A_85, %dma_wait3A_91] : memref<2x32x100x100xi32, #tpu.memory_space<hbm>> -> memref<1x1x1x100xi32, #tpu.memory_space<hbm>>
    %dma_wait3A_93 = tpu.memref_squeeze %dma_wait3A_92 : memref<1x1x1x100xi32, #tpu.memory_space<hbm>> -> memref<1x100xi32, #tpu.memory_space<hbm>>
    tpu.wait_dma2 semaphore(%arg17 : memref<!tpu.dma_semaphore, #tpu.memory_space<semaphore_mem>>) src(%dma_wait3A_93 : memref<1x100xi32, #tpu.memory_space<hbm>>) dst(%arg8 : memref<1x100xi32, #tpu.memory_space<vmem>>)
    %dma_start3A_94 = arith.constant 0 : i32
    %dma_start3A_95 = arith.constant 0 : i32
    %dma_start3A_96 = tpu.memref_slice %arg8[%dma_start3A_94, %dma_start3A_95] : memref<1x100xi32, #tpu.memory_space<vmem>> -> memref<1x100xi32, #tpu.memory_space<vmem>>
    %dma_start3A_97 = tpu.memref_squeeze %dma_start3A_96 : memref<1x100xi32, #tpu.memory_space<vmem>> -> memref<100xi32, #tpu.memory_space<vmem>>
    %dma_start3A_98 = arith.constant 0 : i32
    %dma_start3A_99 = arith.constant 0 : i32
    %dma_start3A_100 = tpu.memref_slice %arg2[%dma_start3A_98, %dma_start3A_99] : memref<10000x128xf32, #tpu.memory_space<hbm>> -> memref<10000x128xf32, #tpu.memory_space<hbm>>
    tpu.enqueue_indirect_dma source(%dma_start3A_100 : memref<10000x128xf32, #tpu.memory_space<hbm>>) target(%arg14 : memref<100x128xf32, #tpu.memory_space<vmem>>) offsets(%dma_start3A_97 : memref<100xi32, #tpu.memory_space<vmem>>) semaphore(%arg23 : memref<!tpu.dma_semaphore, #tpu.memory_space<semaphore_mem>>)
    %mul3A_101 = arith.constant 640 : i32
    %mul3A_102 = arith.muli %arg1, %mul3A_101 : i32
    "tpu.region"() ({
      %run_scoped3A = tpu.sem_alloc : memref<!tpu.dma_semaphore, #tpu.memory_space<semaphore_mem>>
      %dma_start3A_142 = arith.constant 0 : i32
      %dma_start3A_143 = tpu.memref_slice %arg27[%mul3A_102, %dma_start3A_142] : memref<10240x128xf32, #tpu.memory_space<vmem_shared>> -> memref<640x128xf32, #tpu.memory_space<vmem_shared>>
      tpu.enqueue_dma source(%arg4 : memref<640x128xf32, #tpu.memory_space<hbm>>) target(%dma_start3A_143 : memref<640x128xf32, #tpu.memory_space<vmem_shared>>) target_semaphore(%run_scoped3A : memref<!tpu.dma_semaphore, #tpu.memory_space<semaphore_mem>>)
      %dma_wait3A_144 = arith.constant 0 : i32
      %dma_wait3A_145 = tpu.memref_slice %arg27[%mul3A_102, %dma_wait3A_144] : memref<10240x128xf32, #tpu.memory_space<vmem_shared>> -> memref<640x128xf32, #tpu.memory_space<vmem_shared>>
      tpu.wait_dma2 semaphore(%run_scoped3A : memref<!tpu.dma_semaphore, #tpu.memory_space<semaphore_mem>>) src(%arg4 : memref<640x128xf32, #tpu.memory_space<hbm>>) dst(%dma_wait3A_145 : memref<640x128xf32, #tpu.memory_space<vmem_shared>>)
      tpu.yield
    }) : () -> ()
    %barrier3A = arith.constant 0 : index
    tpu.barrier barrier_id(%barrier3A)
    %scan3A = arith.constant 0 : i32
    %scan3A_103 = arith.constant 33 : i32
    %scan3A_104 = arith.addi %scan3A, %scan3A_103 : i32
    %scan3A_105 = arith.constant 1 : i32
    scf.for %scan3A_142 = %scan3A to %scan3A_104 step %scan3A_105  : i32 {
      %mul3A_143 = arith.constant 1 : i32
      %mul3A_144 = arith.muli %scan3A_142, %mul3A_143 : i32
      %add3A_145 = arith.constant 0 : i32
      %add3A_146 = arith.addi %add3A_145, %mul3A_144 : i32
      %mul3A_147 = arith.constant 3 : i32
      %mul3A_148 = arith.muli %mul3A_147, %add3A_146 : i32
      %add3A_149 = arith.constant 0 : i32
      %add3A_150 = arith.addi %mul3A_148, %add3A_149 : i32
      %dma_wait3A_151 = arith.constant 0 : i32
      %dma_wait3A_152 = arith.constant 0 : i32
      %dma_wait3A_153 = tpu.memref_slice %arg6[%dma_wait3A_151, %dma_wait3A_152] : memref<1x100xi32, #tpu.memory_space<vmem>> -> memref<1x100xi32, #tpu.memory_space<vmem>>
      %dma_wait3A_154 = tpu.memref_squeeze %dma_wait3A_153 : memref<1x100xi32, #tpu.memory_space<vmem>> -> memref<100xi32, #tpu.memory_space<vmem>>
      %dma_wait3A_155 = arith.constant 0 : i32
      %dma_wait3A_156 = arith.constant 0 : i32
      %dma_wait3A_157 = tpu.memref_slice %arg2[%dma_wait3A_155, %dma_wait3A_156] : memref<10000x128xf32, #tpu.memory_space<hbm>> -> memref<10000x128xf32, #tpu.memory_space<hbm>>
      tpu.wait_indirect_dma semaphore(%arg21 : memref<!tpu.dma_semaphore, #tpu.memory_space<semaphore_mem>>) src(%dma_wait3A_157 : memref<10000x128xf32, #tpu.memory_space<hbm>>) dst(%arg12 : memref<100x128xf32, #tpu.memory_space<vmem>>)
      %add3A_158 = arith.constant 0 : i32
      %add3A_159 = arith.addi %mul3A_148, %add3A_158 : i32
      %dma_wait3A_160 = arith.constant 1 : i32
      %dma_wait3A_161 = arith.constant 0 : i32
      %dma_wait3A_162 = tpu.memref_slice %arg3[%dma_wait3A_160, %add3A, %add3A_159, %dma_wait3A_161] : memref<2x32x100x100xi32, #tpu.memory_space<hbm>> -> memref<1x1x1x100xi32, #tpu.memory_space<hbm>>
      %dma_wait3A_163 = tpu.memref_squeeze %dma_wait3A_162 : memref<1x1x1x100xi32, #tpu.memory_space<hbm>> -> memref<1x100xi32, #tpu.memory_space<hbm>>
      %dma_wait3A_164 = arith.constant 1 : i32
      %dma_wait3A_165 = arith.constant 0 : i32
      %dma_wait3A_166 = tpu.memref_slice %arg3[%dma_wait3A_164, %add3A, %add3A_159, %dma_wait3A_165] : memref<2x32x100x100xi32, #tpu.memory_space<hbm>> -> memref<1x1x1x100xi32, #tpu.memory_space<hbm>>
      %dma_wait3A_167 = tpu.memref_squeeze %dma_wait3A_166 : memref<1x1x1x100xi32, #tpu.memory_space<hbm>> -> memref<1x100xi32, #tpu.memory_space<hbm>>
      tpu.wait_dma2 semaphore(%arg18 : memref<!tpu.dma_semaphore, #tpu.memory_space<semaphore_mem>>) src(%dma_wait3A_167 : memref<1x100xi32, #tpu.memory_space<hbm>>) dst(%arg9 : memref<1x100xi32, #tpu.memory_space<vmem>>)
      %add3A_168 = arith.constant 0 : i32
      %add3A_169 = arith.addi %mul3A_148, %add3A_168 : i32
      %dma_start3A_170 = arith.constant 0 : i32
      %dma_start3A_171 = arith.constant 0 : i32
      %dma_start3A_172 = tpu.memref_slice %arg9[%dma_start3A_170, %dma_start3A_171] : memref<1x100xi32, #tpu.memory_space<vmem>> -> memref<1x100xi32, #tpu.memory_space<vmem>>
      %dma_start3A_173 = tpu.memref_squeeze %dma_start3A_172 : memref<1x100xi32, #tpu.memory_space<vmem>> -> memref<100xi32, #tpu.memory_space<vmem>>
      %dma_start3A_174 = arith.constant 0 : i32
      %dma_start3A_175 = arith.constant 0 : i32
      %dma_start3A_176 = tpu.memref_slice %arg27[%dma_start3A_174, %dma_start3A_175] : memref<10240x128xf32, #tpu.memory_space<vmem_shared>> -> memref<10240x128xf32, #tpu.memory_space<vmem_shared>>
      tpu.enqueue_indirect_dma source(%arg12 : memref<100x128xf32, #tpu.memory_space<vmem>>) target(%dma_start3A_176 : memref<10240x128xf32, #tpu.memory_space<vmem_shared>>) offsets(%dma_start3A_173 : memref<100xi32, #tpu.memory_space<vmem>>) semaphore(%arg24 : memref<!tpu.dma_semaphore, #tpu.memory_space<semaphore_mem>>) {add = true}
      %add3A_177 = arith.constant 3 : i32
      %add3A_178 = arith.addi %mul3A_148, %add3A_177 : i32
      %add3A_179 = arith.constant 0 : i32
      %add3A_180 = arith.addi %add3A_178, %add3A_179 : i32
      %lt3A = arith.constant 100 : i32
      %lt3A_181 = arith.cmpi slt, %add3A_180, %lt3A : i32
      %convert_element_type3A = arith.extui %lt3A_181 : i1 to i32
      %cond3A = arith.constant 0 : i32
      %cond3A_182 = arith.cmpi ne, %convert_element_type3A, %cond3A : i32
      scf.if %cond3A_182 {
        %add3A_311 = arith.constant 3 : i32
        %add3A_312 = arith.addi %mul3A_148, %add3A_311 : i32
        %add3A_313 = arith.constant 0 : i32
        %add3A_314 = arith.addi %add3A_312, %add3A_313 : i32
        %dma_start3A_315 = arith.constant 0 : i32
        %dma_start3A_316 = arith.constant 0 : i32
        %dma_start3A_317 = tpu.memref_slice %arg3[%dma_start3A_315, %add3A, %add3A_314, %dma_start3A_316] : memref<2x32x100x100xi32, #tpu.memory_space<hbm>> -> memref<1x1x1x100xi32, #tpu.memory_space<hbm>>
        %dma_start3A_318 = tpu.memref_squeeze %dma_start3A_317 : memref<1x1x1x100xi32, #tpu.memory_space<hbm>> -> memref<1x100xi32, #tpu.memory_space<hbm>>
        %dma_start3A_319 = arith.constant 0 : i32
        %dma_start3A_320 = arith.constant 0 : i32
        %dma_start3A_321 = tpu.memref_slice %arg3[%dma_start3A_319, %add3A, %add3A_314, %dma_start3A_320] : memref<2x32x100x100xi32, #tpu.memory_space<hbm>> -> memref<1x1x1x100xi32, #tpu.memory_space<hbm>>
        %dma_start3A_322 = tpu.memref_squeeze %dma_start3A_321 : memref<1x1x1x100xi32, #tpu.memory_space<hbm>> -> memref<1x100xi32, #tpu.memory_space<hbm>>
        tpu.enqueue_dma source(%dma_start3A_322 : memref<1x100xi32, #tpu.memory_space<hbm>>) target(%arg6 : memref<1x100xi32, #tpu.memory_space<vmem>>) target_semaphore(%arg15 : memref<!tpu.dma_semaphore, #tpu.memory_space<semaphore_mem>>)
      } else {
      }
      %add3A_183 = arith.constant 1 : i32
      %add3A_184 = arith.addi %mul3A_148, %add3A_183 : i32
      %dma_wait3A_185 = arith.constant 0 : i32
      %dma_wait3A_186 = arith.constant 0 : i32
      %dma_wait3A_187 = tpu.memref_slice %arg7[%dma_wait3A_185, %dma_wait3A_186] : memref<1x100xi32, #tpu.memory_space<vmem>> -> memref<1x100xi32, #tpu.memory_space<vmem>>
      %dma_wait3A_188 = tpu.memref_squeeze %dma_wait3A_187 : memref<1x100xi32, #tpu.memory_space<vmem>> -> memref<100xi32, #tpu.memory_space<vmem>>
      %dma_wait3A_189 = arith.constant 0 : i32
      %dma_wait3A_190 = arith.constant 0 : i32
      %dma_wait3A_191 = tpu.memref_slice %arg2[%dma_wait3A_189, %dma_wait3A_190] : memref<10000x128xf32, #tpu.memory_space<hbm>> -> memref<10000x128xf32, #tpu.memory_space<hbm>>
      tpu.wait_indirect_dma semaphore(%arg22 : memref<!tpu.dma_semaphore, #tpu.memory_space<semaphore_mem>>) src(%dma_wait3A_191 : memref<10000x128xf32, #tpu.memory_space<hbm>>) dst(%arg13 : memref<100x128xf32, #tpu.memory_space<vmem>>)
      %add3A_192 = arith.constant 1 : i32
      %add3A_193 = arith.addi %mul3A_148, %add3A_192 : i32
      %dma_wait3A_194 = arith.constant 1 : i32
      %dma_wait3A_195 = arith.constant 0 : i32
      %dma_wait3A_196 = tpu.memref_slice %arg3[%dma_wait3A_194, %add3A, %add3A_193, %dma_wait3A_195] : memref<2x32x100x100xi32, #tpu.memory_space<hbm>> -> memref<1x1x1x100xi32, #tpu.memory_space<hbm>>
      %dma_wait3A_197 = tpu.memref_squeeze %dma_wait3A_196 : memref<1x1x1x100xi32, #tpu.memory_space<hbm>> -> memref<1x100xi32, #tpu.memory_space<hbm>>
      %dma_wait3A_198 = arith.constant 1 : i32
      %dma_wait3A_199 = arith.constant 0 : i32
      %dma_wait3A_200 = tpu.memref_slice %arg3[%dma_wait3A_198, %add3A, %add3A_193, %dma_wait3A_199] : memref<2x32x100x100xi32, #tpu.memory_space<hbm>> -> memref<1x1x1x100xi32, #tpu.memory_space<hbm>>
      %dma_wait3A_201 = tpu.memref_squeeze %dma_wait3A_200 : memref<1x1x1x100xi32, #tpu.memory_space<hbm>> -> memref<1x100xi32, #tpu.memory_space<hbm>>
      tpu.wait_dma2 semaphore(%arg19 : memref<!tpu.dma_semaphore, #tpu.memory_space<semaphore_mem>>) src(%dma_wait3A_201 : memref<1x100xi32, #tpu.memory_space<hbm>>) dst(%arg10 : memref<1x100xi32, #tpu.memory_space<vmem>>)
      %add3A_202 = arith.constant 1 : i32
      %add3A_203 = arith.addi %mul3A_148, %add3A_202 : i32
      %dma_start3A_204 = arith.constant 0 : i32
      %dma_start3A_205 = arith.constant 0 : i32
      %dma_start3A_206 = tpu.memref_slice %arg10[%dma_start3A_204, %dma_start3A_205] : memref<1x100xi32, #tpu.memory_space<vmem>> -> memref<1x100xi32, #tpu.memory_space<vmem>>
      %dma_start3A_207 = tpu.memref_squeeze %dma_start3A_206 : memref<1x100xi32, #tpu.memory_space<vmem>> -> memref<100xi32, #tpu.memory_space<vmem>>
      %dma_start3A_208 = arith.constant 0 : i32
      %dma_start3A_209 = arith.constant 0 : i32
      %dma_start3A_210 = tpu.memref_slice %arg27[%dma_start3A_208, %dma_start3A_209] : memref<10240x128xf32, #tpu.memory_space<vmem_shared>> -> memref<10240x128xf32, #tpu.memory_space<vmem_shared>>
      tpu.enqueue_indirect_dma source(%arg13 : memref<100x128xf32, #tpu.memory_space<vmem>>) target(%dma_start3A_210 : memref<10240x128xf32, #tpu.memory_space<vmem_shared>>) offsets(%dma_start3A_207 : memref<100xi32, #tpu.memory_space<vmem>>) semaphore(%arg25 : memref<!tpu.dma_semaphore, #tpu.memory_space<semaphore_mem>>) {add = true}
      %add3A_211 = arith.constant 3 : i32
      %add3A_212 = arith.addi %mul3A_148, %add3A_211 : i32
      %add3A_213 = arith.constant 1 : i32
      %add3A_214 = arith.addi %add3A_212, %add3A_213 : i32
      %lt3A_215 = arith.constant 100 : i32
      %lt3A_216 = arith.cmpi slt, %add3A_214, %lt3A_215 : i32
      %convert_element_type3A_217 = arith.extui %lt3A_216 : i1 to i32
      %cond3A_218 = arith.constant 0 : i32
      %cond3A_219 = arith.cmpi ne, %convert_element_type3A_217, %cond3A_218 : i32
      scf.if %cond3A_219 {
        %add3A_311 = arith.constant 3 : i32
        %add3A_312 = arith.addi %mul3A_148, %add3A_311 : i32
        %add3A_313 = arith.constant 1 : i32
        %add3A_314 = arith.addi %add3A_312, %add3A_313 : i32
        %dma_start3A_315 = arith.constant 0 : i32
        %dma_start3A_316 = arith.constant 0 : i32
        %dma_start3A_317 = tpu.memref_slice %arg3[%dma_start3A_315, %add3A, %add3A_314, %dma_start3A_316] : memref<2x32x100x100xi32, #tpu.memory_space<hbm>> -> memref<1x1x1x100xi32, #tpu.memory_space<hbm>>
        %dma_start3A_318 = tpu.memref_squeeze %dma_start3A_317 : memref<1x1x1x100xi32, #tpu.memory_space<hbm>> -> memref<1x100xi32, #tpu.memory_space<hbm>>
        %dma_start3A_319 = arith.constant 0 : i32
        %dma_start3A_320 = arith.constant 0 : i32
        %dma_start3A_321 = tpu.memref_slice %arg3[%dma_start3A_319, %add3A, %add3A_314, %dma_start3A_320] : memref<2x32x100x100xi32, #tpu.memory_space<hbm>> -> memref<1x1x1x100xi32, #tpu.memory_space<hbm>>
        %dma_start3A_322 = tpu.memref_squeeze %dma_start3A_321 : memref<1x1x1x100xi32, #tpu.memory_space<hbm>> -> memref<1x100xi32, #tpu.memory_space<hbm>>
        tpu.enqueue_dma source(%dma_start3A_322 : memref<1x100xi32, #tpu.memory_space<hbm>>) target(%arg7 : memref<1x100xi32, #tpu.memory_space<vmem>>) target_semaphore(%arg16 : memref<!tpu.dma_semaphore, #tpu.memory_space<semaphore_mem>>)
      } else {
      }
      %add3A_220 = arith.constant 2 : i32
      %add3A_221 = arith.addi %mul3A_148, %add3A_220 : i32
      %dma_wait3A_222 = arith.constant 0 : i32
      %dma_wait3A_223 = arith.constant 0 : i32
      %dma_wait3A_224 = tpu.memref_slice %arg8[%dma_wait3A_222, %dma_wait3A_223] : memref<1x100xi32, #tpu.memory_space<vmem>> -> memref<1x100xi32, #tpu.memory_space<vmem>>
      %dma_wait3A_225 = tpu.memref_squeeze %dma_wait3A_224 : memref<1x100xi32, #tpu.memory_space<vmem>> -> memref<100xi32, #tpu.memory_space<vmem>>
      %dma_wait3A_226 = arith.constant 0 : i32
      %dma_wait3A_227 = arith.constant 0 : i32
      %dma_wait3A_228 = tpu.memref_slice %arg2[%dma_wait3A_226, %dma_wait3A_227] : memref<10000x128xf32, #tpu.memory_space<hbm>> -> memref<10000x128xf32, #tpu.memory_space<hbm>>
      tpu.wait_indirect_dma semaphore(%arg23 : memref<!tpu.dma_semaphore, #tpu.memory_space<semaphore_mem>>) src(%dma_wait3A_228 : memref<10000x128xf32, #tpu.memory_space<hbm>>) dst(%arg14 : memref<100x128xf32, #tpu.memory_space<vmem>>)
      %add3A_229 = arith.constant 2 : i32
      %add3A_230 = arith.addi %mul3A_148, %add3A_229 : i32
      %dma_wait3A_231 = arith.constant 1 : i32
      %dma_wait3A_232 = arith.constant 0 : i32
      %dma_wait3A_233 = tpu.memref_slice %arg3[%dma_wait3A_231, %add3A, %add3A_230, %dma_wait3A_232] : memref<2x32x100x100xi32, #tpu.memory_space<hbm>> -> memref<1x1x1x100xi32, #tpu.memory_space<hbm>>
      %dma_wait3A_234 = tpu.memref_squeeze %dma_wait3A_233 : memref<1x1x1x100xi32, #tpu.memory_space<hbm>> -> memref<1x100xi32, #tpu.memory_space<hbm>>
      %dma_wait3A_235 = arith.constant 1 : i32
      %dma_wait3A_236 = arith.constant 0 : i32
      %dma_wait3A_237 = tpu.memref_slice %arg3[%dma_wait3A_235, %add3A, %add3A_230, %dma_wait3A_236] : memref<2x32x100x100xi32, #tpu.memory_space<hbm>> -> memref<1x1x1x100xi32, #tpu.memory_space<hbm>>
      %dma_wait3A_238 = tpu.memref_squeeze %dma_wait3A_237 : memref<1x1x1x100xi32, #tpu.memory_space<hbm>> -> memref<1x100xi32, #tpu.memory_space<hbm>>
      tpu.wait_dma2 semaphore(%arg20 : memref<!tpu.dma_semaphore, #tpu.memory_space<semaphore_mem>>) src(%dma_wait3A_238 : memref<1x100xi32, #tpu.memory_space<hbm>>) dst(%arg11 : memref<1x100xi32, #tpu.memory_space<vmem>>)
      %add3A_239 = arith.constant 2 : i32
      %add3A_240 = arith.addi %mul3A_148, %add3A_239 : i32
      %dma_start3A_241 = arith.constant 0 : i32
      %dma_start3A_242 = arith.constant 0 : i32
      %dma_start3A_243 = tpu.memref_slice %arg11[%dma_start3A_241, %dma_start3A_242] : memref<1x100xi32, #tpu.memory_space<vmem>> -> memref<1x100xi32, #tpu.memory_space<vmem>>
      %dma_start3A_244 = tpu.memref_squeeze %dma_start3A_243 : memref<1x100xi32, #tpu.memory_space<vmem>> -> memref<100xi32, #tpu.memory_space<vmem>>
      %dma_start3A_245 = arith.constant 0 : i32
      %dma_start3A_246 = arith.constant 0 : i32
      %dma_start3A_247 = tpu.memref_slice %arg27[%dma_start3A_245, %dma_start3A_246] : memref<10240x128xf32, #tpu.memory_space<vmem_shared>> -> memref<10240x128xf32, #tpu.memory_space<vmem_shared>>
      tpu.enqueue_indirect_dma source(%arg14 : memref<100x128xf32, #tpu.memory_space<vmem>>) target(%dma_start3A_247 : memref<10240x128xf32, #tpu.memory_space<vmem_shared>>) offsets(%dma_start3A_244 : memref<100xi32, #tpu.memory_space<vmem>>) semaphore(%arg26 : memref<!tpu.dma_semaphore, #tpu.memory_space<semaphore_mem>>) {add = true}
      %add3A_248 = arith.constant 3 : i32
      %add3A_249 = arith.addi %mul3A_148, %add3A_248 : i32
      %add3A_250 = arith.constant 2 : i32
      %add3A_251 = arith.addi %add3A_249, %add3A_250 : i32
      %lt3A_252 = arith.constant 100 : i32
      %lt3A_253 = arith.cmpi slt, %add3A_251, %lt3A_252 : i32
      %convert_element_type3A_254 = arith.extui %lt3A_253 : i1 to i32
      %cond3A_255 = arith.constant 0 : i32
      %cond3A_256 = arith.cmpi ne, %convert_element_type3A_254, %cond3A_255 : i32
      scf.if %cond3A_256 {
        %add3A_311 = arith.constant 3 : i32
        %add3A_312 = arith.addi %mul3A_148, %add3A_311 : i32
        %add3A_313 = arith.constant 2 : i32
        %add3A_314 = arith.addi %add3A_312, %add3A_313 : i32
        %dma_start3A_315 = arith.constant 0 : i32
        %dma_start3A_316 = arith.constant 0 : i32
        %dma_start3A_317 = tpu.memref_slice %arg3[%dma_start3A_315, %add3A, %add3A_314, %dma_start3A_316] : memref<2x32x100x100xi32, #tpu.memory_space<hbm>> -> memref<1x1x1x100xi32, #tpu.memory_space<hbm>>
        %dma_start3A_318 = tpu.memref_squeeze %dma_start3A_317 : memref<1x1x1x100xi32, #tpu.memory_space<hbm>> -> memref<1x100xi32, #tpu.memory_space<hbm>>
        %dma_start3A_319 = arith.constant 0 : i32
        %dma_start3A_320 = arith.constant 0 : i32
        %dma_start3A_321 = tpu.memref_slice %arg3[%dma_start3A_319, %add3A, %add3A_314, %dma_start3A_320] : memref<2x32x100x100xi32, #tpu.memory_space<hbm>> -> memref<1x1x1x100xi32, #tpu.memory_space<hbm>>
        %dma_start3A_322 = tpu.memref_squeeze %dma_start3A_321 : memref<1x1x1x100xi32, #tpu.memory_space<hbm>> -> memref<1x100xi32, #tpu.memory_space<hbm>>
        tpu.enqueue_dma source(%dma_start3A_322 : memref<1x100xi32, #tpu.memory_space<hbm>>) target(%arg8 : memref<1x100xi32, #tpu.memory_space<vmem>>) target_semaphore(%arg17 : memref<!tpu.dma_semaphore, #tpu.memory_space<semaphore_mem>>)
      } else {
      }
      %add3A_257 = arith.constant 0 : i32
      %add3A_258 = arith.addi %mul3A_148, %add3A_257 : i32
      %dma_wait3A_259 = arith.constant 0 : i32
      %dma_wait3A_260 = arith.constant 0 : i32
      %dma_wait3A_261 = tpu.memref_slice %arg9[%dma_wait3A_259, %dma_wait3A_260] : memref<1x100xi32, #tpu.memory_space<vmem>> -> memref<1x100xi32, #tpu.memory_space<vmem>>
      %dma_wait3A_262 = tpu.memref_squeeze %dma_wait3A_261 : memref<1x100xi32, #tpu.memory_space<vmem>> -> memref<100xi32, #tpu.memory_space<vmem>>
      %dma_wait3A_263 = arith.constant 0 : i32
      %dma_wait3A_264 = arith.constant 0 : i32
      %dma_wait3A_265 = tpu.memref_slice %arg27[%dma_wait3A_263, %dma_wait3A_264] : memref<10240x128xf32, #tpu.memory_space<vmem_shared>> -> memref<10240x128xf32, #tpu.memory_space<vmem_shared>>
      tpu.wait_indirect_dma semaphore(%arg24 : memref<!tpu.dma_semaphore, #tpu.memory_space<semaphore_mem>>) src(%arg12 : memref<100x128xf32, #tpu.memory_space<vmem>>) dst(%dma_wait3A_265 : memref<10240x128xf32, #tpu.memory_space<vmem_shared>>)
      %add3A_266 = arith.constant 3 : i32
      %add3A_267 = arith.addi %mul3A_148, %add3A_266 : i32
      %add3A_268 = arith.constant 0 : i32
      %add3A_269 = arith.addi %add3A_267, %add3A_268 : i32
      %lt3A_270 = arith.constant 100 : i32
      %lt3A_271 = arith.cmpi slt, %add3A_269, %lt3A_270 : i32
      %convert_element_type3A_272 = arith.extui %lt3A_271 : i1 to i32
      %cond3A_273 = arith.constant 0 : i32
      %cond3A_274 = arith.cmpi ne, %convert_element_type3A_272, %cond3A_273 : i32
      scf.if %cond3A_274 {
        %add3A_311 = arith.constant 3 : i32
        %add3A_312 = arith.addi %mul3A_148, %add3A_311 : i32
        %add3A_313 = arith.constant 0 : i32
        %add3A_314 = arith.addi %add3A_312, %add3A_313 : i32
        %dma_start3A_315 = arith.constant 1 : i32
        %dma_start3A_316 = arith.constant 0 : i32
        %dma_start3A_317 = tpu.memref_slice %arg3[%dma_start3A_315, %add3A, %add3A_314, %dma_start3A_316] : memref<2x32x100x100xi32, #tpu.memory_space<hbm>> -> memref<1x1x1x100xi32, #tpu.memory_space<hbm>>
        %dma_start3A_318 = tpu.memref_squeeze %dma_start3A_317 : memref<1x1x1x100xi32, #tpu.memory_space<hbm>> -> memref<1x100xi32, #tpu.memory_space<hbm>>
        %dma_start3A_319 = arith.constant 1 : i32
        %dma_start3A_320 = arith.constant 0 : i32
        %dma_start3A_321 = tpu.memref_slice %arg3[%dma_start3A_319, %add3A, %add3A_314, %dma_start3A_320] : memref<2x32x100x100xi32, #tpu.memory_space<hbm>> -> memref<1x1x1x100xi32, #tpu.memory_space<hbm>>
        %dma_start3A_322 = tpu.memref_squeeze %dma_start3A_321 : memref<1x1x1x100xi32, #tpu.memory_space<hbm>> -> memref<1x100xi32, #tpu.memory_space<hbm>>
        tpu.enqueue_dma source(%dma_start3A_322 : memref<1x100xi32, #tpu.memory_space<hbm>>) target(%arg9 : memref<1x100xi32, #tpu.memory_space<vmem>>) target_semaphore(%arg18 : memref<!tpu.dma_semaphore, #tpu.memory_space<semaphore_mem>>)
        %add3A_323 = arith.constant 3 : i32
        %add3A_324 = arith.addi %mul3A_148, %add3A_323 : i32
        %add3A_325 = arith.constant 0 : i32
        %add3A_326 = arith.addi %add3A_324, %add3A_325 : i32
        %dma_wait3A_327 = arith.constant 0 : i32
        %dma_wait3A_328 = arith.constant 0 : i32
        %dma_wait3A_329 = tpu.memref_slice %arg3[%dma_wait3A_327, %add3A, %add3A_326, %dma_wait3A_328] : memref<2x32x100x100xi32, #tpu.memory_space<hbm>> -> memref<1x1x1x100xi32, #tpu.memory_space<hbm>>
        %dma_wait3A_330 = tpu.memref_squeeze %dma_wait3A_329 : memref<1x1x1x100xi32, #tpu.memory_space<hbm>> -> memref<1x100xi32, #tpu.memory_space<hbm>>
        %dma_wait3A_331 = arith.constant 0 : i32
        %dma_wait3A_332 = arith.constant 0 : i32
        %dma_wait3A_333 = tpu.memref_slice %arg3[%dma_wait3A_331, %add3A, %add3A_326, %dma_wait3A_332] : memref<2x32x100x100xi32, #tpu.memory_space<hbm>> -> memref<1x1x1x100xi32, #tpu.memory_space<hbm>>
        %dma_wait3A_334 = tpu.memref_squeeze %dma_wait3A_333 : memref<1x1x1x100xi32, #tpu.memory_space<hbm>> -> memref<1x100xi32, #tpu.memory_space<hbm>>
        tpu.wait_dma2 semaphore(%arg15 : memref<!tpu.dma_semaphore, #tpu.memory_space<semaphore_mem>>) src(%dma_wait3A_334 : memref<1x100xi32, #tpu.memory_space<hbm>>) dst(%arg6 : memref<1x100xi32, #tpu.memory_space<vmem>>)
        %add3A_335 = arith.constant 3 : i32
        %add3A_336 = arith.addi %mul3A_148, %add3A_335 : i32
        %add3A_337 = arith.constant 0 : i32
        %add3A_338 = arith.addi %add3A_336, %add3A_337 : i32
        %dma_start3A_339 = arith.constant 0 : i32
        %dma_start3A_340 = arith.constant 0 : i32
        %dma_start3A_341 = tpu.memref_slice %arg6[%dma_start3A_339, %dma_start3A_340] : memref<1x100xi32, #tpu.memory_space<vmem>> -> memref<1x100xi32, #tpu.memory_space<vmem>>
        %dma_start3A_342 = tpu.memref_squeeze %dma_start3A_341 : memref<1x100xi32, #tpu.memory_space<vmem>> -> memref<100xi32, #tpu.memory_space<vmem>>
        %dma_start3A_343 = arith.constant 0 : i32
        %dma_start3A_344 = arith.constant 0 : i32
        %dma_start3A_345 = tpu.memref_slice %arg2[%dma_start3A_343, %dma_start3A_344] : memref<10000x128xf32, #tpu.memory_space<hbm>> -> memref<10000x128xf32, #tpu.memory_space<hbm>>
        tpu.enqueue_indirect_dma source(%dma_start3A_345 : memref<10000x128xf32, #tpu.memory_space<hbm>>) target(%arg12 : memref<100x128xf32, #tpu.memory_space<vmem>>) offsets(%dma_start3A_342 : memref<100xi32, #tpu.memory_space<vmem>>) semaphore(%arg21 : memref<!tpu.dma_semaphore, #tpu.memory_space<semaphore_mem>>)
      } else {
      }
      %add3A_275 = arith.constant 1 : i32
      %add3A_276 = arith.addi %mul3A_148, %add3A_275 : i32
      %dma_wait3A_277 = arith.constant 0 : i32
      %dma_wait3A_278 = arith.constant 0 : i32
      %dma_wait3A_279 = tpu.memref_slice %arg10[%dma_wait3A_277, %dma_wait3A_278] : memref<1x100xi32, #tpu.memory_space<vmem>> -> memref<1x100xi32, #tpu.memory_space<vmem>>
      %dma_wait3A_280 = tpu.memref_squeeze %dma_wait3A_279 : memref<1x100xi32, #tpu.memory_space<vmem>> -> memref<100xi32, #tpu.memory_space<vmem>>
      %dma_wait3A_281 = arith.constant 0 : i32
      %dma_wait3A_282 = arith.constant 0 : i32
      %dma_wait3A_283 = tpu.memref_slice %arg27[%dma_wait3A_281, %dma_wait3A_282] : memref<10240x128xf32, #tpu.memory_space<vmem_shared>> -> memref<10240x128xf32, #tpu.memory_space<vmem_shared>>
      tpu.wait_indirect_dma semaphore(%arg25 : memref<!tpu.dma_semaphore, #tpu.memory_space<semaphore_mem>>) src(%arg13 : memref<100x128xf32, #tpu.memory_space<vmem>>) dst(%dma_wait3A_283 : memref<10240x128xf32, #tpu.memory_space<vmem_shared>>)
      %add3A_284 = arith.constant 3 : i32
      %add3A_285 = arith.addi %mul3A_148, %add3A_284 : i32
      %add3A_286 = arith.constant 1 : i32
      %add3A_287 = arith.addi %add3A_285, %add3A_286 : i32
      %lt3A_288 = arith.constant 100 : i32
      %lt3A_289 = arith.cmpi slt, %add3A_287, %lt3A_288 : i32
      %convert_element_type3A_290 = arith.extui %lt3A_289 : i1 to i32
      %cond3A_291 = arith.constant 0 : i32
      %cond3A_292 = arith.cmpi ne, %convert_element_type3A_290, %cond3A_291 : i32
      scf.if %cond3A_292 {
        %add3A_311 = arith.constant 3 : i32
        %add3A_312 = arith.addi %mul3A_148, %add3A_311 : i32
        %add3A_313 = arith.constant 1 : i32
        %add3A_314 = arith.addi %add3A_312, %add3A_313 : i32
        %dma_start3A_315 = arith.constant 1 : i32
        %dma_start3A_316 = arith.constant 0 : i32
        %dma_start3A_317 = tpu.memref_slice %arg3[%dma_start3A_315, %add3A, %add3A_314, %dma_start3A_316] : memref<2x32x100x100xi32, #tpu.memory_space<hbm>> -> memref<1x1x1x100xi32, #tpu.memory_space<hbm>>
        %dma_start3A_318 = tpu.memref_squeeze %dma_start3A_317 : memref<1x1x1x100xi32, #tpu.memory_space<hbm>> -> memref<1x100xi32, #tpu.memory_space<hbm>>
        %dma_start3A_319 = arith.constant 1 : i32
        %dma_start3A_320 = arith.constant 0 : i32
        %dma_start3A_321 = tpu.memref_slice %arg3[%dma_start3A_319, %add3A, %add3A_314, %dma_start3A_320] : memref<2x32x100x100xi32, #tpu.memory_space<hbm>> -> memref<1x1x1x100xi32, #tpu.memory_space<hbm>>
        %dma_start3A_322 = tpu.memref_squeeze %dma_start3A_321 : memref<1x1x1x100xi32, #tpu.memory_space<hbm>> -> memref<1x100xi32, #tpu.memory_space<hbm>>
        tpu.enqueue_dma source(%dma_start3A_322 : memref<1x100xi32, #tpu.memory_space<hbm>>) target(%arg10 : memref<1x100xi32, #tpu.memory_space<vmem>>) target_semaphore(%arg19 : memref<!tpu.dma_semaphore, #tpu.memory_space<semaphore_mem>>)
        %add3A_323 = arith.constant 3 : i32
        %add3A_324 = arith.addi %mul3A_148, %add3A_323 : i32
        %add3A_325 = arith.constant 1 : i32
        %add3A_326 = arith.addi %add3A_324, %add3A_325 : i32
        %dma_wait3A_327 = arith.constant 0 : i32
        %dma_wait3A_328 = arith.constant 0 : i32
        %dma_wait3A_329 = tpu.memref_slice %arg3[%dma_wait3A_327, %add3A, %add3A_326, %dma_wait3A_328] : memref<2x32x100x100xi32, #tpu.memory_space<hbm>> -> memref<1x1x1x100xi32, #tpu.memory_space<hbm>>
        %dma_wait3A_330 = tpu.memref_squeeze %dma_wait3A_329 : memref<1x1x1x100xi32, #tpu.memory_space<hbm>> -> memref<1x100xi32, #tpu.memory_space<hbm>>
        %dma_wait3A_331 = arith.constant 0 : i32
        %dma_wait3A_332 = arith.constant 0 : i32
        %dma_wait3A_333 = tpu.memref_slice %arg3[%dma_wait3A_331, %add3A, %add3A_326, %dma_wait3A_332] : memref<2x32x100x100xi32, #tpu.memory_space<hbm>> -> memref<1x1x1x100xi32, #tpu.memory_space<hbm>>
        %dma_wait3A_334 = tpu.memref_squeeze %dma_wait3A_333 : memref<1x1x1x100xi32, #tpu.memory_space<hbm>> -> memref<1x100xi32, #tpu.memory_space<hbm>>
        tpu.wait_dma2 semaphore(%arg16 : memref<!tpu.dma_semaphore, #tpu.memory_space<semaphore_mem>>) src(%dma_wait3A_334 : memref<1x100xi32, #tpu.memory_space<hbm>>) dst(%arg7 : memref<1x100xi32, #tpu.memory_space<vmem>>)
        %add3A_335 = arith.constant 3 : i32
        %add3A_336 = arith.addi %mul3A_148, %add3A_335 : i32
        %add3A_337 = arith.constant 1 : i32
        %add3A_338 = arith.addi %add3A_336, %add3A_337 : i32
        %dma_start3A_339 = arith.constant 0 : i32
        %dma_start3A_340 = arith.constant 0 : i32
        %dma_start3A_341 = tpu.memref_slice %arg7[%dma_start3A_339, %dma_start3A_340] : memref<1x100xi32, #tpu.memory_space<vmem>> -> memref<1x100xi32, #tpu.memory_space<vmem>>
        %dma_start3A_342 = tpu.memref_squeeze %dma_start3A_341 : memref<1x100xi32, #tpu.memory_space<vmem>> -> memref<100xi32, #tpu.memory_space<vmem>>
        %dma_start3A_343 = arith.constant 0 : i32
        %dma_start3A_344 = arith.constant 0 : i32
        %dma_start3A_345 = tpu.memref_slice %arg2[%dma_start3A_343, %dma_start3A_344] : memref<10000x128xf32, #tpu.memory_space<hbm>> -> memref<10000x128xf32, #tpu.memory_space<hbm>>
        tpu.enqueue_indirect_dma source(%dma_start3A_345 : memref<10000x128xf32, #tpu.memory_space<hbm>>) target(%arg13 : memref<100x128xf32, #tpu.memory_space<vmem>>) offsets(%dma_start3A_342 : memref<100xi32, #tpu.memory_space<vmem>>) semaphore(%arg22 : memref<!tpu.dma_semaphore, #tpu.memory_space<semaphore_mem>>)
      } else {
      }
      %add3A_293 = arith.constant 2 : i32
      %add3A_294 = arith.addi %mul3A_148, %add3A_293 : i32
      %dma_wait3A_295 = arith.constant 0 : i32
      %dma_wait3A_296 = arith.constant 0 : i32
      %dma_wait3A_297 = tpu.memref_slice %arg11[%dma_wait3A_295, %dma_wait3A_296] : memref<1x100xi32, #tpu.memory_space<vmem>> -> memref<1x100xi32, #tpu.memory_space<vmem>>
      %dma_wait3A_298 = tpu.memref_squeeze %dma_wait3A_297 : memref<1x100xi32, #tpu.memory_space<vmem>> -> memref<100xi32, #tpu.memory_space<vmem>>
      %dma_wait3A_299 = arith.constant 0 : i32
      %dma_wait3A_300 = arith.constant 0 : i32
      %dma_wait3A_301 = tpu.memref_slice %arg27[%dma_wait3A_299, %dma_wait3A_300] : memref<10240x128xf32, #tpu.memory_space<vmem_shared>> -> memref<10240x128xf32, #tpu.memory_space<vmem_shared>>
      tpu.wait_indirect_dma semaphore(%arg26 : memref<!tpu.dma_semaphore, #tpu.memory_space<semaphore_mem>>) src(%arg14 : memref<100x128xf32, #tpu.memory_space<vmem>>) dst(%dma_wait3A_301 : memref<10240x128xf32, #tpu.memory_space<vmem_shared>>)
      %add3A_302 = arith.constant 3 : i32
      %add3A_303 = arith.addi %mul3A_148, %add3A_302 : i32
      %add3A_304 = arith.constant 2 : i32
      %add3A_305 = arith.addi %add3A_303, %add3A_304 : i32
      %lt3A_306 = arith.constant 100 : i32
      %lt3A_307 = arith.cmpi slt, %add3A_305, %lt3A_306 : i32
      %convert_element_type3A_308 = arith.extui %lt3A_307 : i1 to i32
      %cond3A_309 = arith.constant 0 : i32
      %cond3A_310 = arith.cmpi ne, %convert_element_type3A_308, %cond3A_309 : i32
      scf.if %cond3A_310 {
        %add3A_311 = arith.constant 3 : i32
        %add3A_312 = arith.addi %mul3A_148, %add3A_311 : i32
        %add3A_313 = arith.constant 2 : i32
        %add3A_314 = arith.addi %add3A_312, %add3A_313 : i32
        %dma_start3A_315 = arith.constant 1 : i32
        %dma_start3A_316 = arith.constant 0 : i32
        %dma_start3A_317 = tpu.memref_slice %arg3[%dma_start3A_315, %add3A, %add3A_314, %dma_start3A_316] : memref<2x32x100x100xi32, #tpu.memory_space<hbm>> -> memref<1x1x1x100xi32, #tpu.memory_space<hbm>>
        %dma_start3A_318 = tpu.memref_squeeze %dma_start3A_317 : memref<1x1x1x100xi32, #tpu.memory_space<hbm>> -> memref<1x100xi32, #tpu.memory_space<hbm>>
        %dma_start3A_319 = arith.constant 1 : i32
        %dma_start3A_320 = arith.constant 0 : i32
        %dma_start3A_321 = tpu.memref_slice %arg3[%dma_start3A_319, %add3A, %add3A_314, %dma_start3A_320] : memref<2x32x100x100xi32, #tpu.memory_space<hbm>> -> memref<1x1x1x100xi32, #tpu.memory_space<hbm>>
        %dma_start3A_322 = tpu.memref_squeeze %dma_start3A_321 : memref<1x1x1x100xi32, #tpu.memory_space<hbm>> -> memref<1x100xi32, #tpu.memory_space<hbm>>
        tpu.enqueue_dma source(%dma_start3A_322 : memref<1x100xi32, #tpu.memory_space<hbm>>) target(%arg11 : memref<1x100xi32, #tpu.memory_space<vmem>>) target_semaphore(%arg20 : memref<!tpu.dma_semaphore, #tpu.memory_space<semaphore_mem>>)
        %add3A_323 = arith.constant 3 : i32
        %add3A_324 = arith.addi %mul3A_148, %add3A_323 : i32
        %add3A_325 = arith.constant 2 : i32
        %add3A_326 = arith.addi %add3A_324, %add3A_325 : i32
        %dma_wait3A_327 = arith.constant 0 : i32
        %dma_wait3A_328 = arith.constant 0 : i32
        %dma_wait3A_329 = tpu.memref_slice %arg3[%dma_wait3A_327, %add3A, %add3A_326, %dma_wait3A_328] : memref<2x32x100x100xi32, #tpu.memory_space<hbm>> -> memref<1x1x1x100xi32, #tpu.memory_space<hbm>>
        %dma_wait3A_330 = tpu.memref_squeeze %dma_wait3A_329 : memref<1x1x1x100xi32, #tpu.memory_space<hbm>> -> memref<1x100xi32, #tpu.memory_space<hbm>>
        %dma_wait3A_331 = arith.constant 0 : i32
        %dma_wait3A_332 = arith.constant 0 : i32
        %dma_wait3A_333 = tpu.memref_slice %arg3[%dma_wait3A_331, %add3A, %add3A_326, %dma_wait3A_332] : memref<2x32x100x100xi32, #tpu.memory_space<hbm>> -> memref<1x1x1x100xi32, #tpu.memory_space<hbm>>
        %dma_wait3A_334 = tpu.memref_squeeze %dma_wait3A_333 : memref<1x1x1x100xi32, #tpu.memory_space<hbm>> -> memref<1x100xi32, #tpu.memory_space<hbm>>
        tpu.wait_dma2 semaphore(%arg17 : memref<!tpu.dma_semaphore, #tpu.memory_space<semaphore_mem>>) src(%dma_wait3A_334 : memref<1x100xi32, #tpu.memory_space<hbm>>) dst(%arg8 : memref<1x100xi32, #tpu.memory_space<vmem>>)
        %add3A_335 = arith.constant 3 : i32
        %add3A_336 = arith.addi %mul3A_148, %add3A_335 : i32
        %add3A_337 = arith.constant 2 : i32
        %add3A_338 = arith.addi %add3A_336, %add3A_337 : i32
        %dma_start3A_339 = arith.constant 0 : i32
        %dma_start3A_340 = arith.constant 0 : i32
        %dma_start3A_341 = tpu.memref_slice %arg8[%dma_start3A_339, %dma_start3A_340] : memref<1x100xi32, #tpu.memory_space<vmem>> -> memref<1x100xi32, #tpu.memory_space<vmem>>
        %dma_start3A_342 = tpu.memref_squeeze %dma_start3A_341 : memref<1x100xi32, #tpu.memory_space<vmem>> -> memref<100xi32, #tpu.memory_space<vmem>>
        %dma_start3A_343 = arith.constant 0 : i32
        %dma_start3A_344 = arith.constant 0 : i32
        %dma_start3A_345 = tpu.memref_slice %arg2[%dma_start3A_343, %dma_start3A_344] : memref<10000x128xf32, #tpu.memory_space<hbm>> -> memref<10000x128xf32, #tpu.memory_space<hbm>>
        tpu.enqueue_indirect_dma source(%dma_start3A_345 : memref<10000x128xf32, #tpu.memory_space<hbm>>) target(%arg14 : memref<100x128xf32, #tpu.memory_space<vmem>>) offsets(%dma_start3A_342 : memref<100xi32, #tpu.memory_space<vmem>>) semaphore(%arg23 : memref<!tpu.dma_semaphore, #tpu.memory_space<semaphore_mem>>)
      } else {
      }
    }
    %scan3A_106 = arith.constant 33 : i32
    %dma_wait3A_107 = arith.constant 0 : i32
    %dma_wait3A_108 = arith.constant 0 : i32
    %dma_wait3A_109 = tpu.memref_slice %arg6[%dma_wait3A_107, %dma_wait3A_108] : memref<1x100xi32, #tpu.memory_space<vmem>> -> memref<1x100xi32, #tpu.memory_space<vmem>>
    %dma_wait3A_110 = tpu.memref_squeeze %dma_wait3A_109 : memref<1x100xi32, #tpu.memory_space<vmem>> -> memref<100xi32, #tpu.memory_space<vmem>>
    %dma_wait3A_111 = arith.constant 0 : i32
    %dma_wait3A_112 = arith.constant 0 : i32
    %dma_wait3A_113 = tpu.memref_slice %arg2[%dma_wait3A_111, %dma_wait3A_112] : memref<10000x128xf32, #tpu.memory_space<hbm>> -> memref<10000x128xf32, #tpu.memory_space<hbm>>
    tpu.wait_indirect_dma semaphore(%arg21 : memref<!tpu.dma_semaphore, #tpu.memory_space<semaphore_mem>>) src(%dma_wait3A_113 : memref<10000x128xf32, #tpu.memory_space<hbm>>) dst(%arg12 : memref<100x128xf32, #tpu.memory_space<vmem>>)
    %dma_wait3A_114 = arith.constant 99 : i32
    %dma_wait3A_115 = arith.constant 1 : i32
    %dma_wait3A_116 = arith.constant 0 : i32
    %dma_wait3A_117 = tpu.memref_slice %arg3[%dma_wait3A_115, %add3A, %dma_wait3A_114, %dma_wait3A_116] : memref<2x32x100x100xi32, #tpu.memory_space<hbm>> -> memref<1x1x1x100xi32, #tpu.memory_space<hbm>>
    %dma_wait3A_118 = tpu.memref_squeeze %dma_wait3A_117 : memref<1x1x1x100xi32, #tpu.memory_space<hbm>> -> memref<1x100xi32, #tpu.memory_space<hbm>>
    %dma_wait3A_119 = arith.constant 1 : i32
    %dma_wait3A_120 = arith.constant 0 : i32
    %dma_wait3A_121 = tpu.memref_slice %arg3[%dma_wait3A_119, %add3A, %dma_wait3A_114, %dma_wait3A_120] : memref<2x32x100x100xi32, #tpu.memory_space<hbm>> -> memref<1x1x1x100xi32, #tpu.memory_space<hbm>>
    %dma_wait3A_122 = tpu.memref_squeeze %dma_wait3A_121 : memref<1x1x1x100xi32, #tpu.memory_space<hbm>> -> memref<1x100xi32, #tpu.memory_space<hbm>>
    tpu.wait_dma2 semaphore(%arg18 : memref<!tpu.dma_semaphore, #tpu.memory_space<semaphore_mem>>) src(%dma_wait3A_122 : memref<1x100xi32, #tpu.memory_space<hbm>>) dst(%arg9 : memref<1x100xi32, #tpu.memory_space<vmem>>)
    %dma_start3A_123 = arith.constant 0 : i32
    %dma_start3A_124 = arith.constant 0 : i32
    %dma_start3A_125 = tpu.memref_slice %arg9[%dma_start3A_123, %dma_start3A_124] : memref<1x100xi32, #tpu.memory_space<vmem>> -> memref<1x100xi32, #tpu.memory_space<vmem>>
    %dma_start3A_126 = tpu.memref_squeeze %dma_start3A_125 : memref<1x100xi32, #tpu.memory_space<vmem>> -> memref<100xi32, #tpu.memory_space<vmem>>
    %dma_start3A_127 = arith.constant 0 : i32
    %dma_start3A_128 = arith.constant 0 : i32
    %dma_start3A_129 = tpu.memref_slice %arg27[%dma_start3A_127, %dma_start3A_128] : memref<10240x128xf32, #tpu.memory_space<vmem_shared>> -> memref<10240x128xf32, #tpu.memory_space<vmem_shared>>
    tpu.enqueue_indirect_dma source(%arg12 : memref<100x128xf32, #tpu.memory_space<vmem>>) target(%dma_start3A_129 : memref<10240x128xf32, #tpu.memory_space<vmem_shared>>) offsets(%dma_start3A_126 : memref<100xi32, #tpu.memory_space<vmem>>) semaphore(%arg24 : memref<!tpu.dma_semaphore, #tpu.memory_space<semaphore_mem>>) {add = true}
    %dma_wait3A_130 = arith.constant 0 : i32
    %dma_wait3A_131 = arith.constant 0 : i32
    %dma_wait3A_132 = tpu.memref_slice %arg9[%dma_wait3A_130, %dma_wait3A_131] : memref<1x100xi32, #tpu.memory_space<vmem>> -> memref<1x100xi32, #tpu.memory_space<vmem>>
    %dma_wait3A_133 = tpu.memref_squeeze %dma_wait3A_132 : memref<1x100xi32, #tpu.memory_space<vmem>> -> memref<100xi32, #tpu.memory_space<vmem>>
    %dma_wait3A_134 = arith.constant 0 : i32
    %dma_wait3A_135 = arith.constant 0 : i32
    %dma_wait3A_136 = tpu.memref_slice %arg27[%dma_wait3A_134, %dma_wait3A_135] : memref<10240x128xf32, #tpu.memory_space<vmem_shared>> -> memref<10240x128xf32, #tpu.memory_space<vmem_shared>>
    tpu.wait_indirect_dma semaphore(%arg24 : memref<!tpu.dma_semaphore, #tpu.memory_space<semaphore_mem>>) src(%arg12 : memref<100x128xf32, #tpu.memory_space<vmem>>) dst(%dma_wait3A_136 : memref<10240x128xf32, #tpu.memory_space<vmem_shared>>)
    %barrier3A_137 = arith.constant 0 : index
    tpu.barrier barrier_id(%barrier3A_137)
    %mul3A_138 = arith.constant 640 : i32
    %mul3A_139 = arith.muli %arg1, %mul3A_138 : i32
    %mul3A_140 = arith.constant 640 : i32
    %mul3A_141 = arith.muli %arg1, %mul3A_140 : i32
    "tpu.region"() ({
      %run_scoped3A = tpu.sem_alloc : memref<!tpu.dma_semaphore, #tpu.memory_space<semaphore_mem>>
      %dma_start3A_142 = arith.constant 0 : i32
      %dma_start3A_143 = tpu.memref_slice %arg5[%arg0, %mul3A_141, %dma_start3A_142] : memref<2x10240x128xf32, #tpu.memory_space<hbm>> -> memref<1x640x128xf32, #tpu.memory_space<hbm>>
      %dma_start3A_144 = tpu.memref_squeeze %dma_start3A_143 : memref<1x640x128xf32, #tpu.memory_space<hbm>> -> memref<640x128xf32, #tpu.memory_space<hbm>>
      %dma_start3A_145 = arith.constant 0 : i32
      %dma_start3A_146 = tpu.memref_slice %arg27[%mul3A_139, %dma_start3A_145] : memref<10240x128xf32, #tpu.memory_space<vmem_shared>> -> memref<640x128xf32, #tpu.memory_space<vmem_shared>>
      tpu.enqueue_dma source(%dma_start3A_146 : memref<640x128xf32, #tpu.memory_space<vmem_shared>>) target(%dma_start3A_144 : memref<640x128xf32, #tpu.memory_space<hbm>>) target_semaphore(%run_scoped3A : memref<!tpu.dma_semaphore, #tpu.memory_space<semaphore_mem>>)
      %dma_wait3A_147 = arith.constant 0 : i32
      %dma_wait3A_148 = tpu.memref_slice %arg5[%arg0, %mul3A_141, %dma_wait3A_147] : memref<2x10240x128xf32, #tpu.memory_space<hbm>> -> memref<1x640x128xf32, #tpu.memory_space<hbm>>
      %dma_wait3A_149 = tpu.memref_squeeze %dma_wait3A_148 : memref<1x640x128xf32, #tpu.memory_space<hbm>> -> memref<640x128xf32, #tpu.memory_space<hbm>>
      %dma_wait3A_150 = arith.constant 0 : i32
      %dma_wait3A_151 = tpu.memref_slice %arg27[%mul3A_139, %dma_wait3A_150] : memref<10240x128xf32, #tpu.memory_space<vmem_shared>> -> memref<640x128xf32, #tpu.memory_space<vmem_shared>>
      tpu.wait_dma2 semaphore(%run_scoped3A : memref<!tpu.dma_semaphore, #tpu.memory_space<semaphore_mem>>) src(%dma_wait3A_151 : memref<640x128xf32, #tpu.memory_space<vmem_shared>>) dst(%dma_wait3A_149 : memref<640x128xf32, #tpu.memory_space<hbm>>)
      tpu.yield
    }) : () -> ()
    return
  }
}

module attributes {stable_mosaic.version = 14 : i64} {
  func.func @body(%arg0: i32, %arg1: memref<2000x128xf32, #tpu.memory_space<vmem>>, %arg2: memref<2x2000x1xf32, #tpu.memory_space<vmem>>, %arg3: memref<2000x128xf32, #tpu.memory_space<vmem>>) attributes {dimension_semantics = [#tpu.dimension_semantics<arbitrary>], iteration_bounds = array<i64: 5>, scalar_prefetch = 0 : i64, scratch_operands = 0 : i64, tpu.core_type = #tpu.core_type<tc>, window_params = [{transform_indices = @transform_0, window_bounds = array<i64: 2000, 128>}, {transform_indices = @transform_1, window_bounds = array<i64: 2, 2000, 1>}, {transform_indices = @transform_2, window_bounds = array<i64: 2000, 128>}]} {
    %get3A = arith.constant 0 : index
    %get3A_0 = arith.constant 0 : index
    %get3A_1 = arith.constant 0 : index
    %get3A_2 = vector.load %arg2[%get3A, %get3A_0, %get3A_1] : memref<2x2000x1xf32, #tpu.memory_space<vmem>>, vector<1x2000x1xf32>
    %get3A_3 = vector.shape_cast %get3A_2 : vector<1x2000x1xf32> to vector<2000x1xf32>
    %get3A_4 = arith.constant 1 : index
    %get3A_5 = arith.constant 0 : index
    %get3A_6 = arith.constant 0 : index
    %get3A_7 = vector.load %arg2[%get3A_4, %get3A_5, %get3A_6] : memref<2x2000x1xf32, #tpu.memory_space<vmem>>, vector<1x2000x1xf32>
    %get3A_8 = vector.shape_cast %get3A_7 : vector<1x2000x1xf32> to vector<2000x1xf32>
    %add3A = arith.addf %get3A_3, %get3A_8 : vector<2000x1xf32>
    %add3A_9 = arith.constant 1.000000e+00 : f32
    %add3A_10 = vector.broadcast %add3A_9 : f32 to vector<2000x1xf32>
    %add3A_11 = arith.addf %add3A, %add3A_10 : vector<2000x1xf32>
    %rsqrt3A = math.rsqrt %add3A_11 : vector<2000x1xf32>
    %get3A_12 = arith.constant 0 : index
    %get3A_13 = arith.constant 0 : index
    %get3A_14 = vector.load %arg1[%get3A_12, %get3A_13] : memref<2000x128xf32, #tpu.memory_space<vmem>>, vector<2000x128xf32>
    %mul3A = vector.broadcast %rsqrt3A : vector<2000x1xf32> to vector<2000x128xf32>
    %mul3A_15 = arith.mulf %mul3A, %get3A_14 : vector<2000x128xf32>
    %swap3A = arith.constant 0 : index
    %swap3A_16 = arith.constant 0 : index
    %swap3A_17 = vector.load %arg3[%swap3A, %swap3A_16] : memref<2000x128xf32, #tpu.memory_space<vmem>>, vector<2000x128xf32>
    tpu.vector_store %arg3[%swap3A, %swap3A_16], %mul3A_15 {strides = array<i32>} : memref<2000x128xf32, #tpu.memory_space<vmem>>, vector<2000x128xf32>,
    return
  }
  func.func @transform_0(%arg0: i32) -> (i32, i32) {
    %c0_i32 = arith.constant 0 : i32
    %c0_i32_0 = arith.constant 0 : i32
    return %arg0, %c0_i32 : i32, i32
  }
  func.func @transform_1(%arg0: i32) -> (i32, i32, i32) {
    %c0_i32 = arith.constant 0 : i32
    %c0_i32_0 = arith.constant 0 : i32
    %c0_i32_1 = arith.constant 0 : i32
    return %c0_i32, %arg0, %c0_i32_0 : i32, i32, i32
  }
  func.func @transform_2(%arg0: i32) -> (i32, i32) {
    %c0_i32 = arith.constant 0 : i32
    %c0_i32_0 = arith.constant 0 : i32
    return %arg0, %c0_i32 : i32, i32
  }
}

module attributes {stable_mosaic.version = 14 : i64} {
  func.func @body(%arg0: i32, %arg1: memref<2000x128xf32, #tpu.memory_space<vmem>>, %arg2: memref<128x128xf32, #tpu.memory_space<vmem>>, %arg3: memref<2000x128xf32, #tpu.memory_space<vmem>>) attributes {dimension_semantics = [#tpu.dimension_semantics<arbitrary>], iteration_bounds = array<i64: 5>, scalar_prefetch = 0 : i64, scratch_operands = 0 : i64, tpu.core_type = #tpu.core_type<tc>, window_params = [{transform_indices = @transform_0, window_bounds = array<i64: 2000, 128>}, {pipeline_mode = #tpu.pipeline_mode<synchronous>, transform_indices = @transform_1, window_bounds = array<i64: 128, 128>}, {transform_indices = @transform_2, window_bounds = array<i64: 2000, 128>}]} {
    %get3A = arith.constant 0 : index
    %get3A_0 = arith.constant 0 : index
    %get3A_1 = vector.load %arg1[%get3A, %get3A_0] : memref<2000x128xf32, #tpu.memory_space<vmem>>, vector<2000x128xf32>
    %reduce_sum3A = arith.constant dense<0.000000e+00> : vector<2000xf32>
    %reduce_sum3A_2 = vector.multi_reduction <add>, %get3A_1, %reduce_sum3A [1] : vector<2000x128xf32> to vector<2000xf32>
    %broadcast_in_dim3A = vector.shape_cast %reduce_sum3A_2 : vector<2000xf32> to vector<2000x1xf32>
    %div3A = arith.constant 1.280000e+02 : f32
    %div3A_3 = vector.broadcast %div3A : f32 to vector<2000x1xf32>
    %div3A_4 = arith.divf %broadcast_in_dim3A, %div3A_3 : vector<2000x1xf32>
    %sub3A = vector.broadcast %div3A_4 : vector<2000x1xf32> to vector<2000x128xf32>
    %sub3A_5 = arith.subf %get3A_1, %sub3A : vector<2000x128xf32>
    %sign3A = tpu.bitcast %sub3A_5 : vector<2000x128xf32> -> vector<2000x128xi32>
    %sign3A_6 = arith.constant -2147483648 : i32
    %sign3A_7 = vector.broadcast %sign3A_6 : i32 to vector<2000x128xi32>
    %sign3A_8 = arith.andi %sign3A, %sign3A_7 : vector<2000x128xi32>
    %sign3A_9 = arith.constant 1065353216 : i32
    %sign3A_10 = vector.broadcast %sign3A_9 : i32 to vector<2000x128xi32>
    %sign3A_11 = arith.ori %sign3A_10, %sign3A_8 : vector<2000x128xi32>
    %sign3A_12 = tpu.bitcast %sign3A_11 : vector<2000x128xi32> -> vector<2000x128xf32>
    %sign3A_13 = math.absf %sub3A_5 : vector<2000x128xf32>
    %sign3A_14 = arith.constant 0.000000e+00 : f32
    %sign3A_15 = vector.broadcast %sign3A_14 : f32 to vector<2000x128xf32>
    %sign3A_16 = arith.cmpf ogt, %sign3A_13, %sign3A_15 : vector<2000x128xf32>
    %sign3A_17 = arith.select %sign3A_16, %sign3A_12, %sub3A_5 : vector<2000x128xi1>, vector<2000x128xf32>
    %get3A_18 = arith.constant 0 : index
    %get3A_19 = arith.constant 0 : index
    %get3A_20 = vector.load %arg2[%get3A_18, %get3A_19] : memref<128x128xf32, #tpu.memory_space<vmem>>, vector<128x128xf32>
    %dot_general3A = arith.constant dense<0.000000e+00> : vector<2000x128xf32>
    %dot_general3A_21 = tpu.matmul %sign3A_17, %get3A_20, %dot_general3A {dimension_numbers = #tpu.dot_dimension_numbers<[1], [0], [0], [1], [0, 0, 1, 1], [], []>, transpose_lhs_hint = false} : vector<2000x128xf32>, vector<128x128xf32>, vector<2000x128xf32> -> vector<2000x128xf32>
    %swap3A = arith.constant 0 : index
    %swap3A_22 = arith.constant 0 : index
    %swap3A_23 = vector.load %arg3[%swap3A, %swap3A_22] : memref<2000x128xf32, #tpu.memory_space<vmem>>, vector<2000x128xf32>
    tpu.vector_store %arg3[%swap3A, %swap3A_22], %dot_general3A_21 {strides = array<i32>} : memref<2000x128xf32, #tpu.memory_space<vmem>>, vector<2000x128xf32>,
    return
  }
  func.func @transform_0(%arg0: i32) -> (i32, i32) {
    %c0_i32 = arith.constant 0 : i32
    %c0_i32_0 = arith.constant 0 : i32
    return %arg0, %c0_i32 : i32, i32
  }
  func.func @transform_1(%arg0: i32) -> (i32, i32) {
    %c0_i32 = arith.constant 0 : i32
    %c0_i32_0 = arith.constant 0 : i32
    %c0_i32_1 = arith.constant 0 : i32
    return %c0_i32, %c0_i32_0 : i32, i32
  }
  func.func @transform_2(%arg0: i32) -> (i32, i32) {
    %c0_i32 = arith.constant 0 : i32
    %c0_i32_0 = arith.constant 0 : i32
    return %arg0, %c0_i32 : i32, i32
  }
}

module attributes {stable_mosaic.version = 14 : i64} {
  func.func @body(%arg0: i32, %arg1: memref<2x2000x128xf32, #tpu.memory_space<vmem>>, %arg2: memref<2000x128xf32, #tpu.memory_space<vmem>>, %arg3: memref<2x2000x1xf32, #tpu.memory_space<vmem>>, %arg4: memref<1x128xf32, #tpu.memory_space<vmem>>, %arg5: memref<2000x128xf32, #tpu.memory_space<vmem>>) attributes {dimension_semantics = [#tpu.dimension_semantics<arbitrary>], iteration_bounds = array<i64: 5>, scalar_prefetch = 0 : i64, scratch_operands = 0 : i64, tpu.core_type = #tpu.core_type<tc>, window_params = [{transform_indices = @transform_0, window_bounds = array<i64: 2, 2000, 128>}, {transform_indices = @transform_1, window_bounds = array<i64: 2000, 128>}, {transform_indices = @transform_2, window_bounds = array<i64: 2, 2000, 1>}, {pipeline_mode = #tpu.pipeline_mode<synchronous>, transform_indices = @transform_3, window_bounds = array<i64: 1, 128>}, {transform_indices = @transform_4, window_bounds = array<i64: 2000, 128>}]} {
    %get3A = arith.constant 0 : index
    %get3A_0 = arith.constant 0 : index
    %get3A_1 = arith.constant 0 : index
    %get3A_2 = vector.load %arg3[%get3A, %get3A_0, %get3A_1] : memref<2x2000x1xf32, #tpu.memory_space<vmem>>, vector<1x2000x1xf32>
    %get3A_3 = vector.shape_cast %get3A_2 : vector<1x2000x1xf32> to vector<2000x1xf32>
    %get3A_4 = arith.constant 1 : index
    %get3A_5 = arith.constant 0 : index
    %get3A_6 = arith.constant 0 : index
    %get3A_7 = vector.load %arg3[%get3A_4, %get3A_5, %get3A_6] : memref<2x2000x1xf32, #tpu.memory_space<vmem>>, vector<1x2000x1xf32>
    %get3A_8 = vector.shape_cast %get3A_7 : vector<1x2000x1xf32> to vector<2000x1xf32>
    %add3A = arith.addf %get3A_3, %get3A_8 : vector<2000x1xf32>
    %add3A_9 = arith.constant 1.000000e+00 : f32
    %add3A_10 = vector.broadcast %add3A_9 : f32 to vector<2000x1xf32>
    %add3A_11 = arith.addf %add3A, %add3A_10 : vector<2000x1xf32>
    %rsqrt3A = math.rsqrt %add3A_11 : vector<2000x1xf32>
    %get3A_12 = arith.constant 0 : index
    %get3A_13 = arith.constant 0 : index
    %get3A_14 = arith.constant 0 : index
    %get3A_15 = vector.load %arg1[%get3A_12, %get3A_13, %get3A_14] : memref<2x2000x128xf32, #tpu.memory_space<vmem>>, vector<1x2000x128xf32>
    %get3A_16 = vector.shape_cast %get3A_15 : vector<1x2000x128xf32> to vector<2000x128xf32>
    %get3A_17 = arith.constant 1 : index
    %get3A_18 = arith.constant 0 : index
    %get3A_19 = arith.constant 0 : index
    %get3A_20 = vector.load %arg1[%get3A_17, %get3A_18, %get3A_19] : memref<2x2000x128xf32, #tpu.memory_space<vmem>>, vector<1x2000x128xf32>
    %get3A_21 = vector.shape_cast %get3A_20 : vector<1x2000x128xf32> to vector<2000x128xf32>
    %add3A_22 = arith.addf %get3A_16, %get3A_21 : vector<2000x128xf32>
    %get3A_23 = arith.constant 0 : index
    %get3A_24 = arith.constant 0 : index
    %get3A_25 = vector.load %arg2[%get3A_23, %get3A_24] : memref<2000x128xf32, #tpu.memory_space<vmem>>, vector<2000x128xf32>
    %add3A_26 = arith.addf %add3A_22, %get3A_25 : vector<2000x128xf32>
    %mul3A = vector.broadcast %rsqrt3A : vector<2000x1xf32> to vector<2000x128xf32>
    %mul3A_27 = arith.mulf %mul3A, %add3A_26 : vector<2000x128xf32>
    %get3A_28 = arith.constant 0 : index
    %get3A_29 = arith.constant 0 : index
    %get3A_30 = vector.load %arg4[%get3A_28, %get3A_29] : memref<1x128xf32, #tpu.memory_space<vmem>>, vector<1x128xf32>
    %add3A_31 = vector.broadcast %get3A_30 : vector<1x128xf32> to vector<2000x128xf32>
    %add3A_32 = arith.addf %mul3A_27, %add3A_31 : vector<2000x128xf32>
    %sign3A = tpu.bitcast %add3A_32 : vector<2000x128xf32> -> vector<2000x128xi32>
    %sign3A_33 = arith.constant -2147483648 : i32
    %sign3A_34 = vector.broadcast %sign3A_33 : i32 to vector<2000x128xi32>
    %sign3A_35 = arith.andi %sign3A, %sign3A_34 : vector<2000x128xi32>
    %sign3A_36 = arith.constant 1065353216 : i32
    %sign3A_37 = vector.broadcast %sign3A_36 : i32 to vector<2000x128xi32>
    %sign3A_38 = arith.ori %sign3A_37, %sign3A_35 : vector<2000x128xi32>
    %sign3A_39 = tpu.bitcast %sign3A_38 : vector<2000x128xi32> -> vector<2000x128xf32>
    %sign3A_40 = math.absf %add3A_32 : vector<2000x128xf32>
    %sign3A_41 = arith.constant 0.000000e+00 : f32
    %sign3A_42 = vector.broadcast %sign3A_41 : f32 to vector<2000x128xf32>
    %sign3A_43 = arith.cmpf ogt, %sign3A_40, %sign3A_42 : vector<2000x128xf32>
    %sign3A_44 = arith.select %sign3A_43, %sign3A_39, %add3A_32 : vector<2000x128xi1>, vector<2000x128xf32>
    %mul3A_45 = vector.broadcast %rsqrt3A : vector<2000x1xf32> to vector<2000x128xf32>
    %mul3A_46 = arith.mulf %mul3A_45, %sign3A_44 : vector<2000x128xf32>
    %swap3A = arith.constant 0 : index
    %swap3A_47 = arith.constant 0 : index
    %swap3A_48 = vector.load %arg5[%swap3A, %swap3A_47] : memref<2000x128xf32, #tpu.memory_space<vmem>>, vector<2000x128xf32>
    tpu.vector_store %arg5[%swap3A, %swap3A_47], %mul3A_46 {strides = array<i32>} : memref<2000x128xf32, #tpu.memory_space<vmem>>, vector<2000x128xf32>,
    return
  }
  func.func @transform_0(%arg0: i32) -> (i32, i32, i32) {
    %c0_i32 = arith.constant 0 : i32
    %c0_i32_0 = arith.constant 0 : i32
    %c0_i32_1 = arith.constant 0 : i32
    return %c0_i32, %arg0, %c0_i32_0 : i32, i32, i32
  }
  func.func @transform_1(%arg0: i32) -> (i32, i32) {
    %c0_i32 = arith.constant 0 : i32
    %c0_i32_0 = arith.constant 0 : i32
    return %arg0, %c0_i32 : i32, i32
  }
  func.func @transform_2(%arg0: i32) -> (i32, i32, i32) {
    %c0_i32 = arith.constant 0 : i32
    %c0_i32_0 = arith.constant 0 : i32
    %c0_i32_1 = arith.constant 0 : i32
    return %c0_i32, %arg0, %c0_i32_0 : i32, i32, i32
  }
  func.func @transform_3(%arg0: i32) -> (i32, i32) {
    %c0_i32 = arith.constant 0 : i32
    %c0_i32_0 = arith.constant 0 : i32
    %c0_i32_1 = arith.constant 0 : i32
    return %c0_i32, %c0_i32_0 : i32, i32
  }
  func.func @transform_4(%arg0: i32) -> (i32, i32) {
    %c0_i32 = arith.constant 0 : i32
    %c0_i32_0 = arith.constant 0 : i32
    return %arg0, %c0_i32 : i32, i32
  }
}

module attributes {stable_mosaic.version = 14 : i64} {
  func.func @body(%arg0: i32, %arg1: memref<2x2000x128xf32, #tpu.memory_space<vmem>>, %arg2: memref<2000x128xf32, #tpu.memory_space<vmem>>, %arg3: memref<2x2000x1xf32, #tpu.memory_space<vmem>>, %arg4: memref<128x16xf32, #tpu.memory_space<vmem>>, %arg5: memref<1x16xf32, #tpu.memory_space<vmem>>, %arg6: memref<2000x16xf32, #tpu.memory_space<vmem>>) attributes {dimension_semantics = [#tpu.dimension_semantics<arbitrary>], iteration_bounds = array<i64: 5>, scalar_prefetch = 0 : i64, scratch_operands = 0 : i64, tpu.core_type = #tpu.core_type<tc>, window_params = [{transform_indices = @transform_0, window_bounds = array<i64: 2, 2000, 128>}, {transform_indices = @transform_1, window_bounds = array<i64: 2000, 128>}, {transform_indices = @transform_2, window_bounds = array<i64: 2, 2000, 1>}, {pipeline_mode = #tpu.pipeline_mode<synchronous>, transform_indices = @transform_3, window_bounds = array<i64: 128, 16>}, {pipeline_mode = #tpu.pipeline_mode<synchronous>, transform_indices = @transform_4, window_bounds = array<i64: 1, 16>}, {transform_indices = @transform_5, window_bounds = array<i64: 2000, 16>}]} {
    %get3A = arith.constant 0 : index
    %get3A_0 = arith.constant 0 : index
    %get3A_1 = arith.constant 0 : index
    %get3A_2 = vector.load %arg3[%get3A, %get3A_0, %get3A_1] : memref<2x2000x1xf32, #tpu.memory_space<vmem>>, vector<1x2000x1xf32>
    %get3A_3 = vector.shape_cast %get3A_2 : vector<1x2000x1xf32> to vector<2000x1xf32>
    %get3A_4 = arith.constant 1 : index
    %get3A_5 = arith.constant 0 : index
    %get3A_6 = arith.constant 0 : index
    %get3A_7 = vector.load %arg3[%get3A_4, %get3A_5, %get3A_6] : memref<2x2000x1xf32, #tpu.memory_space<vmem>>, vector<1x2000x1xf32>
    %get3A_8 = vector.shape_cast %get3A_7 : vector<1x2000x1xf32> to vector<2000x1xf32>
    %add3A = arith.addf %get3A_3, %get3A_8 : vector<2000x1xf32>
    %add3A_9 = arith.constant 1.000000e+00 : f32
    %add3A_10 = vector.broadcast %add3A_9 : f32 to vector<2000x1xf32>
    %add3A_11 = arith.addf %add3A, %add3A_10 : vector<2000x1xf32>
    %rsqrt3A = math.rsqrt %add3A_11 : vector<2000x1xf32>
    %get3A_12 = arith.constant 0 : index
    %get3A_13 = arith.constant 0 : index
    %get3A_14 = arith.constant 0 : index
    %get3A_15 = vector.load %arg1[%get3A_12, %get3A_13, %get3A_14] : memref<2x2000x128xf32, #tpu.memory_space<vmem>>, vector<1x2000x128xf32>
    %get3A_16 = vector.shape_cast %get3A_15 : vector<1x2000x128xf32> to vector<2000x128xf32>
    %get3A_17 = arith.constant 1 : index
    %get3A_18 = arith.constant 0 : index
    %get3A_19 = arith.constant 0 : index
    %get3A_20 = vector.load %arg1[%get3A_17, %get3A_18, %get3A_19] : memref<2x2000x128xf32, #tpu.memory_space<vmem>>, vector<1x2000x128xf32>
    %get3A_21 = vector.shape_cast %get3A_20 : vector<1x2000x128xf32> to vector<2000x128xf32>
    %add3A_22 = arith.addf %get3A_16, %get3A_21 : vector<2000x128xf32>
    %get3A_23 = arith.constant 0 : index
    %get3A_24 = arith.constant 0 : index
    %get3A_25 = vector.load %arg2[%get3A_23, %get3A_24] : memref<2000x128xf32, #tpu.memory_space<vmem>>, vector<2000x128xf32>
    %add3A_26 = arith.addf %add3A_22, %get3A_25 : vector<2000x128xf32>
    %mul3A = vector.broadcast %rsqrt3A : vector<2000x1xf32> to vector<2000x128xf32>
    %mul3A_27 = arith.mulf %mul3A, %add3A_26 : vector<2000x128xf32>
    %get3A_28 = arith.constant 0 : index
    %get3A_29 = arith.constant 0 : index
    %get3A_30 = vector.load %arg4[%get3A_28, %get3A_29] : memref<128x16xf32, #tpu.memory_space<vmem>>, vector<128x16xf32>
    %dot_general3A = arith.constant dense<0.000000e+00> : vector<2000x16xf32>
    %dot_general3A_31 = tpu.matmul %mul3A_27, %get3A_30, %dot_general3A {dimension_numbers = #tpu.dot_dimension_numbers<[1], [0], [0], [1], [0, 0, 1, 1], [], []>, transpose_lhs_hint = false} : vector<2000x128xf32>, vector<128x16xf32>, vector<2000x16xf32> -> vector<2000x16xf32>
    %get3A_32 = arith.constant 0 : index
    %get3A_33 = arith.constant 0 : index
    %get3A_34 = vector.load %arg5[%get3A_32, %get3A_33] : memref<1x16xf32, #tpu.memory_space<vmem>>, vector<1x16xf32>
    %add3A_35 = vector.broadcast %get3A_34 : vector<1x16xf32> to vector<2000x16xf32>
    %add3A_36 = arith.addf %dot_general3A_31, %add3A_35 : vector<2000x16xf32>
    %reduce_max3A = arith.constant dense<0xFF800000> : vector<2000xf32>
    %reduce_max3A_37 = vector.multi_reduction <maximumf>, %add3A_36, %reduce_max3A [1] : vector<2000x16xf32> to vector<2000xf32>
    %broadcast_in_dim3A = vector.shape_cast %reduce_max3A_37 : vector<2000xf32> to vector<2000x1xf32>
    %sub3A = vector.broadcast %broadcast_in_dim3A : vector<2000x1xf32> to vector<2000x16xf32>
    %sub3A_38 = arith.subf %add3A_36, %sub3A : vector<2000x16xf32>
    %exp3A = math.exp %sub3A_38 : vector<2000x16xf32>
    %reduce_sum3A = arith.constant dense<0.000000e+00> : vector<2000xf32>
    %reduce_sum3A_39 = vector.multi_reduction <add>, %exp3A, %reduce_sum3A [1] : vector<2000x16xf32> to vector<2000xf32>
    %broadcast_in_dim3A_40 = vector.shape_cast %reduce_sum3A_39 : vector<2000xf32> to vector<2000x1xf32>
    %log3A = math.log %broadcast_in_dim3A_40 : vector<2000x1xf32>
    %sub3A_41 = vector.broadcast %log3A : vector<2000x1xf32> to vector<2000x16xf32>
    %sub3A_42 = arith.subf %sub3A_38, %sub3A_41 : vector<2000x16xf32>
    %swap3A = arith.constant 0 : index
    %swap3A_43 = arith.constant 0 : index
    %swap3A_44 = vector.load %arg6[%swap3A, %swap3A_43] : memref<2000x16xf32, #tpu.memory_space<vmem>>, vector<2000x16xf32>
    tpu.vector_store %arg6[%swap3A, %swap3A_43], %sub3A_42 {strides = array<i32>} : memref<2000x16xf32, #tpu.memory_space<vmem>>, vector<2000x16xf32>,
    return
  }
  func.func @transform_0(%arg0: i32) -> (i32, i32, i32) {
    %c0_i32 = arith.constant 0 : i32
    %c0_i32_0 = arith.constant 0 : i32
    %c0_i32_1 = arith.constant 0 : i32
    return %c0_i32, %arg0, %c0_i32_0 : i32, i32, i32
  }
  func.func @transform_1(%arg0: i32) -> (i32, i32) {
    %c0_i32 = arith.constant 0 : i32
    %c0_i32_0 = arith.constant 0 : i32
    return %arg0, %c0_i32 : i32, i32
  }
  func.func @transform_2(%arg0: i32) -> (i32, i32, i32) {
    %c0_i32 = arith.constant 0 : i32
    %c0_i32_0 = arith.constant 0 : i32
    %c0_i32_1 = arith.constant 0 : i32
    return %c0_i32, %arg0, %c0_i32_0 : i32, i32, i32
  }
  func.func @transform_3(%arg0: i32) -> (i32, i32) {
    %c0_i32 = arith.constant 0 : i32
    %c0_i32_0 = arith.constant 0 : i32
    %c0_i32_1 = arith.constant 0 : i32
    return %c0_i32, %c0_i32_0 : i32, i32
  }
  func.func @transform_4(%arg0: i32) -> (i32, i32) {
    %c0_i32 = arith.constant 0 : i32
    %c0_i32_0 = arith.constant 0 : i32
    %c0_i32_1 = arith.constant 0 : i32
    return %c0_i32, %c0_i32_0 : i32, i32
  }
  func.func @transform_5(%arg0: i32) -> (i32, i32) {
    %c0_i32 = arith.constant 0 : i32
    %c0_i32_0 = arith.constant 0 : i32
    return %arg0, %c0_i32 : i32, i32
  }
}

</mosaic_0001>

<sc_bundles>
// kernel: kernel.12.cloned.1.call-start
scs
__scs_entry_jumppad:
0x0: {  	(pc) =	sbr.rel $0x88, $3  }
0x1: {  	(tag) =	ssettag $0x0;
	lr =	simm.s32 $0x1  }
0x2: {  	[smem:$0x3F9B] =	sst lr;
	_ =	strace $0xD0000000  }
0x3: {  	_ = 	snop  }
0x4: {  	_ = 	snop  }
0x5: {  	_ = 	snop  }
0x6: {  	_ = 	snop  }
0x7: {  	_ = 	snop  }
__scs_overlays_trampoline_lowered:
0x8: {  	[smem:$0x3FAA] =	sst s0  }
0x9: {  	[smem:$0x3FAB] =	sst s1  }
0xa: {  	[smem:$0x3FAC] =	sst s2  }
0xb: {  	[smem:$0x3FAD] =	sst s3  }
0xc: {  	[smem:$0x3FAE] =	sst s4  }
0xd: {  	[smem:$0x3FAF] =	sst s5  }
0xe: {  	[smem:$0x3FB0] =	sst s6  }
0xf: {  	[smem:$0x3FB1] =	sst s7  }
0x10: {  	[smem:$0x3FB2] =	sst s8  }
0x11: {  	[smem:$0x3FB3] =	sst s9;
	s0 =	simm.s32 @!p0 $0x0  }
0x12: {  	s1 =	sld [smem:$0x3F99];
	s0 =	simm.s32 @p0 $0x1  }
0x13: {  	[smem:$0x3FB4] =	sst s0;
	s0 =	simm.s32 @!p1 $0x0  }
0x14: {  	s2 =	sld [smem:$0x3F98];
	s0 =	simm.s32 @p1 $0x1  }
0x15: {  	[smem:$0x3FB5] =	sst s0;
	s0 =	simm.s32 @!p2 $0x0  }
0x16: {  	s3 =	sld [smem:$0x3FDB];
	s0 =	simm.s32 @p2 $0x1  }
0x17: {  	s4 =	simm.s32 $0x1BF5;
	[smem:$0x3FB7] =	sst s0  }
0x18: {  	s0 =	sld [smem:$0x3F9A];
	_ =	swait.ge [sflag:s4], $0x0  }
0x19: {  	s7 =	sld [smem:$0x3F9B]  }
0x1a: {  	s8 =	sadd.s32 $0xFFFFE003, lr  }
0x1b: {  	s9 =	sadd.s32 $0xFFFFFEF7, lr;
	s5 =	simm.s32 $0xFFFFFFFF;
	p2 =	slt.u32 s8, $0xFFFFF086  }
0x1c: {  	p1 =	slt.u32 s9, $0xF7A;
	s5 =	simm.s32 @!p2 $0x0  }
0x1d: {  	s5 =	simm.s32 @p1 $0x1;
	p0 =	seq.s32 s7, s2  }
0x1e: {  	s7 =	smul.u32 @!p0 $0xF7A, s2;
	p2 =	seq.s32 @!p0 s5, $0x0  }
0x1f: {  	s9 =	smul.u32 $0xF7A, s1;
	s8 =	simm.s32 @!p0 $0x1BF5;
	p2 =	por !p2, p0  }
0x20: {  	[sflag:s8] =	ssyncset.s32 @!p0 $0xFFFFF086;
	s6 =	sadd.s32 @!p0 s3, s7;
	s7 =	simm.s32 @!p0 $0x108  }
0x21: {  	s3 =	sadd.s32 s3, s9;
	s6 =	sadd.s32 @!p0 $0x88, s6;
	s7 =	simm.s32 @p2 $0x1082  }
0x22: {  	[simem:s7], [sflag:s8] =	dma.local @!p0 [hbm:s6], $0xF7A  }
0x23: {  	s9 =	sor.u32 $0xD0000000, s2;
	s6 =	simm.s32 $0x108;
	_ =	swait.ge @!p0 [sflag:s8], $0x0  }
0x24: {  	s3 =	sadd.s32 $0x88, s3;
	s6 =	simm.s32 @!p1 $0x1082;
	[sflag:s4] =	ssyncset.s32 $0xFFFFF086  }
0x25: {  	[simem:s6], [sflag:s4] =	dma.local [hbm:s3], $0xF7A  }
0x26: {  	[smem:$0x3F9B] =	sst s1;
	(tag) =	ssettag s2;
	_ =	strace s9  }
0x27: {  	s1 =	sld [smem:$0x3FAB]  }
0x28: {  	s2 =	sld [smem:$0x3FAC]  }
0x29: {  	s4 =	sld [smem:$0x3FAE]  }
0x2a: {  	p0 =	seq.s32 s5, $0x0;
	s5 =	sld [smem:$0x3FAF]  }
0x2b: {  	s6 =	sld [smem:$0x3FB0]  }
0x2c: {  	s7 =	sld [smem:$0x3FB1]  }
0x2d: {  	s3 =	simm.s32 $0x108;
	s8 =	sld [smem:$0x3FB2]  }
0x2e: {  	s3 =	simm.s32 @!p0 $0x1082;
	s9 =	sld [smem:$0x3FB3]  }
0x2f: {  	lr =	sadd.s32 s0, s3;
	s0 =	sld [smem:$0x3FAA]  }
0x30: {  	s3 =	sld [smem:$0x3FAD]  }
0x31: {  	[smem:$0x3FB6] =	sst s10  }
0x32: {  	s10 =	sld [smem:$0x3FB4];
	_ =	sdelay $0x3  }
0x33: {  	p0 =	seq.s32 s10, $0x1;
	s10 =	sld [smem:$0x3FB6];
	_ =	sdelay $0x3  }
0x34: {  	[smem:$0x3FB6] =	sst s10  }
0x35: {  	s10 =	sld [smem:$0x3FB5];
	_ =	sdelay $0x3  }
0x36: {  	p1 =	seq.s32 s10, $0x1;
	s10 =	sld [smem:$0x3FB6];
	_ =	sdelay $0x3  }
0x37: {  	[smem:$0x3FB6] =	sst s10  }
0x38: {  	s10 =	sld [smem:$0x3FB7]  }
0x39: {  	_ = 	snop;
	(pc) =	sbr.ind lr, $3  }
0x3a: {  	_ = 	snop  }
0x3b: {  	_ = 	snop  }
0x3c: {  	p2 =	seq.s32 s10, $0x1;
	s10 =	sld [smem:$0x3FB6]  }
0x3d: {  	_ =	shalt  }
0x3e: {  	_ =	shalt  }
0x3f: {  	_ =	shalt  }
0x40: {  	_ =	shalt  }
0x41: {  	_ =	shalt  }
0x42: {  	_ =	shalt  }
0x43: {  	_ =	shalt  }
0x44: {  	_ =	shalt  }
0x45: {  	_ =	shalt  }
0x46: {  	_ =	shalt  }
0x47: {  	_ =	shalt  }
0x48: {  	_ =	shalt  }
0x49: {  	_ =	shalt  }
0x4a: {  	_ =	shalt  }
0x4b: {  	_ =	shalt  }
0x4c: {  	_ =	shalt  }
0x4d: {  	_ =	shalt  }
0x4e: {  	_ =	shalt  }
0x4f: {  	_ =	shalt  }
0x50: {  	_ =	shalt  }
0x51: {  	_ =	shalt  }
0x52: {  	_ =	shalt  }
0x53: {  	_ =	shalt  }
0x54: {  	_ =	shalt  }
0x55: {  	_ =	shalt  }
0x56: {  	_ =	shalt  }
0x57: {  	_ =	shalt  }
0x58: {  	_ =	shalt  }
0x59: {  	_ =	shalt  }
0x5a: {  	_ =	shalt  }
0x5b: {  	_ =	shalt  }
0x5c: {  	_ =	shalt  }
0x5d: {  	_ =	shalt  }
0x5e: {  	_ =	shalt  }
0x5f: {  	_ =	shalt  }
0x60: {  	_ =	shalt  }
0x61: {  	_ =	shalt  }
0x62: {  	_ =	shalt  }
0x63: {  	_ =	shalt  }
0x64: {  	_ =	shalt  }
0x65: {  	_ =	shalt  }
0x66: {  	_ =	shalt  }
0x67: {  	_ =	shalt  }
0x68: {  	_ =	shalt  }
0x69: {  	_ =	shalt  }
0x6a: {  	_ =	shalt  }
0x6b: {  	_ =	shalt  }
0x6c: {  	_ =	shalt  }
0x6d: {  	_ =	shalt  }
0x6e: {  	_ =	shalt  }
0x6f: {  	_ =	shalt  }
0x70: {  	_ =	shalt  }
0x71: {  	_ =	shalt  }
0x72: {  	_ =	shalt  }
0x73: {  	_ =	shalt  }
0x74: {  	_ =	shalt  }
0x75: {  	_ =	shalt  }
0x76: {  	_ =	shalt  }
0x77: {  	_ =	shalt  }
0x78: {  	_ =	shalt  }
0x79: {  	_ =	shalt  }
0x7a: {  	_ =	shalt  }
0x7b: {  	_ =	shalt  }
0x7c: {  	_ =	shalt  }
0x7d: {  	_ =	shalt  }
0x7e: {  	_ =	shalt  }
0x7f: {  	_ =	shalt  }
0x80: {  	_ =	shalt  }
0x81: {  	_ =	shalt  }
0x82: {  	_ =	shalt  }
0x83: {  	_ =	shalt  }
0x84: {  	_ =	shalt  }
0x85: {  	_ =	shalt  }
0x86: {  	_ =	shalt  }
0x87: {  	_ =	shalt  }
.Lfunc_end0:
.L_simem_size_0:
called_computation.1_lowered:
.L_overlay_start_0:
0x88: {  	s2 =	sld [smem:$0x3FD9]  }
0x89: {  	s3 =	sld [smem:$0x3FFE];
	_ =	sdelay $0x1  }
0x8a: {  	s1 =	srdreg.scid  }
0x8b: {  	s0 =	sand.u32 $0x1, s1  }
0x8c: {  	s17 =	sshll.u32 s0, $0xA;
	s2 =	sadd.s32 s3, s2  }
0x8d: {  	s2 =	sadd.s32 s2, s17  }
0x8e: {  	[smem:$0x3FC2] =	sst s2  }
0x8f: {  	_ = 	snop  }
0x90: {  	s2 =	sld [smem:$0x3FD0];
	(tm) =	ssettm $0x1  }
0x91: {  	s18 =	sld [smem:$0x3FFB];
	_ =	sdelay $0x3  }
0x92: {  	_ =	strace s18  }
0x93: {  	s3 =	sld [smem:$0x3FFC];
	_ =	sdelay $0x3  }
0x94: {  	_ =	strace s3  }
0x95: {  	s3 =	sld [smem:$0x3FFD];
	_ =	sdelay $0x3  }
0x96: {  	_ =	strace s3  }
0x97: {  	_ =	strace $0x8FFFFFFF  }
0x98: {  	s19 =	sld [smem:$0x3FDB];
	_ =	sdelay $0x1  }
0x99: {  	s4 =	simm.s32 $_scs_section_size  }
0x9a: {  	s5 =	simm.s32 $_size__tile_overlayer_lowered;
	s6 =	simm.s32 $_tile_overlayer_lowered  }
0x9b: {  	s22 =	simm.s32 $0x1BFF;
	s21 =	sshll.u32 s6, $0x1;
	s3 =	sadd.s32 s4, s19  }
0x9c: {  	s7 =	simm.s32 $0x0;
	s20 =	sshll.u32 s5, $0x1;
	s5 =	sadd.s32 s21, s3  }
0x9d: {  	[timem:s7], [sflag:s22] =	dma.local [hbm:s5], s20  }
0x9e: {  	_ =	swait.ge [sflag:s22], s20  }
0x9f: {  	s4 =	ssub.s32 $0x0, s20;
	[sflag:s22] =	ssyncset.done $0x0  }
0xa0: {  	[sflag:s22] =	ssyncadd.s32 s4;
	_ =	sdelay $0x1  }
0xa1: {  	s23 =	simm.s32 $0x1B8B  }
0xa2: {  	_ =	swait.ge [sflag:s23], $0x1  }
0xa3: {  	[sflag:s23] =	ssyncset.done $0x0  }
0xa4: {  	s25 =	simm.s32 $0x1B8E;
	s24 =	sld [smem:$0x3FFE];
	[sflag:s23] =	ssyncadd.s32 $0xFFFFFFFF  }
0xa5: {  	s26 =	simm.s32 $execute0_lowered;
	[smem:$0x3FD2] =	sst s25  }
0xa6: {  	s5 =	sshll.u32 s26, $0x1;
	_ =	strace $0x80000049;
	[dreg:$0x1] =	wrdreg $0xFFFFFFFF  }
0xa7: {  	s28 =	simm.s32 $_size_execute0_lowered;
	s3 =	sadd.s32 s3, s5;
	[dreg:$0x0] =	wrdreg $0x0  }
0xa8: {  	s5 =	sshll.u32 s28, $0x1;
	[dreg:$0x2] =	wrdreg s3  }
0xa9: {  	[dreg:$0x3] =	wrdreg s5  }
0xaa: {  	[dreg:$0x4] =	wrdreg $0xC0  }
0xab: {  	_ =	task [dreg:s7], $0x5FFFF  }
0xac: {  	[dreg:$0x1] =	wrdreg $0xFFFFFFFF  }
0xad: {  	[dreg:$0x0] =	wrdreg $0x60  }
0xae: {  	[dreg:$0x2] =	wrdreg s24  }
0xaf: {  	[dreg:$0x3] =	wrdreg s2  }
0xb0: {  	[dreg:$0x4] =	wrdreg $0x9F000  }
0xb1: {  	[dreg:$0x5] =	wrdreg $0x9  }
0xb2: {  	_ =	task.clear_ibuf [dreg:s7], $0x6FFFF;
	_ =	strace $0x90000049  }
0xb3: {  	s29 =	simm.s32 $0x9;
	_ =	strace $0x8000004B  }
0xb4: {  	_ =	swait.ge [sflag:s29], $0x1  }
0xb5: {  	[sflag:s29] =	ssyncadd.s32 $0xFFFFFFFF  }
0xb6: {  	_ =	strace $0x9000004B  }
0xb7: {  	_ =	sfence  }
0xb8: {  	s30 =	sld [smem:$0x0];
	_ =	sdelay $0x2  }
0xb9: {  	s31 =	sshll.u32 s1, $0xD;
	s1 =	sshrl.u32 s1, $0x2  }
0xba: {  	s3 =	sand.u32 $0x4000, s31;
	s1 =	sadd.s32 s1, s30  }
0xbb: {  	s0 =	sor.u32 s3, s0;
	s1 =	sshll.u32 s1, $0x11  }
0xbc: {  	s0 =	sor.u32 s1, s0  }
0xbd: {  	s0 =	sadd.s32 $0x8F2B, s0  }
0xbe: {  	[sflag:s0] =	ssyncadd.remote.s32 $0x1  }
0xbf: {  	_ =	sfence.sel $0xFFFF  }
0xc0: {  	[dreg:$0x0] =	wrdreg $0xFFFFFFFF;
	(pc) =	sbr.abs _section_cstart, $3  }
0xc1: {  	[dreg:$0x1] =	wrdreg $0xFFFFFFFF  }
0xc2: {  	_ =	task.clear_ibuf [dreg:s7], $0x2FFFF;
	_ =	strace $0x9FFFFFFF  }
0xc3: {  	(tm) =	ssettm $0x7FFFFFFF  }
tec
execute0_lowered:
.L_overlay_start_1:
0x0: {  	(tag) =	ssettag $0x1  }
0x1: {  	s0 =	rddreg [dreg:$0x0]  }
0x2: {  	s1 =	srdreg.scid;
	s3 =	rddreg [dreg:$0x2]  }
0x3: {  	s10 =	stileid.u32;
	s4 =	simm.s32 $0x0;
	s18 =	simm.s32 $0x180  }
0x4: {  	s28 =	simm.s32 $0x3;
	s29 =	simm.s32 $0x6B00;
	s31 =	simm.s32 $0x7  }
0x5: {  	s12 =	simm.s32 $0x280;
	s13 =	simm.s32 $0xA;
	s14 =	simm.s32 $0xB  }
0x6: {  	s15 =	simm.s32 $0xC;
	s16 =	simm.s32 $0x0;
	s1 =	sand.u32 $0x1, s1  }
0x7: {  	s5 =	smul.u32 $0x14000, s10;
	[smem:$0x7FF] =	sst s4;
	s7 =	sadd.s32 $0x2A00, s0  }
0x8: {  	s2 =	smul.u32 $0x140000, s1;
	s6 =	sshll.u32 s1, $0x4;
	s1 =	ssub.s32 $0x2, s1  }
0x9: {  	_ =	strace $0x8000004A;
	s6 =	sor.u32 s10, s6;
	s19 =	sshrl.u32 s1, $0x1  }
0xa: {  	s10 =	smul.u32 $0x50000, s10;
	s2 =	sadd.s32 s5, s2;
	s5 =	sadd.s32 $0x6CA00, s0  }
0xb: {  	s6 =	smul.u32 $0x3400, s6;
	s1 =	ssub.s32 s1, s19;
	s19 =	simm.s32 $0xD  }
0xc: {  	s2 =	sshrl.u32 s2, $0x3;
	s25 =	sshrl.u32 s10, $0x2;
	s30 =	smax.u32 s1, $0x1  }
0xd: {  	s1 =	simm.s32 $0x5;
	s10 =	simm.s32 $0x9;
	s0 =	sadd.s32 s2, s0  }
0xe: {  	s9 =	sshrl.u32 s6, $0x3;
	s2 =	sadd.s32 s25, s3;
	[dreg:$0xc] =	wrdreg s30  }
0xf: {  	s8 =	sadd.s32 $0x68000, s6;
	s11 =	sadd.s32 s7, s9;
	[dreg:$0xa] =	wrdreg s2  }
0x10: {  	s20 =	sshrl.u32 s8, $0x3;
	s0 =	sadd.s32 $0x93C00, s0;
	[dreg:$0x4] =	wrdreg s11  }
0x11: {  	s25 =	simm.s32 $0x2;
	s21 =	sadd.s32 s7, s20;
	[dreg:$0xb] =	wrdreg s0  }
0x12: {  	s2 =	simm.s32 $0x8;
	s22 =	sadd.s32 $0x10, s11;
	[dreg:$0x5] =	wrdreg s21  }
.Ltmp0:
0x13: {  	s23 =	sadd.s32 $0xD010, s11;
	[dreg:$0x6] =	wrdreg s22;
	(pc) =	sbr.rel .LBB2_1-.Ltmp0, $4  }
0x14: {  	s24 =	sadd.s32 $0x20, s11;
	s26 =	sadd.s32 $0xD020, s11;
	[dreg:$0x7] =	wrdreg s23  }
0x15: {  	s20 =	simm.s32 $0x200;
	s0 =	simm.s32 $0x4;
	[dreg:$0x8] =	wrdreg s24  }
0x16: {  	s11 =	simm.s32 $0x6;
	[dreg:$0x9] =	wrdreg s26;
	s22 =	simm.s32 $0x1  }
0x17: {  	s23 =	simm.s32 $0x64;
	s24 =	simm.s32 $0x300;
	s26 =	simm.s32 $0x3700  }
.LBB2_4:
0x18: {  	_ =	swait.ge [sflag:s15], $0x3200  }
0x19: {  	[sflag:s15] =	ssyncset.done $0x0  }
0x1a: {  	[sflag:s15] =	ssyncadd.s32 $0xFFFFCE00  }
0x1b: {  	_ =	swait.ge [sflag:s31], $0x3200  }
0x1c: {  	[sflag:s31] =	ssyncset.done $0x0  }
0x1d: {  	[sflag:s31] =	ssyncadd.s32 $0xFFFFCE00  }
0x1e: {  	_ =	swait.ge [sflag:s0], $0x80  }
0x1f: {  	[sflag:s0] =	ssyncset.done $0x0  }
0x20: {  	[sflag:s0] =	ssyncadd.s32 $0xFFFFFF80  }
0x21: {  	[spmem:s3] =	stream.indirect.scatter.add.f32 [tilespmem:s24], [sflag:$0xA], $0x80, s18, s23, $0xb8;
	[tilespmem:$0x1DF00] =	vst v63  }
0x22: {  	_ =	swait.ge [sflag:s13], $0x3200  }
0x23: {  	[sflag:s13] =	ssyncset.done $0x0  }
0x24: {  	[sflag:s13] =	ssyncadd.s32 $0xFFFFCE00  }
0x25: {  	[bflag:$0x0] =	sbarrier.arrive $0xFFFF  }
0x26: {  	s9 =	rddreg [dreg:$0xb]  }
0x27: {  	s16 =	rddreg [dreg:$0xe]  }
0x28: {  	s19 =	simm.s32 $0xD;
	s17 =	rddreg [dreg:$0xf]  }
0x29: {  	[hbm:s9], [sflag:s16] =	dma.local [spmem:s17], $0x2800  }
0x2a: {  	_ =	swait.ge [sflag:s19], $0x2800  }
0x2b: {  	s21 =	rddreg [dreg:$0xd]  }
0x2c: {  	s30 =	rddreg [dreg:$0xc];
	s16 =	sadd.s32 $0x1, s21  }
0x2d: {  	p0 =	sne.s32 s16, s30  }
.Ltmp1:
0x2e: {  	_ = 	snop;
	(pc) =	sbr.rel @!p0 .LBB2_5-.Ltmp1, $3  }
0x2f: {  	_ =	sdelay $0x1  }
0x30: {  	[sflag:s19] =	ssyncset.done $0x0  }
0x31: {  	[sflag:s19] =	ssyncadd.s32 $0xFFFFD800  }
.LBB2_1:
0x32: {  	[dreg:$0xd] =	wrdreg s16  }
0x33: {  	s9 =	rddreg [dreg:$0x4]  }
0x34: {  	[tilespmem:s4], [sflag:$0x1] =	stream.linear.gather [hbm4b:s9+s4], $0x80, $0x38;
	[tilespmem:$0x1DF00] =	vst v63  }
0x35: {  	s17 =	rddreg [dreg:$0x5]  }
0x36: {  	[tilespmem:s18], [sflag:$0x4] =	stream.linear.gather [hbm4b:s17+s4], $0x80, $0x38;
	[tilespmem:$0x1DF00] =	vst v63  }
0x37: {  	s21 =	rddreg [dreg:$0x6];
	s16 =	simm.s32 $0x80  }
0x38: {  	[tilespmem:s16], [sflag:$0x2] =	stream.linear.gather [hbm4b:s21+s4], $0x80, $0x38;
	[tilespmem:$0x1DF00] =	vst v63  }
0x39: {  	s17 =	rddreg [dreg:$0x7]  }
0x3a: {  	[tilespmem:s20], [sflag:$0x5] =	stream.linear.gather [hbm4b:s17+s4], $0x80, $0x38;
	[tilespmem:$0x1DF00] =	vst v63  }
0x3b: {  	s21 =	rddreg [dreg:$0x8];
	s17 =	simm.s32 $0x100  }
0x3c: {  	[tilespmem:s17], [sflag:$0x3] =	stream.linear.gather [hbm4b:s21+s4], $0x80, $0x38;
	[tilespmem:$0x1DF00] =	vst v63  }
0x3d: {  	s21 =	rddreg [dreg:$0x9]  }
0x3e: {  	[tilespmem:s12], [sflag:$0x6] =	stream.linear.gather [hbm4b:s21+s4], $0x80, $0x38;
	[tilespmem:$0x1DF00] =	vst v63  }
0x3f: {  	_ =	swait.ge [sflag:s22], $0x80  }
0x40: {  	[sflag:s22] =	ssyncset.done $0x0  }
0x41: {  	[sflag:s22] =	ssyncadd.s32 $0xFFFFFF80  }
0x42: {  	[tilespmem:s24], [sflag:$0x7] =	stream.indirect.gather [hbm4b:s5+s23], $0x80, s4, s23, $0xb8;
	[tilespmem:$0x1DF00] =	vst v63  }
0x43: {  	_ =	swait.ge [sflag:s25], $0x80  }
0x44: {  	[sflag:s25] =	ssyncset.done $0x0  }
0x45: {  	[sflag:s25] =	ssyncadd.s32 $0xFFFFFF80  }
0x46: {  	[tilespmem:s26], [sflag:$0x8] =	stream.indirect.gather [hbm4b:s5+s23], $0x80, s16, s23, $0xb8;
	[tilespmem:$0x1DF00] =	vst v63  }
0x47: {  	_ =	swait.ge [sflag:s28], $0x80  }
0x48: {  	s16 =	stileid.u32;
	[sflag:s28] =	ssyncset.done $0x0  }
0x49: {  	s9 =	sshll.u32 s16, $0x6;
	s21 =	rddreg [dreg:$0xa];
	[sflag:s28] =	ssyncadd.s32 $0xFFFFFF80  }
0x4a: {  	[tilespmem:s29], [sflag:$0x9] =	stream.indirect.gather [hbm4b:s5+s23], $0x80, s17, s23, $0xb8;
	[tilespmem:$0x1DF00] =	vst v63  }
0x4b: {  	s17 =	sor.u32 $0x1C0D, s9;
	s9 =	sshrl.u32 s21, $0x3;
	s21 =	rddreg [dreg:$0x1]  }
0x4c: {  	[dreg:$0xe] =	wrdreg s17  }
0x4d: {  	[dreg:$0xf] =	wrdreg s9  }
0x4e: {  	[spmem:s9], [sflag:s17] =	dma.local [hbm:s21], $0x2800  }
0x4f: {  	_ =	swait.ge [sflag:s19], $0x2800  }
0x50: {  	[sflag:s19] =	ssyncset.done $0x0  }
0x51: {  	[sflag:s19] =	ssyncadd.s32 $0xFFFFD800  }
0x52: {  	s30 =	simm.s32 $0x280;
	[bflag:$0x0] =	sbarrier.arrive $0xFFFF  }
.LBB2_2:
0x53: {  	_ =	swait.ge [sflag:s31], $0x3200  }
0x54: {  	s17 =	sadd.s32 $0xFFFFFF00, s30;
	[sflag:s31] =	ssyncset.done $0x0  }
0x55: {  	s9 =	sand.u32 $0xFC00, s17;
	[sflag:s31] =	ssyncadd.s32 $0xFFFFCE00  }
0x56: {  	s17 =	sand.u32 $0x380, s17;
	s16 =	sadd.s32 s6, s9;
	_ =	swait.ge [sflag:s0], $0x80  }
0x57: {  	s16 =	sor.u32 s17, s16;
	[sflag:s0] =	ssyncset.done $0x0  }
0x58: {  	s16 =	sshrl.u32 s16, $0x3;
	[sflag:s0] =	ssyncadd.s32 $0xFFFFFF80  }
0x59: {  	[spmem:s3] =	stream.indirect.scatter.add.f32 [tilespmem:s24], [sflag:$0xA], $0x80, s18, s23, $0xb8;
	[tilespmem:$0x1DF00] =	vst v63  }
0x5a: {  	s16 =	sadd.s32 s7, s16  }
0x5b: {  	[tilespmem:s4], [sflag:$0x1] =	stream.linear.gather [hbm4b:s16+s4], $0x80, $0x38;
	[tilespmem:$0x1DF00] =	vst v63  }
0x5c: {  	p0 =	seq.s32 s30, $0x3280;
	_ =	swait.ge [sflag:s2], $0x3200  }
0x5d: {  	s16 =	sadd.s32 @!p0 $0xFFFFFF80, s30;
	[sflag:s2] =	ssyncset.done $0x0  }
0x5e: {  	s19 =	sand.u32 @!p0 $0xFC00, s16;
	[sflag:s2] =	ssyncadd.s32 $0xFFFFCE00  }
0x5f: {  	s16 =	sand.u32 @!p0 $0x380, s16;
	s19 =	sadd.s32 @!p0 s6, s19;
	_ =	swait.ge [sflag:s1], $0x80  }
0x60: {  	s16 =	sor.u32 @!p0 s16, s19;
	[sflag:s1] =	ssyncset.done $0x0  }
0x61: {  	s16 =	sshrl.u32 @!p0 s16, $0x3;
	[sflag:s1] =	ssyncadd.s32 $0xFFFFFF80  }
0x62: {  	[spmem:s3] =	stream.indirect.scatter.add.f32 [tilespmem:s26], [sflag:$0xB], $0x80, s20, s23, $0xb8;
	[tilespmem:$0x1DF00] =	vst v63  }
0x63: {  	s21 =	simm.s32 @!p0 $0x80;
	s19 =	simm.s32 @!p0 $0x0;
	s16 =	sadd.s32 @!p0 s7, s16  }
0x64: {  	[tilespmem:s21], [sflag:$0x2] =	stream.linear.gather @!p0 [hbm4b:s16+s19], $0x80, $0x38;
	[tilespmem:$0x1DF00] =	vst v63  }
0x65: {  	_ =	swait.ge [sflag:s10], $0x3200  }
0x66: {  	[sflag:s10] =	ssyncset.done $0x0  }
0x67: {  	s16 =	sand.u32 @!p0 $0xFC00, s30;
	[sflag:s10] =	ssyncadd.s32 $0xFFFFCE00  }
0x68: {  	s21 =	sand.u32 @!p0 $0x380, s30;
	s16 =	sadd.s32 @!p0 s6, s16;
	_ =	swait.ge [sflag:s11], $0x80  }
0x69: {  	s16 =	sor.u32 @!p0 s21, s16;
	[sflag:s11] =	ssyncset.done $0x0  }
0x6a: {  	s16 =	sshrl.u32 @!p0 s16, $0x3;
	[sflag:s11] =	ssyncadd.s32 $0xFFFFFF80  }
0x6b: {  	[spmem:s3] =	stream.indirect.scatter.add.f32 [tilespmem:s29], [sflag:$0xC], $0x80, s12, s23, $0xb8;
	[tilespmem:$0x1DF00] =	vst v63  }
0x6c: {  	s9 =	sadd.s32 s8, s9;
	s21 =	simm.s32 @!p0 $0x100;
	s16 =	sadd.s32 @!p0 s7, s16  }
0x6d: {  	[tilespmem:s21], [sflag:$0x3] =	stream.linear.gather @!p0 [hbm4b:s16+s19], $0x80, $0x38;
	[tilespmem:$0x1DF00] =	vst v63  }
0x6e: {  	s9 =	sor.u32 s17, s9;
	_ =	swait.ge [sflag:s13], $0x3200  }
0x6f: {  	s9 =	sshrl.u32 s9, $0x3;
	[sflag:s13] =	ssyncset.done $0x0  }
0x70: {  	s9 =	sadd.s32 s7, s9;
	[sflag:s13] =	ssyncadd.s32 $0xFFFFCE00  }
0x71: {  	[tilespmem:s18], [sflag:$0x4] =	stream.linear.gather [hbm4b:s9+s4], $0x80, $0x38;
	[tilespmem:$0x1DF00] =	vst v63  }
0x72: {  	_ =	swait.ge [sflag:s22], $0x80  }
0x73: {  	[sflag:s22] =	ssyncset.done $0x0  }
.Ltmp2:
0x74: {  	[sflag:s22] =	ssyncadd.s32 $0xFFFFFF80;
	(pc) =	sbr.rel @p0 .LBB2_4-.Ltmp2, $4  }
0x75: {  	[tilespmem:s24], [sflag:$0x7] =	stream.indirect.gather [hbm4b:s5+s23], $0x80, s4, s23, $0xb8;
	[tilespmem:$0x1DF00] =	vst v63  }
0x76: {  	_ =	swait.ge [sflag:s14], $0x3200  }
0x77: {  	[sflag:s14] =	ssyncset.done $0x0  }
0x78: {  	[sflag:s14] =	ssyncadd.s32 $0xFFFFCE00  }
0x79: {  	s9 =	sadd.s32 $0xFFFFFF80, s30  }
0x7a: {  	s16 =	sand.u32 $0xFC00, s9  }
0x7b: {  	s9 =	sand.u32 $0x380, s9;
	s16 =	sadd.s32 s8, s16  }
0x7c: {  	s9 =	sor.u32 s9, s16  }
0x7d: {  	s9 =	sshrl.u32 s9, $0x3  }
0x7e: {  	s9 =	sadd.s32 s7, s9  }
0x7f: {  	[tilespmem:s20], [sflag:$0x5] =	stream.linear.gather [hbm4b:s9+s4], $0x80, $0x38;
	[tilespmem:$0x1DF00] =	vst v63  }
0x80: {  	_ =	swait.ge [sflag:s25], $0x80  }
0x81: {  	s17 =	sand.u32 $0xFC00, s30;
	s19 =	sand.u32 $0x380, s30;
	[sflag:s25] =	ssyncset.done $0x0  }
0x82: {  	s16 =	simm.s32 $0x80;
	s9 =	sadd.s32 s8, s17;
	[sflag:s25] =	ssyncadd.s32 $0xFFFFFF80  }
0x83: {  	[tilespmem:s26], [sflag:$0x8] =	stream.indirect.gather [hbm4b:s5+s23], $0x80, s16, s23, $0xb8;
	[tilespmem:$0x1DF00] =	vst v63  }
0x84: {  	s9 =	sor.u32 s19, s9;
	_ =	swait.ge [sflag:s15], $0x3200  }
0x85: {  	s9 =	sshrl.u32 s9, $0x3;
	[sflag:s15] =	ssyncset.done $0x0  }
0x86: {  	s9 =	sadd.s32 s7, s9;
	[sflag:s15] =	ssyncadd.s32 $0xFFFFCE00  }
0x87: {  	[tilespmem:s12], [sflag:$0x6] =	stream.linear.gather [hbm4b:s9+s4], $0x80, $0x38;
	[tilespmem:$0x1DF00] =	vst v63  }
.Ltmp3:
0x88: {  	_ = 	snop;
	(pc) =	sbr.rel .LBB2_2-.Ltmp3, $4  }
0x89: {  	_ =	swait.ge [sflag:s28], $0x80  }
0x8a: {  	[sflag:s28] =	ssyncset.done $0x0  }
0x8b: {  	s21 =	simm.s32 $0x100;
	s30 =	sadd.s32 $0x180, s30;
	[sflag:s28] =	ssyncadd.s32 $0xFFFFFF80  }
0x8c: {  	[tilespmem:s29], [sflag:$0x9] =	stream.indirect.gather [hbm4b:s5+s23], $0x80, s21, s23, $0xb8;
	[tilespmem:$0x1DF00] =	vst v63  }
.LBB2_5:
0x8d: {  	_ =	sfence.sel $0x180000  }
0x8e: {  	[bflag:$0x0] =	sbarrier.arrive $0xFFFF  }
0x8f: {  	_ =	strace $0x9000004A  }
0x90: {  	s0 =	stileid.u32;
	[bflag:$0x2] =	sbarrier.arrive $0xFFFF  }
0x91: {  	p0 =	sne.s32 s0, $0x0;
	s0 =	rddreg [dreg:$0x3]  }
0x92: {  	s0 =	sadd.s32 @!p0 $0x100000, s0  }
0x93: {  	[sflag:s0] =	ssyncadd.tile.s32 @!p0 $0x1;
	_ =	shalt  }
.Lfunc_end2:
_tile_overlayer_lowered:
.L_overlay_start_2:
0x94: {  	(tag) =	ssettag $0x2  }
0x95: {  	s0 =	rddreg [dreg:$0x0];
	s2 =	stileid.u32  }
0x96: {  	s1 =	rddreg [dreg:$0x1];
	p0 =	sne.s32 s2, $0x0  }
0x97: {  	s3 =	rddreg [dreg:$0x2];
	[bflag:$0x3] =	sbarrier.arrive $0xFFFF;
	s2 =	simm.s32 @!p0 $0x1C0D  }
0x98: {  	[timem:s3], [sflag:s2] =	dma.local @!p0 [hbm:s0], s1  }
0x99: {  	s0 =	simm.s32 @!p0 $0xD  }
0x9a: {  	_ =	swait.ge @!p0 [sflag:s0], s1  }
0x9b: {  	s1 =	ssub.s32 @!p0 $0x0, s1;
	[sflag:s0] =	ssyncset.done @!p0 $0x0  }
0x9c: {  	[sflag:s0] =	ssyncadd.s32 @!p0 s1  }
0x9d: {  	[bflag:$0x3] =	sbarrier.arrive $0xFFFF  }
0x9e: {  	_ =	shalt  }

// kernel: kernel.15.cloned.1.call-start
scs
__scs_entry_jumppad:
0x0: {  	(pc) =	sbr.rel $0x88, $3  }
0x1: {  	(tag) =	ssettag $0x0;
	lr =	simm.s32 $0x1  }
0x2: {  	[smem:$0x3F9B] =	sst lr;
	_ =	strace $0xD0000000  }
0x3: {  	_ = 	snop  }
0x4: {  	_ = 	snop  }
0x5: {  	_ = 	snop  }
0x6: {  	_ = 	snop  }
0x7: {  	_ = 	snop  }
__scs_overlays_trampoline_lowered:
0x8: {  	[smem:$0x3FAA] =	sst s0  }
0x9: {  	[smem:$0x3FAB] =	sst s1  }
0xa: {  	[smem:$0x3FAC] =	sst s2  }
0xb: {  	[smem:$0x3FAD] =	sst s3  }
0xc: {  	[smem:$0x3FAE] =	sst s4  }
0xd: {  	[smem:$0x3FAF] =	sst s5  }
0xe: {  	[smem:$0x3FB0] =	sst s6  }
0xf: {  	[smem:$0x3FB1] =	sst s7  }
0x10: {  	[smem:$0x3FB2] =	sst s8  }
0x11: {  	[smem:$0x3FB3] =	sst s9;
	s0 =	simm.s32 @!p0 $0x0  }
0x12: {  	s1 =	sld [smem:$0x3F99];
	s0 =	simm.s32 @p0 $0x1  }
0x13: {  	[smem:$0x3FB4] =	sst s0;
	s0 =	simm.s32 @!p1 $0x0  }
0x14: {  	s2 =	sld [smem:$0x3F98];
	s0 =	simm.s32 @p1 $0x1  }
0x15: {  	[smem:$0x3FB5] =	sst s0;
	s0 =	simm.s32 @!p2 $0x0  }
0x16: {  	s3 =	sld [smem:$0x3FDB];
	s0 =	simm.s32 @p2 $0x1  }
0x17: {  	s4 =	simm.s32 $0x1BF5;
	[smem:$0x3FB7] =	sst s0  }
0x18: {  	s0 =	sld [smem:$0x3F9A];
	_ =	swait.ge [sflag:s4], $0x0  }
0x19: {  	s7 =	sld [smem:$0x3F9B]  }
0x1a: {  	s8 =	sadd.s32 $0xFFFFE003, lr  }
0x1b: {  	s9 =	sadd.s32 $0xFFFFFEF7, lr;
	s5 =	simm.s32 $0xFFFFFFFF;
	p2 =	slt.u32 s8, $0xFFFFF086  }
0x1c: {  	p1 =	slt.u32 s9, $0xF7A;
	s5 =	simm.s32 @!p2 $0x0  }
0x1d: {  	s5 =	simm.s32 @p1 $0x1;
	p0 =	seq.s32 s7, s2  }
0x1e: {  	s7 =	smul.u32 @!p0 $0xF7A, s2;
	p2 =	seq.s32 @!p0 s5, $0x0  }
0x1f: {  	s9 =	smul.u32 $0xF7A, s1;
	s8 =	simm.s32 @!p0 $0x1BF5;
	p2 =	por !p2, p0  }
0x20: {  	[sflag:s8] =	ssyncset.s32 @!p0 $0xFFFFF086;
	s6 =	sadd.s32 @!p0 s3, s7;
	s7 =	simm.s32 @!p0 $0x108  }
0x21: {  	s3 =	sadd.s32 s3, s9;
	s6 =	sadd.s32 @!p0 $0x88, s6;
	s7 =	simm.s32 @p2 $0x1082  }
0x22: {  	[simem:s7], [sflag:s8] =	dma.local @!p0 [hbm:s6], $0xF7A  }
0x23: {  	s9 =	sor.u32 $0xD0000000, s2;
	s6 =	simm.s32 $0x108;
	_ =	swait.ge @!p0 [sflag:s8], $0x0  }
0x24: {  	s3 =	sadd.s32 $0x88, s3;
	s6 =	simm.s32 @!p1 $0x1082;
	[sflag:s4] =	ssyncset.s32 $0xFFFFF086  }
0x25: {  	[simem:s6], [sflag:s4] =	dma.local [hbm:s3], $0xF7A  }
0x26: {  	[smem:$0x3F9B] =	sst s1;
	(tag) =	ssettag s2;
	_ =	strace s9  }
0x27: {  	s1 =	sld [smem:$0x3FAB]  }
0x28: {  	s2 =	sld [smem:$0x3FAC]  }
0x29: {  	s4 =	sld [smem:$0x3FAE]  }
0x2a: {  	p0 =	seq.s32 s5, $0x0;
	s5 =	sld [smem:$0x3FAF]  }
0x2b: {  	s6 =	sld [smem:$0x3FB0]  }
0x2c: {  	s7 =	sld [smem:$0x3FB1]  }
0x2d: {  	s3 =	simm.s32 $0x108;
	s8 =	sld [smem:$0x3FB2]  }
0x2e: {  	s3 =	simm.s32 @!p0 $0x1082;
	s9 =	sld [smem:$0x3FB3]  }
0x2f: {  	lr =	sadd.s32 s0, s3;
	s0 =	sld [smem:$0x3FAA]  }
0x30: {  	s3 =	sld [smem:$0x3FAD]  }
0x31: {  	[smem:$0x3FB6] =	sst s10  }
0x32: {  	s10 =	sld [smem:$0x3FB4];
	_ =	sdelay $0x3  }
0x33: {  	p0 =	seq.s32 s10, $0x1;
	s10 =	sld [smem:$0x3FB6];
	_ =	sdelay $0x3  }
0x34: {  	[smem:$0x3FB6] =	sst s10  }
0x35: {  	s10 =	sld [smem:$0x3FB5];
	_ =	sdelay $0x3  }
0x36: {  	p1 =	seq.s32 s10, $0x1;
	s10 =	sld [smem:$0x3FB6];
	_ =	sdelay $0x3  }
0x37: {  	[smem:$0x3FB6] =	sst s10  }
0x38: {  	s10 =	sld [smem:$0x3FB7]  }
0x39: {  	_ = 	snop;
	(pc) =	sbr.ind lr, $3  }
0x3a: {  	_ = 	snop  }
0x3b: {  	_ = 	snop  }
0x3c: {  	p2 =	seq.s32 s10, $0x1;
	s10 =	sld [smem:$0x3FB6]  }
0x3d: {  	_ =	shalt  }
0x3e: {  	_ =	shalt  }
0x3f: {  	_ =	shalt  }
0x40: {  	_ =	shalt  }
0x41: {  	_ =	shalt  }
0x42: {  	_ =	shalt  }
0x43: {  	_ =	shalt  }
0x44: {  	_ =	shalt  }
0x45: {  	_ =	shalt  }
0x46: {  	_ =	shalt  }
0x47: {  	_ =	shalt  }
0x48: {  	_ =	shalt  }
0x49: {  	_ =	shalt  }
0x4a: {  	_ =	shalt  }
0x4b: {  	_ =	shalt  }
0x4c: {  	_ =	shalt  }
0x4d: {  	_ =	shalt  }
0x4e: {  	_ =	shalt  }
0x4f: {  	_ =	shalt  }
0x50: {  	_ =	shalt  }
0x51: {  	_ =	shalt  }
0x52: {  	_ =	shalt  }
0x53: {  	_ =	shalt  }
0x54: {  	_ =	shalt  }
0x55: {  	_ =	shalt  }
0x56: {  	_ =	shalt  }
0x57: {  	_ =	shalt  }
0x58: {  	_ =	shalt  }
0x59: {  	_ =	shalt  }
0x5a: {  	_ =	shalt  }
0x5b: {  	_ =	shalt  }
0x5c: {  	_ =	shalt  }
0x5d: {  	_ =	shalt  }
0x5e: {  	_ =	shalt  }
0x5f: {  	_ =	shalt  }
0x60: {  	_ =	shalt  }
0x61: {  	_ =	shalt  }
0x62: {  	_ =	shalt  }
0x63: {  	_ =	shalt  }
0x64: {  	_ =	shalt  }
0x65: {  	_ =	shalt  }
0x66: {  	_ =	shalt  }
0x67: {  	_ =	shalt  }
0x68: {  	_ =	shalt  }
0x69: {  	_ =	shalt  }
0x6a: {  	_ =	shalt  }
0x6b: {  	_ =	shalt  }
0x6c: {  	_ =	shalt  }
0x6d: {  	_ =	shalt  }
0x6e: {  	_ =	shalt  }
0x6f: {  	_ =	shalt  }
0x70: {  	_ =	shalt  }
0x71: {  	_ =	shalt  }
0x72: {  	_ =	shalt  }
0x73: {  	_ =	shalt  }
0x74: {  	_ =	shalt  }
0x75: {  	_ =	shalt  }
0x76: {  	_ =	shalt  }
0x77: {  	_ =	shalt  }
0x78: {  	_ =	shalt  }
0x79: {  	_ =	shalt  }
0x7a: {  	_ =	shalt  }
0x7b: {  	_ =	shalt  }
0x7c: {  	_ =	shalt  }
0x7d: {  	_ =	shalt  }
0x7e: {  	_ =	shalt  }
0x7f: {  	_ =	shalt  }
0x80: {  	_ =	shalt  }
0x81: {  	_ =	shalt  }
0x82: {  	_ =	shalt  }
0x83: {  	_ =	shalt  }
0x84: {  	_ =	shalt  }
0x85: {  	_ =	shalt  }
0x86: {  	_ =	shalt  }
0x87: {  	_ =	shalt  }
.Lfunc_end0:
.L_simem_size_0:
called_computation.2_lowered:
.L_overlay_start_0:
0x88: {  	s2 =	sld [smem:$0x3FD9]  }
0x89: {  	s3 =	sld [smem:$0x3FFE];
	_ =	sdelay $0x1  }
0x8a: {  	s1 =	srdreg.scid  }
0x8b: {  	s0 =	sand.u32 $0x1, s1  }
0x8c: {  	s17 =	sshll.u32 s0, $0xA;
	s2 =	sadd.s32 s3, s2  }
0x8d: {  	s2 =	sadd.s32 s2, s17  }
0x8e: {  	[smem:$0x3FC2] =	sst s2  }
0x8f: {  	_ = 	snop  }
0x90: {  	s2 =	sld [smem:$0x3FD0];
	(tm) =	ssettm $0x1  }
0x91: {  	s18 =	sld [smem:$0x3FFB];
	_ =	sdelay $0x3  }
0x92: {  	_ =	strace s18  }
0x93: {  	s3 =	sld [smem:$0x3FFC];
	_ =	sdelay $0x3  }
0x94: {  	_ =	strace s3  }
0x95: {  	s3 =	sld [smem:$0x3FFD];
	_ =	sdelay $0x3  }
0x96: {  	_ =	strace s3  }
0x97: {  	_ =	strace $0x8FFFFFFF  }
0x98: {  	s19 =	sld [smem:$0x3FDB];
	_ =	sdelay $0x1  }
0x99: {  	s4 =	simm.s32 $_scs_section_size  }
0x9a: {  	s5 =	simm.s32 $_size__tile_overlayer_lowered;
	s6 =	simm.s32 $_tile_overlayer_lowered  }
0x9b: {  	s22 =	simm.s32 $0x1BFF;
	s21 =	sshll.u32 s6, $0x1;
	s3 =	sadd.s32 s4, s19  }
0x9c: {  	s7 =	simm.s32 $0x0;
	s20 =	sshll.u32 s5, $0x1;
	s5 =	sadd.s32 s21, s3  }
0x9d: {  	[timem:s7], [sflag:s22] =	dma.local [hbm:s5], s20  }
0x9e: {  	_ =	swait.ge [sflag:s22], s20  }
0x9f: {  	s4 =	ssub.s32 $0x0, s20;
	[sflag:s22] =	ssyncset.done $0x0  }
0xa0: {  	[sflag:s22] =	ssyncadd.s32 s4;
	_ =	sdelay $0x1  }
0xa1: {  	s23 =	simm.s32 $0x1B8B  }
0xa2: {  	_ =	swait.ge [sflag:s23], $0x1  }
0xa3: {  	[sflag:s23] =	ssyncset.done $0x0  }
0xa4: {  	s25 =	simm.s32 $0x1B8E;
	s24 =	sld [smem:$0x3FFE];
	[sflag:s23] =	ssyncadd.s32 $0xFFFFFFFF  }
0xa5: {  	s26 =	simm.s32 $execute0_lowered;
	[smem:$0x3FD2] =	sst s25  }
0xa6: {  	s5 =	sshll.u32 s26, $0x1;
	_ =	strace $0x8000004C;
	[dreg:$0x1] =	wrdreg $0xFFFFFFFF  }
0xa7: {  	s28 =	simm.s32 $_size_execute0_lowered;
	s3 =	sadd.s32 s3, s5;
	[dreg:$0x0] =	wrdreg $0x0  }
0xa8: {  	s5 =	sshll.u32 s28, $0x1;
	[dreg:$0x2] =	wrdreg s3  }
0xa9: {  	[dreg:$0x3] =	wrdreg s5  }
0xaa: {  	[dreg:$0x4] =	wrdreg $0xC0  }
0xab: {  	_ =	task [dreg:s7], $0x5FFFF  }
0xac: {  	[dreg:$0x1] =	wrdreg $0xFFFFFFFF  }
0xad: {  	[dreg:$0x0] =	wrdreg $0x60  }
0xae: {  	[dreg:$0x2] =	wrdreg s24  }
0xaf: {  	[dreg:$0x3] =	wrdreg s2  }
0xb0: {  	[dreg:$0x4] =	wrdreg $0x9F000  }
0xb1: {  	[dreg:$0x5] =	wrdreg $0x9  }
0xb2: {  	_ =	task.clear_ibuf [dreg:s7], $0x6FFFF;
	_ =	strace $0x9000004C  }
0xb3: {  	s29 =	simm.s32 $0x9;
	_ =	strace $0x8000004E  }
0xb4: {  	_ =	swait.ge [sflag:s29], $0x1  }
0xb5: {  	[sflag:s29] =	ssyncadd.s32 $0xFFFFFFFF  }
0xb6: {  	_ =	strace $0x9000004E  }
0xb7: {  	_ =	sfence  }
0xb8: {  	s30 =	sld [smem:$0x0];
	_ =	sdelay $0x2  }
0xb9: {  	s31 =	sshll.u32 s1, $0xD;
	s1 =	sshrl.u32 s1, $0x2  }
0xba: {  	s3 =	sand.u32 $0x4000, s31;
	s1 =	sadd.s32 s1, s30  }
0xbb: {  	s0 =	sor.u32 s3, s0;
	s1 =	sshll.u32 s1, $0x11  }
0xbc: {  	s0 =	sor.u32 s1, s0  }
0xbd: {  	s0 =	sadd.s32 $0x8F2B, s0  }
0xbe: {  	[sflag:s0] =	ssyncadd.remote.s32 $0x1  }
0xbf: {  	_ =	sfence.sel $0xFFFF  }
0xc0: {  	[dreg:$0x0] =	wrdreg $0xFFFFFFFF;
	(pc) =	sbr.abs _section_cstart, $3  }
0xc1: {  	[dreg:$0x1] =	wrdreg $0xFFFFFFFF  }
0xc2: {  	_ =	task.clear_ibuf [dreg:s7], $0x2FFFF;
	_ =	strace $0x9FFFFFFF  }
0xc3: {  	(tm) =	ssettm $0x7FFFFFFF  }
tec
execute0_lowered:
.L_overlay_start_1:
0x0: {  	(tag) =	ssettag $0x1  }
0x1: {  	s0 =	rddreg [dreg:$0x0]  }
0x2: {  	s1 =	srdreg.scid;
	s3 =	rddreg [dreg:$0x2]  }
0x3: {  	s10 =	stileid.u32;
	s4 =	simm.s32 $0x0;
	s18 =	simm.s32 $0x180  }
0x4: {  	s28 =	simm.s32 $0x3;
	s29 =	simm.s32 $0x6B00;
	s31 =	simm.s32 $0x7  }
0x5: {  	s12 =	simm.s32 $0x280;
	s13 =	simm.s32 $0xA;
	s14 =	simm.s32 $0xB  }
0x6: {  	s15 =	simm.s32 $0xC;
	s16 =	simm.s32 $0x0;
	s1 =	sand.u32 $0x1, s1  }
0x7: {  	s5 =	smul.u32 $0x14000, s10;
	[smem:$0x7FF] =	sst s4;
	s7 =	sadd.s32 $0x2A00, s0  }
0x8: {  	s2 =	smul.u32 $0x140000, s1;
	s6 =	sshll.u32 s1, $0x4;
	s1 =	ssub.s32 $0x2, s1  }
0x9: {  	_ =	strace $0x8000004D;
	s6 =	sor.u32 s10, s6;
	s19 =	sshrl.u32 s1, $0x1  }
0xa: {  	s10 =	smul.u32 $0x50000, s10;
	s2 =	sadd.s32 s5, s2;
	s5 =	sadd.s32 $0x6CA00, s0  }
0xb: {  	s6 =	smul.u32 $0x3400, s6;
	s1 =	ssub.s32 s1, s19;
	s19 =	simm.s32 $0xD  }
0xc: {  	s2 =	sshrl.u32 s2, $0x3;
	s25 =	sshrl.u32 s10, $0x2;
	s30 =	smax.u32 s1, $0x1  }
0xd: {  	s1 =	simm.s32 $0x5;
	s10 =	simm.s32 $0x9;
	s0 =	sadd.s32 s2, s0  }
0xe: {  	s9 =	sshrl.u32 s6, $0x3;
	s2 =	sadd.s32 s25, s3;
	[dreg:$0xc] =	wrdreg s30  }
0xf: {  	s8 =	sadd.s32 $0x68000, s6;
	s11 =	sadd.s32 s7, s9;
	[dreg:$0xa] =	wrdreg s2  }
0x10: {  	s20 =	sshrl.u32 s8, $0x3;
	s0 =	sadd.s32 $0x93C00, s0;
	[dreg:$0x4] =	wrdreg s11  }
0x11: {  	s25 =	simm.s32 $0x2;
	s21 =	sadd.s32 s7, s20;
	[dreg:$0xb] =	wrdreg s0  }
0x12: {  	s2 =	simm.s32 $0x8;
	s22 =	sadd.s32 $0x10, s11;
	[dreg:$0x5] =	wrdreg s21  }
.Ltmp0:
0x13: {  	s23 =	sadd.s32 $0xD010, s11;
	[dreg:$0x6] =	wrdreg s22;
	(pc) =	sbr.rel .LBB2_1-.Ltmp0, $4  }
0x14: {  	s24 =	sadd.s32 $0x20, s11;
	s26 =	sadd.s32 $0xD020, s11;
	[dreg:$0x7] =	wrdreg s23  }
0x15: {  	s20 =	simm.s32 $0x200;
	s0 =	simm.s32 $0x4;
	[dreg:$0x8] =	wrdreg s24  }
0x16: {  	s11 =	simm.s32 $0x6;
	[dreg:$0x9] =	wrdreg s26;
	s22 =	simm.s32 $0x1  }
0x17: {  	s23 =	simm.s32 $0x64;
	s24 =	simm.s32 $0x300;
	s26 =	simm.s32 $0x3700  }
.LBB2_4:
0x18: {  	_ =	swait.ge [sflag:s15], $0x3200  }
0x19: {  	[sflag:s15] =	ssyncset.done $0x0  }
0x1a: {  	[sflag:s15] =	ssyncadd.s32 $0xFFFFCE00  }
0x1b: {  	_ =	swait.ge [sflag:s31], $0x3200  }
0x1c: {  	[sflag:s31] =	ssyncset.done $0x0  }
0x1d: {  	[sflag:s31] =	ssyncadd.s32 $0xFFFFCE00  }
0x1e: {  	_ =	swait.ge [sflag:s0], $0x80  }
0x1f: {  	[sflag:s0] =	ssyncset.done $0x0  }
0x20: {  	[sflag:s0] =	ssyncadd.s32 $0xFFFFFF80  }
0x21: {  	[spmem:s3] =	stream.indirect.scatter.add.f32 [tilespmem:s24], [sflag:$0xA], $0x80, s18, s23, $0xb8;
	[tilespmem:$0x1DF00] =	vst v63  }
0x22: {  	_ =	swait.ge [sflag:s13], $0x3200  }
0x23: {  	[sflag:s13] =	ssyncset.done $0x0  }
0x24: {  	[sflag:s13] =	ssyncadd.s32 $0xFFFFCE00  }
0x25: {  	[bflag:$0x0] =	sbarrier.arrive $0xFFFF  }
0x26: {  	s9 =	rddreg [dreg:$0xb]  }
0x27: {  	s16 =	rddreg [dreg:$0xe]  }
0x28: {  	s19 =	simm.s32 $0xD;
	s17 =	rddreg [dreg:$0xf]  }
0x29: {  	[hbm:s9], [sflag:s16] =	dma.local [spmem:s17], $0x2800  }
0x2a: {  	_ =	swait.ge [sflag:s19], $0x2800  }
0x2b: {  	s21 =	rddreg [dreg:$0xd]  }
0x2c: {  	s30 =	rddreg [dreg:$0xc];
	s16 =	sadd.s32 $0x1, s21  }
0x2d: {  	p0 =	sne.s32 s16, s30  }
.Ltmp1:
0x2e: {  	_ = 	snop;
	(pc) =	sbr.rel @!p0 .LBB2_5-.Ltmp1, $3  }
0x2f: {  	_ =	sdelay $0x1  }
0x30: {  	[sflag:s19] =	ssyncset.done $0x0  }
0x31: {  	[sflag:s19] =	ssyncadd.s32 $0xFFFFD800  }
.LBB2_1:
0x32: {  	[dreg:$0xd] =	wrdreg s16  }
0x33: {  	s9 =	rddreg [dreg:$0x4]  }
0x34: {  	[tilespmem:s4], [sflag:$0x1] =	stream.linear.gather [hbm4b:s9+s4], $0x80, $0x38;
	[tilespmem:$0x1DF00] =	vst v63  }
0x35: {  	s17 =	rddreg [dreg:$0x5]  }
0x36: {  	[tilespmem:s18], [sflag:$0x4] =	stream.linear.gather [hbm4b:s17+s4], $0x80, $0x38;
	[tilespmem:$0x1DF00] =	vst v63  }
0x37: {  	s21 =	rddreg [dreg:$0x6];
	s16 =	simm.s32 $0x80  }
0x38: {  	[tilespmem:s16], [sflag:$0x2] =	stream.linear.gather [hbm4b:s21+s4], $0x80, $0x38;
	[tilespmem:$0x1DF00] =	vst v63  }
0x39: {  	s17 =	rddreg [dreg:$0x7]  }
0x3a: {  	[tilespmem:s20], [sflag:$0x5] =	stream.linear.gather [hbm4b:s17+s4], $0x80, $0x38;
	[tilespmem:$0x1DF00] =	vst v63  }
0x3b: {  	s21 =	rddreg [dreg:$0x8];
	s17 =	simm.s32 $0x100  }
0x3c: {  	[tilespmem:s17], [sflag:$0x3] =	stream.linear.gather [hbm4b:s21+s4], $0x80, $0x38;
	[tilespmem:$0x1DF00] =	vst v63  }
0x3d: {  	s21 =	rddreg [dreg:$0x9]  }
0x3e: {  	[tilespmem:s12], [sflag:$0x6] =	stream.linear.gather [hbm4b:s21+s4], $0x80, $0x38;
	[tilespmem:$0x1DF00] =	vst v63  }
0x3f: {  	_ =	swait.ge [sflag:s22], $0x80  }
0x40: {  	[sflag:s22] =	ssyncset.done $0x0  }
0x41: {  	[sflag:s22] =	ssyncadd.s32 $0xFFFFFF80  }
0x42: {  	[tilespmem:s24], [sflag:$0x7] =	stream.indirect.gather [hbm4b:s5+s23], $0x80, s4, s23, $0xb8;
	[tilespmem:$0x1DF00] =	vst v63  }
0x43: {  	_ =	swait.ge [sflag:s25], $0x80  }
0x44: {  	[sflag:s25] =	ssyncset.done $0x0  }
0x45: {  	[sflag:s25] =	ssyncadd.s32 $0xFFFFFF80  }
0x46: {  	[tilespmem:s26], [sflag:$0x8] =	stream.indirect.gather [hbm4b:s5+s23], $0x80, s16, s23, $0xb8;
	[tilespmem:$0x1DF00] =	vst v63  }
0x47: {  	_ =	swait.ge [sflag:s28], $0x80  }
0x48: {  	s16 =	stileid.u32;
	[sflag:s28] =	ssyncset.done $0x0  }
0x49: {  	s9 =	sshll.u32 s16, $0x6;
	s21 =	rddreg [dreg:$0xa];
	[sflag:s28] =	ssyncadd.s32 $0xFFFFFF80  }
0x4a: {  	[tilespmem:s29], [sflag:$0x9] =	stream.indirect.gather [hbm4b:s5+s23], $0x80, s17, s23, $0xb8;
	[tilespmem:$0x1DF00] =	vst v63  }
0x4b: {  	s17 =	sor.u32 $0x1C0D, s9;
	s9 =	sshrl.u32 s21, $0x3;
	s21 =	rddreg [dreg:$0x1]  }
0x4c: {  	[dreg:$0xe] =	wrdreg s17  }
0x4d: {  	[dreg:$0xf] =	wrdreg s9  }
0x4e: {  	[spmem:s9], [sflag:s17] =	dma.local [hbm:s21], $0x2800  }
0x4f: {  	_ =	swait.ge [sflag:s19], $0x2800  }
0x50: {  	[sflag:s19] =	ssyncset.done $0x0  }
0x51: {  	[sflag:s19] =	ssyncadd.s32 $0xFFFFD800  }
0x52: {  	s30 =	simm.s32 $0x280;
	[bflag:$0x0] =	sbarrier.arrive $0xFFFF  }
.LBB2_2:
0x53: {  	_ =	swait.ge [sflag:s31], $0x3200  }
0x54: {  	s17 =	sadd.s32 $0xFFFFFF00, s30;
	[sflag:s31] =	ssyncset.done $0x0  }
0x55: {  	s9 =	sand.u32 $0xFC00, s17;
	[sflag:s31] =	ssyncadd.s32 $0xFFFFCE00  }
0x56: {  	s17 =	sand.u32 $0x380, s17;
	s16 =	sadd.s32 s6, s9;
	_ =	swait.ge [sflag:s0], $0x80  }
0x57: {  	s16 =	sor.u32 s17, s16;
	[sflag:s0] =	ssyncset.done $0x0  }
0x58: {  	s16 =	sshrl.u32 s16, $0x3;
	[sflag:s0] =	ssyncadd.s32 $0xFFFFFF80  }
0x59: {  	[spmem:s3] =	stream.indirect.scatter.add.f32 [tilespmem:s24], [sflag:$0xA], $0x80, s18, s23, $0xb8;
	[tilespmem:$0x1DF00] =	vst v63  }
0x5a: {  	s16 =	sadd.s32 s7, s16  }
0x5b: {  	[tilespmem:s4], [sflag:$0x1] =	stream.linear.gather [hbm4b:s16+s4], $0x80, $0x38;
	[tilespmem:$0x1DF00] =	vst v63  }
0x5c: {  	p0 =	seq.s32 s30, $0x3280;
	_ =	swait.ge [sflag:s2], $0x3200  }
0x5d: {  	s16 =	sadd.s32 @!p0 $0xFFFFFF80, s30;
	[sflag:s2] =	ssyncset.done $0x0  }
0x5e: {  	s19 =	sand.u32 @!p0 $0xFC00, s16;
	[sflag:s2] =	ssyncadd.s32 $0xFFFFCE00  }
0x5f: {  	s16 =	sand.u32 @!p0 $0x380, s16;
	s19 =	sadd.s32 @!p0 s6, s19;
	_ =	swait.ge [sflag:s1], $0x80  }
0x60: {  	s16 =	sor.u32 @!p0 s16, s19;
	[sflag:s1] =	ssyncset.done $0x0  }
0x61: {  	s16 =	sshrl.u32 @!p0 s16, $0x3;
	[sflag:s1] =	ssyncadd.s32 $0xFFFFFF80  }
0x62: {  	[spmem:s3] =	stream.indirect.scatter.add.f32 [tilespmem:s26], [sflag:$0xB], $0x80, s20, s23, $0xb8;
	[tilespmem:$0x1DF00] =	vst v63  }
0x63: {  	s21 =	simm.s32 @!p0 $0x80;
	s19 =	simm.s32 @!p0 $0x0;
	s16 =	sadd.s32 @!p0 s7, s16  }
0x64: {  	[tilespmem:s21], [sflag:$0x2] =	stream.linear.gather @!p0 [hbm4b:s16+s19], $0x80, $0x38;
	[tilespmem:$0x1DF00] =	vst v63  }
0x65: {  	_ =	swait.ge [sflag:s10], $0x3200  }
0x66: {  	[sflag:s10] =	ssyncset.done $0x0  }
0x67: {  	s16 =	sand.u32 @!p0 $0xFC00, s30;
	[sflag:s10] =	ssyncadd.s32 $0xFFFFCE00  }
0x68: {  	s21 =	sand.u32 @!p0 $0x380, s30;
	s16 =	sadd.s32 @!p0 s6, s16;
	_ =	swait.ge [sflag:s11], $0x80  }
0x69: {  	s16 =	sor.u32 @!p0 s21, s16;
	[sflag:s11] =	ssyncset.done $0x0  }
0x6a: {  	s16 =	sshrl.u32 @!p0 s16, $0x3;
	[sflag:s11] =	ssyncadd.s32 $0xFFFFFF80  }
0x6b: {  	[spmem:s3] =	stream.indirect.scatter.add.f32 [tilespmem:s29], [sflag:$0xC], $0x80, s12, s23, $0xb8;
	[tilespmem:$0x1DF00] =	vst v63  }
0x6c: {  	s9 =	sadd.s32 s8, s9;
	s21 =	simm.s32 @!p0 $0x100;
	s16 =	sadd.s32 @!p0 s7, s16  }
0x6d: {  	[tilespmem:s21], [sflag:$0x3] =	stream.linear.gather @!p0 [hbm4b:s16+s19], $0x80, $0x38;
	[tilespmem:$0x1DF00] =	vst v63  }
0x6e: {  	s9 =	sor.u32 s17, s9;
	_ =	swait.ge [sflag:s13], $0x3200  }
0x6f: {  	s9 =	sshrl.u32 s9, $0x3;
	[sflag:s13] =	ssyncset.done $0x0  }
0x70: {  	s9 =	sadd.s32 s7, s9;
	[sflag:s13] =	ssyncadd.s32 $0xFFFFCE00  }
0x71: {  	[tilespmem:s18], [sflag:$0x4] =	stream.linear.gather [hbm4b:s9+s4], $0x80, $0x38;
	[tilespmem:$0x1DF00] =	vst v63  }
0x72: {  	_ =	swait.ge [sflag:s22], $0x80  }
0x73: {  	[sflag:s22] =	ssyncset.done $0x0  }
.Ltmp2:
0x74: {  	[sflag:s22] =	ssyncadd.s32 $0xFFFFFF80;
	(pc) =	sbr.rel @p0 .LBB2_4-.Ltmp2, $4  }
0x75: {  	[tilespmem:s24], [sflag:$0x7] =	stream.indirect.gather [hbm4b:s5+s23], $0x80, s4, s23, $0xb8;
	[tilespmem:$0x1DF00] =	vst v63  }
0x76: {  	_ =	swait.ge [sflag:s14], $0x3200  }
0x77: {  	[sflag:s14] =	ssyncset.done $0x0  }
0x78: {  	[sflag:s14] =	ssyncadd.s32 $0xFFFFCE00  }
0x79: {  	s9 =	sadd.s32 $0xFFFFFF80, s30  }
0x7a: {  	s16 =	sand.u32 $0xFC00, s9  }
0x7b: {  	s9 =	sand.u32 $0x380, s9;
	s16 =	sadd.s32 s8, s16  }
0x7c: {  	s9 =	sor.u32 s9, s16  }
0x7d: {  	s9 =	sshrl.u32 s9, $0x3  }
0x7e: {  	s9 =	sadd.s32 s7, s9  }
0x7f: {  	[tilespmem:s20], [sflag:$0x5] =	stream.linear.gather [hbm4b:s9+s4], $0x80, $0x38;
	[tilespmem:$0x1DF00] =	vst v63  }
0x80: {  	_ =	swait.ge [sflag:s25], $0x80  }
0x81: {  	s17 =	sand.u32 $0xFC00, s30;
	s19 =	sand.u32 $0x380, s30;
	[sflag:s25] =	ssyncset.done $0x0  }
0x82: {  	s16 =	simm.s32 $0x80;
	s9 =	sadd.s32 s8, s17;
	[sflag:s25] =	ssyncadd.s32 $0xFFFFFF80  }
0x83: {  	[tilespmem:s26], [sflag:$0x8] =	stream.indirect.gather [hbm4b:s5+s23], $0x80, s16, s23, $0xb8;
	[tilespmem:$0x1DF00] =	vst v63  }
0x84: {  	s9 =	sor.u32 s19, s9;
	_ =	swait.ge [sflag:s15], $0x3200  }
0x85: {  	s9 =	sshrl.u32 s9, $0x3;
	[sflag:s15] =	ssyncset.done $0x0  }
0x86: {  	s9 =	sadd.s32 s7, s9;
	[sflag:s15] =	ssyncadd.s32 $0xFFFFCE00  }
0x87: {  	[tilespmem:s12], [sflag:$0x6] =	stream.linear.gather [hbm4b:s9+s4], $0x80, $0x38;
	[tilespmem:$0x1DF00] =	vst v63  }
.Ltmp3:
0x88: {  	_ = 	snop;
	(pc) =	sbr.rel .LBB2_2-.Ltmp3, $4  }
0x89: {  	_ =	swait.ge [sflag:s28], $0x80  }
0x8a: {  	[sflag:s28] =	ssyncset.done $0x0  }
0x8b: {  	s21 =	simm.s32 $0x100;
	s30 =	sadd.s32 $0x180, s30;
	[sflag:s28] =	ssyncadd.s32 $0xFFFFFF80  }
0x8c: {  	[tilespmem:s29], [sflag:$0x9] =	stream.indirect.gather [hbm4b:s5+s23], $0x80, s21, s23, $0xb8;
	[tilespmem:$0x1DF00] =	vst v63  }
.LBB2_5:
0x8d: {  	_ =	sfence.sel $0x180000  }
0x8e: {  	[bflag:$0x0] =	sbarrier.arrive $0xFFFF  }
0x8f: {  	_ =	strace $0x9000004D  }
0x90: {  	s0 =	stileid.u32;
	[bflag:$0x2] =	sbarrier.arrive $0xFFFF  }
0x91: {  	p0 =	sne.s32 s0, $0x0;
	s0 =	rddreg [dreg:$0x3]  }
0x92: {  	s0 =	sadd.s32 @!p0 $0x100000, s0  }
0x93: {  	[sflag:s0] =	ssyncadd.tile.s32 @!p0 $0x1;
	_ =	shalt  }
.Lfunc_end2:
_tile_overlayer_lowered:
.L_overlay_start_2:
0x94: {  	(tag) =	ssettag $0x2  }
0x95: {  	s0 =	rddreg [dreg:$0x0];
	s2 =	stileid.u32  }
0x96: {  	s1 =	rddreg [dreg:$0x1];
	p0 =	sne.s32 s2, $0x0  }
0x97: {  	s3 =	rddreg [dreg:$0x2];
	[bflag:$0x3] =	sbarrier.arrive $0xFFFF;
	s2 =	simm.s32 @!p0 $0x1C0D  }
0x98: {  	[timem:s3], [sflag:s2] =	dma.local @!p0 [hbm:s0], s1  }
0x99: {  	s0 =	simm.s32 @!p0 $0xD  }
0x9a: {  	_ =	swait.ge @!p0 [sflag:s0], s1  }
0x9b: {  	s1 =	ssub.s32 @!p0 $0x0, s1;
	[sflag:s0] =	ssyncset.done @!p0 $0x0  }
0x9c: {  	[sflag:s0] =	ssyncadd.s32 @!p0 s1  }
0x9d: {  	[bflag:$0x3] =	sbarrier.arrive $0xFFFF  }
0x9e: {  	_ =	shalt  }

// kernel: kernel.9.cloned.1.call-start
scs
__scs_entry_jumppad:
0x0: {  	(pc) =	sbr.rel $0x88, $3  }
0x1: {  	(tag) =	ssettag $0x0;
	lr =	simm.s32 $0x1  }
0x2: {  	[smem:$0x3F9B] =	sst lr;
	_ =	strace $0xD0000000  }
0x3: {  	_ = 	snop  }
0x4: {  	_ = 	snop  }
0x5: {  	_ = 	snop  }
0x6: {  	_ = 	snop  }
0x7: {  	_ = 	snop  }
__scs_overlays_trampoline_lowered:
0x8: {  	[smem:$0x3FAA] =	sst s0  }
0x9: {  	[smem:$0x3FAB] =	sst s1  }
0xa: {  	[smem:$0x3FAC] =	sst s2  }
0xb: {  	[smem:$0x3FAD] =	sst s3  }
0xc: {  	[smem:$0x3FAE] =	sst s4  }
0xd: {  	[smem:$0x3FAF] =	sst s5  }
0xe: {  	[smem:$0x3FB0] =	sst s6  }
0xf: {  	[smem:$0x3FB1] =	sst s7  }
0x10: {  	[smem:$0x3FB2] =	sst s8  }
0x11: {  	[smem:$0x3FB3] =	sst s9;
	s0 =	simm.s32 @!p0 $0x0  }
0x12: {  	s1 =	sld [smem:$0x3F99];
	s0 =	simm.s32 @p0 $0x1  }
0x13: {  	[smem:$0x3FB4] =	sst s0;
	s0 =	simm.s32 @!p1 $0x0  }
0x14: {  	s2 =	sld [smem:$0x3F98];
	s0 =	simm.s32 @p1 $0x1  }
0x15: {  	[smem:$0x3FB5] =	sst s0;
	s0 =	simm.s32 @!p2 $0x0  }
0x16: {  	s3 =	sld [smem:$0x3FDB];
	s0 =	simm.s32 @p2 $0x1  }
0x17: {  	s4 =	simm.s32 $0x1BF5;
	[smem:$0x3FB7] =	sst s0  }
0x18: {  	s0 =	sld [smem:$0x3F9A];
	_ =	swait.ge [sflag:s4], $0x0  }
0x19: {  	s7 =	sld [smem:$0x3F9B]  }
0x1a: {  	s8 =	sadd.s32 $0xFFFFE003, lr  }
0x1b: {  	s9 =	sadd.s32 $0xFFFFFEF7, lr;
	s5 =	simm.s32 $0xFFFFFFFF;
	p2 =	slt.u32 s8, $0xFFFFF086  }
0x1c: {  	p1 =	slt.u32 s9, $0xF7A;
	s5 =	simm.s32 @!p2 $0x0  }
0x1d: {  	s5 =	simm.s32 @p1 $0x1;
	p0 =	seq.s32 s7, s2  }
0x1e: {  	s7 =	smul.u32 @!p0 $0xF7A, s2;
	p2 =	seq.s32 @!p0 s5, $0x0  }
0x1f: {  	s9 =	smul.u32 $0xF7A, s1;
	s8 =	simm.s32 @!p0 $0x1BF5;
	p2 =	por !p2, p0  }
0x20: {  	[sflag:s8] =	ssyncset.s32 @!p0 $0xFFFFF086;
	s6 =	sadd.s32 @!p0 s3, s7;
	s7 =	simm.s32 @!p0 $0x108  }
0x21: {  	s3 =	sadd.s32 s3, s9;
	s6 =	sadd.s32 @!p0 $0x88, s6;
	s7 =	simm.s32 @p2 $0x1082  }
0x22: {  	[simem:s7], [sflag:s8] =	dma.local @!p0 [hbm:s6], $0xF7A  }
0x23: {  	s9 =	sor.u32 $0xD0000000, s2;
	s6 =	simm.s32 $0x108;
	_ =	swait.ge @!p0 [sflag:s8], $0x0  }
0x24: {  	s3 =	sadd.s32 $0x88, s3;
	s6 =	simm.s32 @!p1 $0x1082;
	[sflag:s4] =	ssyncset.s32 $0xFFFFF086  }
0x25: {  	[simem:s6], [sflag:s4] =	dma.local [hbm:s3], $0xF7A  }
0x26: {  	[smem:$0x3F9B] =	sst s1;
	(tag) =	ssettag s2;
	_ =	strace s9  }
0x27: {  	s1 =	sld [smem:$0x3FAB]  }
0x28: {  	s2 =	sld [smem:$0x3FAC]  }
0x29: {  	s4 =	sld [smem:$0x3FAE]  }
0x2a: {  	p0 =	seq.s32 s5, $0x0;
	s5 =	sld [smem:$0x3FAF]  }
0x2b: {  	s6 =	sld [smem:$0x3FB0]  }
0x2c: {  	s7 =	sld [smem:$0x3FB1]  }
0x2d: {  	s3 =	simm.s32 $0x108;
	s8 =	sld [smem:$0x3FB2]  }
0x2e: {  	s3 =	simm.s32 @!p0 $0x1082;
	s9 =	sld [smem:$0x3FB3]  }
0x2f: {  	lr =	sadd.s32 s0, s3;
	s0 =	sld [smem:$0x3FAA]  }
0x30: {  	s3 =	sld [smem:$0x3FAD]  }
0x31: {  	[smem:$0x3FB6] =	sst s10  }
0x32: {  	s10 =	sld [smem:$0x3FB4];
	_ =	sdelay $0x3  }
0x33: {  	p0 =	seq.s32 s10, $0x1;
	s10 =	sld [smem:$0x3FB6];
	_ =	sdelay $0x3  }
0x34: {  	[smem:$0x3FB6] =	sst s10  }
0x35: {  	s10 =	sld [smem:$0x3FB5];
	_ =	sdelay $0x3  }
0x36: {  	p1 =	seq.s32 s10, $0x1;
	s10 =	sld [smem:$0x3FB6];
	_ =	sdelay $0x3  }
0x37: {  	[smem:$0x3FB6] =	sst s10  }
0x38: {  	s10 =	sld [smem:$0x3FB7]  }
0x39: {  	_ = 	snop;
	(pc) =	sbr.ind lr, $3  }
0x3a: {  	_ = 	snop  }
0x3b: {  	_ = 	snop  }
0x3c: {  	p2 =	seq.s32 s10, $0x1;
	s10 =	sld [smem:$0x3FB6]  }
0x3d: {  	_ =	shalt  }
0x3e: {  	_ =	shalt  }
0x3f: {  	_ =	shalt  }
0x40: {  	_ =	shalt  }
0x41: {  	_ =	shalt  }
0x42: {  	_ =	shalt  }
0x43: {  	_ =	shalt  }
0x44: {  	_ =	shalt  }
0x45: {  	_ =	shalt  }
0x46: {  	_ =	shalt  }
0x47: {  	_ =	shalt  }
0x48: {  	_ =	shalt  }
0x49: {  	_ =	shalt  }
0x4a: {  	_ =	shalt  }
0x4b: {  	_ =	shalt  }
0x4c: {  	_ =	shalt  }
0x4d: {  	_ =	shalt  }
0x4e: {  	_ =	shalt  }
0x4f: {  	_ =	shalt  }
0x50: {  	_ =	shalt  }
0x51: {  	_ =	shalt  }
0x52: {  	_ =	shalt  }
0x53: {  	_ =	shalt  }
0x54: {  	_ =	shalt  }
0x55: {  	_ =	shalt  }
0x56: {  	_ =	shalt  }
0x57: {  	_ =	shalt  }
0x58: {  	_ =	shalt  }
0x59: {  	_ =	shalt  }
0x5a: {  	_ =	shalt  }
0x5b: {  	_ =	shalt  }
0x5c: {  	_ =	shalt  }
0x5d: {  	_ =	shalt  }
0x5e: {  	_ =	shalt  }
0x5f: {  	_ =	shalt  }
0x60: {  	_ =	shalt  }
0x61: {  	_ =	shalt  }
0x62: {  	_ =	shalt  }
0x63: {  	_ =	shalt  }
0x64: {  	_ =	shalt  }
0x65: {  	_ =	shalt  }
0x66: {  	_ =	shalt  }
0x67: {  	_ =	shalt  }
0x68: {  	_ =	shalt  }
0x69: {  	_ =	shalt  }
0x6a: {  	_ =	shalt  }
0x6b: {  	_ =	shalt  }
0x6c: {  	_ =	shalt  }
0x6d: {  	_ =	shalt  }
0x6e: {  	_ =	shalt  }
0x6f: {  	_ =	shalt  }
0x70: {  	_ =	shalt  }
0x71: {  	_ =	shalt  }
0x72: {  	_ =	shalt  }
0x73: {  	_ =	shalt  }
0x74: {  	_ =	shalt  }
0x75: {  	_ =	shalt  }
0x76: {  	_ =	shalt  }
0x77: {  	_ =	shalt  }
0x78: {  	_ =	shalt  }
0x79: {  	_ =	shalt  }
0x7a: {  	_ =	shalt  }
0x7b: {  	_ =	shalt  }
0x7c: {  	_ =	shalt  }
0x7d: {  	_ =	shalt  }
0x7e: {  	_ =	shalt  }
0x7f: {  	_ =	shalt  }
0x80: {  	_ =	shalt  }
0x81: {  	_ =	shalt  }
0x82: {  	_ =	shalt  }
0x83: {  	_ =	shalt  }
0x84: {  	_ =	shalt  }
0x85: {  	_ =	shalt  }
0x86: {  	_ =	shalt  }
0x87: {  	_ =	shalt  }
.Lfunc_end0:
.L_simem_size_0:
called_computation_lowered:
.L_overlay_start_0:
0x88: {  	s2 =	sld [smem:$0x3FD9]  }
0x89: {  	s3 =	sld [smem:$0x3FFE];
	_ =	sdelay $0x1  }
0x8a: {  	s1 =	srdreg.scid  }
0x8b: {  	s0 =	sand.u32 $0x1, s1  }
0x8c: {  	s17 =	sshll.u32 s0, $0xA;
	s2 =	sadd.s32 s3, s2  }
0x8d: {  	s2 =	sadd.s32 s2, s17  }
0x8e: {  	[smem:$0x3FC2] =	sst s2  }
0x8f: {  	_ = 	snop  }
0x90: {  	s2 =	sld [smem:$0x3FD0];
	(tm) =	ssettm $0x1  }
0x91: {  	s18 =	sld [smem:$0x3FFB];
	_ =	sdelay $0x3  }
0x92: {  	_ =	strace s18  }
0x93: {  	s3 =	sld [smem:$0x3FFC];
	_ =	sdelay $0x3  }
0x94: {  	_ =	strace s3  }
0x95: {  	s3 =	sld [smem:$0x3FFD];
	_ =	sdelay $0x3  }
0x96: {  	_ =	strace s3  }
0x97: {  	_ =	strace $0x8FFFFFFF  }
0x98: {  	s19 =	sld [smem:$0x3FDB];
	_ =	sdelay $0x1  }
0x99: {  	s4 =	simm.s32 $_scs_section_size  }
0x9a: {  	s5 =	simm.s32 $_size__tile_overlayer_lowered;
	s6 =	simm.s32 $_tile_overlayer_lowered  }
0x9b: {  	s22 =	simm.s32 $0x1BFF;
	s21 =	sshll.u32 s6, $0x1;
	s3 =	sadd.s32 s4, s19  }
0x9c: {  	s7 =	simm.s32 $0x0;
	s20 =	sshll.u32 s5, $0x1;
	s5 =	sadd.s32 s21, s3  }
0x9d: {  	[timem:s7], [sflag:s22] =	dma.local [hbm:s5], s20  }
0x9e: {  	_ =	swait.ge [sflag:s22], s20  }
0x9f: {  	s4 =	ssub.s32 $0x0, s20;
	[sflag:s22] =	ssyncset.done $0x0  }
0xa0: {  	[sflag:s22] =	ssyncadd.s32 s4;
	_ =	sdelay $0x1  }
0xa1: {  	s23 =	simm.s32 $0x1B8B  }
0xa2: {  	_ =	swait.ge [sflag:s23], $0x1  }
0xa3: {  	[sflag:s23] =	ssyncset.done $0x0  }
0xa4: {  	s25 =	simm.s32 $0x1B8E;
	s24 =	sld [smem:$0x3FFE];
	[sflag:s23] =	ssyncadd.s32 $0xFFFFFFFF  }
0xa5: {  	s26 =	simm.s32 $execute0_lowered;
	[smem:$0x3FD2] =	sst s25  }
0xa6: {  	s5 =	sshll.u32 s26, $0x1;
	_ =	strace $0x80000046;
	[dreg:$0x1] =	wrdreg $0xFFFFFFFF  }
0xa7: {  	s28 =	simm.s32 $_size_execute0_lowered;
	s3 =	sadd.s32 s3, s5;
	[dreg:$0x0] =	wrdreg $0x0  }
0xa8: {  	s5 =	sshll.u32 s28, $0x1;
	[dreg:$0x2] =	wrdreg s3  }
0xa9: {  	[dreg:$0x3] =	wrdreg s5  }
0xaa: {  	[dreg:$0x4] =	wrdreg $0xC0  }
0xab: {  	_ =	task [dreg:s7], $0x5FFFF  }
0xac: {  	[dreg:$0x1] =	wrdreg $0xFFFFFFFF  }
0xad: {  	[dreg:$0x0] =	wrdreg $0x60  }
0xae: {  	[dreg:$0x2] =	wrdreg s24  }
0xaf: {  	[dreg:$0x3] =	wrdreg s2  }
0xb0: {  	[dreg:$0x4] =	wrdreg $0x34800  }
0xb1: {  	[dreg:$0x5] =	wrdreg $0x9  }
0xb2: {  	_ =	task.clear_ibuf [dreg:s7], $0x6FFFF;
	_ =	strace $0x90000046  }
0xb3: {  	s29 =	simm.s32 $0x9;
	_ =	strace $0x80000048  }
0xb4: {  	_ =	swait.ge [sflag:s29], $0x1  }
0xb5: {  	[sflag:s29] =	ssyncadd.s32 $0xFFFFFFFF  }
0xb6: {  	_ =	strace $0x90000048  }
0xb7: {  	_ =	sfence  }
0xb8: {  	s30 =	sld [smem:$0x0];
	_ =	sdelay $0x2  }
0xb9: {  	s31 =	sshll.u32 s1, $0xD;
	s1 =	sshrl.u32 s1, $0x2  }
0xba: {  	s3 =	sand.u32 $0x4000, s31;
	s1 =	sadd.s32 s1, s30  }
0xbb: {  	s0 =	sor.u32 s3, s0;
	s1 =	sshll.u32 s1, $0x11  }
0xbc: {  	s0 =	sor.u32 s1, s0  }
0xbd: {  	s0 =	sadd.s32 $0x8F2B, s0  }
0xbe: {  	[sflag:s0] =	ssyncadd.remote.s32 $0x1  }
0xbf: {  	_ =	sfence.sel $0xFFFF  }
0xc0: {  	[dreg:$0x0] =	wrdreg $0xFFFFFFFF;
	(pc) =	sbr.abs _section_cstart, $3  }
0xc1: {  	[dreg:$0x1] =	wrdreg $0xFFFFFFFF  }
0xc2: {  	_ =	task.clear_ibuf [dreg:s7], $0x2FFFF;
	_ =	strace $0x9FFFFFFF  }
0xc3: {  	(tm) =	ssettm $0x7FFFFFFF  }
tec
execute0_lowered:
.L_overlay_start_1:
0x0: {  	(tag) =	ssettag $0x1  }
0x1: {  	s6 =	rddreg [dreg:$0x0]  }
0x2: {  	s7 =	rddreg [dreg:$0x1]  }
0x3: {  	s1 =	rddreg [dreg:$0x2];
	s2 =	srdreg.scid  }
0x4: {  	s0 =	rddreg [dreg:$0x3];
	s3 =	simm.s32 $0x0;
	s14 =	simm.s32 $0x80  }
0x5: {  	s15 =	simm.s32 $0x100;
	s16 =	simm.s32 $0x180;
	s17 =	simm.s32 $0x1  }
0x6: {  	s18 =	simm.s32 $0x2;
	s19 =	simm.s32 $0x3;
	s20 =	simm.s32 $0x4  }
0x7: {  	s21 =	simm.s32 $0x20;
	s22 =	simm.s32 $0x10;
	s23 =	simm.s32 $0x0  }
0x8: {  	s8 =	sand.u32 $0x1, s2;
	s2 =	stileid.u32;
	[smem:$0x7FF] =	sst s3  }
0x9: {  	s5 =	sadd.s32 $0x1CA00, s6;
	s4 =	sshll.u32 s8, $0x4;
	s11 =	smul.u32 $0xA00, s2  }
0xa: {  	_ =	strace $0x80000047;
	s10 =	ssub.s32 $0x2, s8;
	s13 =	smul.u32 $0x500, s2  }
0xb: {  	s8 =	sshll.u32 s8, $0x7;
	s31 =	sshll.u32 s2, $0x6;
	s4 =	sor.u32 s2, s4  }
0xc: {  	s12 =	sshrl.u32 s10, $0x1;
	s9 =	smul.u32 $0x3400, s4;
	s4 =	sadd.s32 $0x1CC00, s6  }
0xd: {  	s10 =	ssub.s32 s10, s12;
	s29 =	sshrl.u32 s11, $0x2;
	s8 =	sor.u32 s8, s13  }
0xe: {  	s11 =	sor.u32 $0x1C05, s31;
	s13 =	simm.s32 $0x64;
	s8 =	sshrl.u32 s8, $0x3  }
0xf: {  	s30 =	sadd.s32 s29, s1;
	s9 =	sshrl.u32 s9, $0x3;
	s7 =	sadd.s32 s7, s8  }
0x10: {  	s8 =	smax.u32 s10, $0x1;
	s10 =	simm.s32 $0x5;
	s6 =	sadd.s32 s6, s9  }
0x11: {  	s12 =	sshrl.u32 s30, $0x3;
	s9 =	simm.s32 $0x3400;
	s6 =	sadd.s32 $0xFA00, s6  }
.LBB2_1:
0x12: {  	[tilespmem:s9], [sflag:$0x5] =	stream.linear.gather [hbm4b:s4+s3], $0x80, $0x38;
	[tilespmem:$0x3700] =	vst v63  }
0x13: {  	_ =	swait.ge [sflag:s10], $0x80  }
0x14: {  	[sflag:s10] =	ssyncset.done $0x0  }
0x15: {  	[sflag:s10] =	ssyncadd.s32 $0xFFFFFF80  }
0x16: {  	[tilespmem:s3], [sflag:$0x5] =	stream.linear.gather [hbm4b:s6+s3], $0x3200, $0x38;
	[tilespmem:$0x3700] =	vst v63  }
0x17: {  	_ =	swait.ge [sflag:s10], $0x3200  }
0x18: {  	[sflag:s10] =	ssyncset.done $0x0  }
0x19: {  	[sflag:s10] =	ssyncadd.s32 $0xFFFFCE00  }
0x1a: {  	[spmem:s12], [sflag:s11] =	dma.local [hbm:s5], $0x50  }
0x1b: {  	_ =	swait.ge [sflag:s10], $0x50  }
0x1c: {  	[sflag:s10] =	ssyncset.done $0x0  }
0x1d: {  	[sflag:s10] =	ssyncadd.s32 $0xFFFFFFB0  }
0x1e: {  	[bflag:$0x0] =	sbarrier.arrive $0xFFFF  }
0x1f: {  	[spmem:s1] =	stream.indirect.scatter.add.f32 [tilespmem:s9], [sflag:$0x1], $0x1, s3, s13, $0xb8;
	[tilespmem:$0x3700] =	vst v63  }
0x20: {  	_ = 	snop  }
0x21: {  	[spmem:s1] =	stream.indirect.scatter.add.f32 [tilespmem:s9], [sflag:$0x2], $0x1, s14, s13, $0xb8;
	[tilespmem:$0x3700] =	vst v63  }
0x22: {  	_ = 	snop  }
0x23: {  	[spmem:s1] =	stream.indirect.scatter.add.f32 [tilespmem:s9], [sflag:$0x3], $0x1, s15, s13, $0xb8;
	[tilespmem:$0x3700] =	vst v63  }
0x24: {  	_ = 	snop  }
0x25: {  	[spmem:s1] =	stream.indirect.scatter.add.f32 [tilespmem:s9], [sflag:$0x4], $0x1, s16, s13, $0xb8;
	[tilespmem:$0x3700] =	vst v63  }
0x26: {  	_ =	swait.ge [sflag:s17], $0x64  }
0x27: {  	[sflag:s17] =	ssyncset.done $0x0  }
0x28: {  	s24 =	simm.s32 $0x200;
	[sflag:s17] =	ssyncadd.s32 $0xFFFFFF9C  }
0x29: {  	[spmem:s1] =	stream.indirect.scatter.add.f32 [tilespmem:s9], [sflag:$0x1], $0x1, s24, s13, $0xb8;
	[tilespmem:$0x3700] =	vst v63  }
0x2a: {  	_ =	swait.ge [sflag:s18], $0x64  }
0x2b: {  	[sflag:s18] =	ssyncset.done $0x0  }
0x2c: {  	s30 =	simm.s32 $0x280;
	[sflag:s18] =	ssyncadd.s32 $0xFFFFFF9C  }
0x2d: {  	[spmem:s1] =	stream.indirect.scatter.add.f32 [tilespmem:s9], [sflag:$0x2], $0x1, s30, s13, $0xb8;
	[tilespmem:$0x3700] =	vst v63  }
0x2e: {  	_ =	swait.ge [sflag:s19], $0x64  }
0x2f: {  	[sflag:s19] =	ssyncset.done $0x0  }
0x30: {  	s31 =	simm.s32 $0x300;
	[sflag:s19] =	ssyncadd.s32 $0xFFFFFF9C  }
0x31: {  	[spmem:s1] =	stream.indirect.scatter.add.f32 [tilespmem:s9], [sflag:$0x3], $0x1, s31, s13, $0xb8;
	[tilespmem:$0x3700] =	vst v63  }
0x32: {  	_ =	swait.ge [sflag:s20], $0x64  }
0x33: {  	[sflag:s20] =	ssyncset.done $0x0  }
0x34: {  	s25 =	simm.s32 $0x380;
	s24 =	simm.s32 $0xFFFF4800;
	[sflag:s20] =	ssyncadd.s32 $0xFFFFFF9C  }
.LBB2_2:
0x35: {  	[spmem:s1] =	stream.indirect.scatter.add.f32 [tilespmem:s9], [sflag:$0x4], $0x1, s25, s13, $0xb8;
	[tilespmem:$0x3700] =	vst v63  }
0x36: {  	s25 =	smov.u32 s24  }
0x37: {  	p0 =	sne.s32 s24, $0xFFFFF800;
	s24 =	sadd.s32 $0x800, s24;
	_ =	swait.ge [sflag:s17], $0x64  }
0x38: {  	s25 =	sshra.s32 s25, $0x2;
	[sflag:s17] =	ssyncset.done $0x0  }
0x39: {  	s26 =	sadd.s32 $0x3200, s25;
	[sflag:s17] =	ssyncadd.s32 $0xFFFFFF9C  }
0x3a: {  	[spmem:s1] =	stream.indirect.scatter.add.f32 [tilespmem:s9], [sflag:$0x1], $0x1, s26, s13, $0xb8;
	[tilespmem:$0x3700] =	vst v63  }
0x3b: {  	_ =	swait.ge [sflag:s18], $0x64  }
0x3c: {  	[sflag:s18] =	ssyncset.done $0x0  }
0x3d: {  	s26 =	sadd.s32 $0x3280, s25;
	[sflag:s18] =	ssyncadd.s32 $0xFFFFFF9C  }
0x3e: {  	[spmem:s1] =	stream.indirect.scatter.add.f32 [tilespmem:s9], [sflag:$0x2], $0x1, s26, s13, $0xb8;
	[tilespmem:$0x3700] =	vst v63  }
0x3f: {  	_ =	swait.ge [sflag:s19], $0x64  }
0x40: {  	[sflag:s19] =	ssyncset.done $0x0  }
.Ltmp0:
0x41: {  	s26 =	sadd.s32 $0x3300, s25;
	[sflag:s19] =	ssyncadd.s32 $0xFFFFFF9C;
	(pc) =	sbr.rel @p0 .LBB2_2-.Ltmp0, $4  }
0x42: {  	[spmem:s1] =	stream.indirect.scatter.add.f32 [tilespmem:s9], [sflag:$0x3], $0x1, s26, s13, $0xb8;
	[tilespmem:$0x3700] =	vst v63  }
0x43: {  	_ =	swait.ge [sflag:s20], $0x64  }
0x44: {  	[sflag:s20] =	ssyncset.done $0x0  }
0x45: {  	s25 =	sadd.s32 $0x3380, s25;
	[sflag:s20] =	ssyncadd.s32 $0xFFFFFF9C  }
0x46: {  	[spmem:s1] =	stream.indirect.scatter.add.f32 [tilespmem:s9], [sflag:$0x4], $0x1, s25, s13, $0xb8;
	[tilespmem:$0x3700] =	vst v63  }
0x47: {  	_ =	swait.ge [sflag:s17], $0x64  }
0x48: {  	[sflag:s17] =	ssyncset.done $0x0  }
0x49: {  	[sflag:s17] =	ssyncadd.s32 $0xFFFFFF9C  }
0x4a: {  	_ =	swait.ge [sflag:s18], $0x64  }
0x4b: {  	[sflag:s18] =	ssyncset.done $0x0  }
0x4c: {  	[sflag:s18] =	ssyncadd.s32 $0xFFFFFF9C  }
0x4d: {  	_ =	swait.ge [sflag:s19], $0x64  }
0x4e: {  	[sflag:s19] =	ssyncset.done $0x0  }
0x4f: {  	[sflag:s19] =	ssyncadd.s32 $0xFFFFFF9C  }
0x50: {  	_ =	swait.ge [sflag:s20], $0x64  }
0x51: {  	s23 =	sadd.s32 $0x1, s23;
	[sflag:s20] =	ssyncset.done $0x0  }
0x52: {  	p0 =	sne.s32 s23, s8;
	[sflag:s20] =	ssyncadd.s32 $0xFFFFFF9C  }
.Ltmp1:
0x53: {  	[bflag:$0x0] =	sbarrier.arrive $0xFFFF;
	(pc) =	sbr.rel @p0 .LBB2_1-.Ltmp1, $4  }
0x54: {  	[hbm:s7@s21], [sflag:s11] =	dma.strided [spmem:s12@s22], $0x50, s17, $0x10   }
0x55: {  	_ =	swait.ge [sflag:s10], $0x50  }
0x56: {  	[sflag:s10] =	ssyncset.done $0x0  }
0x57: {  	[sflag:s10] =	ssyncadd.s32 $0xFFFFFFB0  }
0x58: {  	_ =	sfence.sel $0x180000  }
0x59: {  	[bflag:$0x0] =	sbarrier.arrive $0xFFFF  }
0x5a: {  	p0 =	sne.s32 s2, $0x0;
	_ =	strace $0x90000047  }
0x5b: {  	s0 =	sadd.s32 @!p0 $0x100000, s0;
	[bflag:$0x2] =	sbarrier.arrive $0xFFFF  }
0x5c: {  	[sflag:s0] =	ssyncadd.tile.s32 @!p0 $0x1;
	_ =	shalt  }
.Lfunc_end2:
_tile_overlayer_lowered:
.L_overlay_start_2:
0x5d: {  	(tag) =	ssettag $0x2  }
0x5e: {  	s0 =	rddreg [dreg:$0x0];
	s2 =	stileid.u32  }
0x5f: {  	s1 =	rddreg [dreg:$0x1];
	p0 =	sne.s32 s2, $0x0  }
0x60: {  	s3 =	rddreg [dreg:$0x2];
	[bflag:$0x3] =	sbarrier.arrive $0xFFFF;
	s2 =	simm.s32 @!p0 $0x1C05  }
0x61: {  	[timem:s3], [sflag:s2] =	dma.local @!p0 [hbm:s0], s1  }
0x62: {  	s0 =	simm.s32 @!p0 $0x5  }
0x63: {  	_ =	swait.ge @!p0 [sflag:s0], s1  }
0x64: {  	s1 =	ssub.s32 @!p0 $0x0, s1;
	[sflag:s0] =	ssyncset.done @!p0 $0x0  }
0x65: {  	[sflag:s0] =	ssyncadd.s32 @!p0 s1  }
0x66: {  	[bflag:$0x3] =	sbarrier.arrive $0xFFFF  }
0x67: {  	_ =	shalt  }

</sc_bundles>
